<compile_context>
chip_gen: v7x
topology: tpu7x:2x2x1
jax: 0.10.2.dev20260603
libtpu: 0.0.44.dev20260713+nightly
codegen_flags: <defaults>
</compile_context>

<pallas_src>
import functools

import jax
import jax.numpy as jnp
from jax import lax
from jax.experimental import pallas as pl
from jax.experimental.pallas import tpu as pltpu
from jax.experimental.pallas import tpu_sc as plsc

N = 10000
E = 320000
D = 128
NS = 16
NC = 2
CH = 160
EPT = CH * 128
E_PAD = NS * EPT
ROWS = E_PAD // 128
ACC_N = 10240
WB = ACC_N // NS


K = 16
NK = CH // K


def _sc_body(src4_hbm, dst_hbm, t_hbm, out_hbm,
             srcv, dstv, r0, r1, zbuf, acc, gs0, gs1, ss0, ss1):
    c = lax.axis_index("c")
    s = lax.axis_index("s")
    rbuf = (r0, r1)
    gsem = (gs0, gs1)
    ssem = (ss0, ss1)

    def zrow(i, carry):
        for jj in range(8):
            zbuf[i, pl.ds(jj * 16, 16)] = jnp.zeros((16,), jnp.float32)
        return carry
    lax.fori_loop(0, 64, zrow, 0)

    for p in range(2):
        a = 2 * p + c

        for q in range(WB // 64):
            pltpu.sync_copy(zbuf, acc.at[pl.ds(s * WB + q * 64, 64), :])
        plsc.subcore_barrier()

        def outer(kk, carry):
            pltpu.sync_copy(
                src4_hbm.at[pl.ds(a * ROWS + s * CH + kk * K, K)], srcv)
            pltpu.sync_copy(dst_hbm.at[pl.ds(s * CH + kk * K, K)], dstv)

            g = [None, None]
            sc = [None, None]
            g[0] = pltpu.make_async_copy(t_hbm.at[srcv.at[0]], r0, gs0)
            g[0].start()
            for j in range(K):
                b = j & 1
                g[b].wait()
                if j + 1 < K:
                    if j >= 1:
                        sc[1 - b].wait()
                    g[1 - b] = pltpu.make_async_copy(
                        t_hbm.at[srcv.at[j + 1]], rbuf[1 - b], gsem[1 - b])
                    g[1 - b].start()
                sc[b] = pltpu.async_copy(
                    rbuf[b], acc.at[dstv.at[j]], ssem[b], add=True)
            sc[0].wait()
            sc[1].wait()
            return carry
        lax.fori_loop(0, NK, outer, 0)
        plsc.subcore_barrier()

        pltpu.sync_copy(acc.at[pl.ds(s * WB, WB), :],
                        out_hbm.at[pl.ds(a * ACC_N + s * WB, WB), :])
        plsc.subcore_barrier()


_sc_call = pl.kernel(
    _sc_body,
    out_type=jax.ShapeDtypeStruct((4 * ACC_N, D), jnp.float32),
    mesh=plsc.VectorSubcoreMesh(core_axis_name="c", subcore_axis_name="s"),
    scratch_types=[
        pltpu.VMEM((K, 128), jnp.int32),
        pltpu.VMEM((K, 128), jnp.int32),
        pltpu.VMEM((128, D), jnp.float32),
        pltpu.VMEM((128, D), jnp.float32),
        pltpu.VMEM((64, D), jnp.float32),
        pltpu.VMEM_SHARED((ACC_N, D), jnp.float32),
        pltpu.SemaphoreType.DMA,
        pltpu.SemaphoreType.DMA,
        pltpu.SemaphoreType.DMA,
        pltpu.SemaphoreType.DMA,
    ],
)


def _tc_body(x_ref, ah1_ref, ac1_ref, ah2_ref, ac2_ref,
             w1_ref, u1_ref, w2_ref, u2_ref, b1_ref, b2_ref,
             h1_out, c1_out, h2_out, c2_out):
    f32 = jnp.float32
    g1 = (jnp.dot(x_ref[...], w1_ref[...], preferred_element_type=f32)
          + jnp.dot(ah1_ref[...], u1_ref[...], preferred_element_type=f32)
          + b1_ref[...])
    i1 = jax.nn.sigmoid(g1[:, 0:128])
    o1 = jax.nn.sigmoid(g1[:, 128:256])
    u1 = jnp.tanh(g1[:, 256:384])
    f1 = jax.nn.sigmoid(g1[:, 384:512])
    c1n = i1 * u1 + f1 * ac1_ref[...]
    g2 = (jnp.dot(c1n, w2_ref[...], preferred_element_type=f32)
          + jnp.dot(ah2_ref[...], u2_ref[...], preferred_element_type=f32)
          + b2_ref[...])
    i2 = jax.nn.sigmoid(g2[:, 0:128])
    o2 = jax.nn.sigmoid(g2[:, 128:256])
    u2 = jnp.tanh(g2[:, 256:384])
    f2 = jax.nn.sigmoid(g2[:, 384:512])
    c2n = i2 * u2 + f2 * ac2_ref[...]
    h1_out[...] = o1 * jnp.tanh(c1n)
    c1_out[...] = c1n
    h2_out[...] = o2 * jnp.tanh(c2n)
    c2_out[...] = c2n


def _dense(x, ah1, ac1, ah2, ac2, W1, U1, W2, U2, bias1, bias2):
    R = 1000
    grid = (N // R,)
    blk = lambda i: (i, 0)
    full = lambda i: (0, 0)
    return pl.pallas_call(
        _tc_body,
        grid=grid,
        in_specs=[
            pl.BlockSpec((R, D), blk),
            pl.BlockSpec((R, D), blk),
            pl.BlockSpec((R, D), blk),
            pl.BlockSpec((R, D), blk),
            pl.BlockSpec((R, D), blk),
            pl.BlockSpec((D, 4 * D), full),
            pl.BlockSpec((D, 4 * D), full),
            pl.BlockSpec((D, 4 * D), full),
            pl.BlockSpec((D, 4 * D), full),
            pl.BlockSpec((1, 4 * D), full),
            pl.BlockSpec((1, 4 * D), full),
        ],
        out_specs=[pl.BlockSpec((R, D), blk)] * 4,
        out_shape=[jax.ShapeDtypeStruct((N, D), jnp.float32)] * 4,
    )(x, ah1, ac1, ah2, ac2, W1, U1, W2, U2, bias1, bias2)


def kernel(x, edge_index, h1, c1, h2, c2, W1, b1, U1, bU1, W2, bW2, U2, bU2):
    src = edge_index[0]
    dst = edge_index[1]

    offs = (jnp.arange(4, dtype=jnp.int32) * N)[:, None]
    src4 = jnp.pad(src[None, :] + offs, ((0, 0), (0, E_PAD - E)),
                   constant_values=4 * N)
    src4 = src4.reshape(4 * ROWS, 128)
    dst_p = jnp.pad(dst, (0, E_PAD - E), constant_values=N).reshape(ROWS, 128)

    table = jnp.concatenate(
        [h1, c1, h2, c2, jnp.zeros((8, D), jnp.float32)], axis=0)

    ah_flat = _sc_call(src4, dst_p, table)
    ah = ah_flat.reshape(4, ACC_N, D)[:, :N, :]

    bias1 = (b1 + bU1).reshape(1, 4 * D)
    bias2 = (bW2 + bU2).reshape(1, 4 * D)
    h1n, c1n, h2n, c2n = _dense(x, ah[0], ah[1], ah[2], ah[3],
                                W1, U1, W2, U2, bias1, bias2)
    return jnp.stack([h1n, c1n, h2n, c2n])

# --- scband reference (transcript-rebuilt; emitter-appended) ---
"""Pipeline reference for scband-tree-lstmdouble-cell-25254407701046 (READ-ONLY COPY).

The authoritative reference and input builder live on the scoring server;
editing this copy changes nothing except your own understanding.
"""

import jax, jax.numpy as jnp
import numpy as np

N = 10000
E = 320000
XS = 128
HS = 128


def setup_inputs(seed: int = 0) -> dict:
    key = jax.random.key(seed)
    ks = jax.random.split(key, 16)
    x = jax.random.normal(ks[0], (N, XS), dtype=jnp.float32)
    edge_index = jax.random.randint(ks[1], (2, E), 0, N, dtype=jnp.int32)
    h1 = jax.random.normal(ks[2], (N, HS), dtype=jnp.float32) * 0.1
    c1 = jax.random.normal(ks[3], (N, HS), dtype=jnp.float32) * 0.1
    h2 = jax.random.normal(ks[4], (N, HS), dtype=jnp.float32) * 0.1
    c2 = jax.random.normal(ks[5], (N, HS), dtype=jnp.float32) * 0.1
    s = 0.05
    W1 = jax.random.normal(ks[6], (XS, 4 * HS), dtype=jnp.float32) * s
    b1 = jnp.zeros((4 * HS,), dtype=jnp.float32)
    U1 = jax.random.normal(ks[7], (HS, 4 * HS), dtype=jnp.float32) * s
    bU1 = jnp.zeros((4 * HS,), dtype=jnp.float32)
    W2 = jax.random.normal(ks[8], (HS, 4 * HS), dtype=jnp.float32) * s
    bW2 = jnp.zeros((4 * HS,), dtype=jnp.float32)
    U2 = jax.random.normal(ks[9], (HS, 4 * HS), dtype=jnp.float32) * s
    bU2 = jnp.zeros((4 * HS,), dtype=jnp.float32)
    return {"x": x, "edge_index": edge_index, "h1": h1, "c1": c1, "h2": h2, "c2": c2,
            "W1": W1, "b1": b1, "U1": U1, "bU1": bU1, "W2": W2, "bW2": bW2, "U2": U2, "bU2": bU2}


def reference(x, edge_index, h1, c1, h2, c2, W1, b1, U1, bU1, W2, bW2, U2, bU2):
    # One message-passing step of TreeLSTMDoubleCell (mode='sum'):
    # message_func gathers src states; reduce_func sums mailbox over incoming
    # edges and runs the two stacked LSTM gate updates.
    n = x.shape[0]
    src = edge_index[0]
    dst = edge_index[1]
    iouf = x @ W1 + b1  # W1_iouf(x), precomputed node data 'iouf'
    # gather from src, scatter-add into dst (sum reduce over mailbox dim)
    ah1 = jax.ops.segment_sum(h1[src], dst, num_segments=n)
    ac1 = jax.ops.segment_sum(c1[src], dst, num_segments=n)
    ah2 = jax.ops.segment_sum(h2[src], dst, num_segments=n)
    ac2 = jax.ops.segment_sum(c2[src], dst, num_segments=n)
    # first LSTM cell
    xi, xo, xu, xf = jnp.split(iouf, 4, axis=1)
    h_iouf1 = ah1 @ U1 + bU1
    hi1, ho1, hu1, hf1 = jnp.split(h_iouf1, 4, axis=1)
    i = jax.nn.sigmoid(xi + hi1)
    f = jax.nn.sigmoid(xf + hf1)
    o = jax.nn.sigmoid(xo + ho1)
    u = jnp.tanh(xu + hu1)
    c1_new = i * u + f * ac1
    h1_new = o * jnp.tanh(c1_new)
    # second LSTM cell fed by c1_new
    x_iouf2 = c1_new @ W2 + bW2
    xi2, xo2, xu2, xf2 = jnp.split(x_iouf2, 4, axis=1)
    h_iouf2 = ah2 @ U2 + bU2
    hi2, ho2, hu2, hf2 = jnp.split(h_iouf2, 4, axis=1)
    i2 = jax.nn.sigmoid(xi2 + hi2)
    f2 = jax.nn.sigmoid(xf2 + hf2)
    o2 = jax.nn.sigmoid(xo2 + ho2)
    u2 = jnp.tanh(xu2 + hu2)
    c2_new = i2 * u2 + f2 * ac2
    h2_new = o2 * jnp.tanh(c2_new)
    return jnp.stack([h1_new, c1_new, h2_new, c2_new])

if __name__ == "__main__":
    import jax
    _d = setup_inputs()
    print(jax.jit(kernel)(*tuple(_d.values())))

</pallas_src>

<mosaic_0001>
#map = affine_map<(d0, d1) -> (0, 0)>
module attributes {stable_mosaic.version = 14 : i64} {
  func.func @_sc_body(%arg0: i32, %arg1: i32, %arg2: memref<10240x128xi32, #tpu.memory_space<hbm>>, %arg3: memref<2560x128xi32, #tpu.memory_space<hbm>>, %arg4: memref<40008x128xf32, #tpu.memory_space<hbm>>, %arg5: memref<40960x128xf32, #tpu.memory_space<hbm>>, %arg6: memref<16x128xi32, #tpu.memory_space<vmem>>, %arg7: memref<16x128xi32, #tpu.memory_space<vmem>>, %arg8: memref<128x128xf32, #tpu.memory_space<vmem>>, %arg9: memref<128x128xf32, #tpu.memory_space<vmem>>, %arg10: memref<64x128xf32, #tpu.memory_space<vmem>>, %arg11: memref<10240x128xf32, #tpu.memory_space<vmem_shared>>, %arg12: memref<!tpu.dma_semaphore, #tpu.memory_space<semaphore_mem>>, %arg13: memref<!tpu.dma_semaphore, #tpu.memory_space<semaphore_mem>>, %arg14: memref<!tpu.dma_semaphore, #tpu.memory_space<semaphore_mem>>, %arg15: memref<!tpu.dma_semaphore, #tpu.memory_space<semaphore_mem>>) attributes {dimension_semantics = [#tpu.dimension_semantics<core_parallel>, #tpu.dimension_semantics<subcore_parallel>], iteration_bounds = array<i64: 2, 16>, scalar_prefetch = 0 : i64, scratch_operands = 10 : i64, tpu.core_type = #tpu.core_type<sc_vector_subcore>, window_params = [{transform_indices = #map}, {transform_indices = #map}, {transform_indices = #map}, {transform_indices = #map}]} {
    %scan3A = arith.constant 0 : i32
    %scan3A_0 = arith.constant 0 : i32
    %scan3A_1 = arith.constant 64 : i32
    %scan3A_2 = arith.addi %scan3A_0, %scan3A_1 : i32
    %scan3A_3 = arith.constant 1 : i32
    scf.for %scan3A_118 = %scan3A_0 to %scan3A_2 step %scan3A_3  : i32 {
      %broadcast_in_dim3A = arith.constant 0.000000e+00 : f32
      %broadcast_in_dim3A_119 = vector.broadcast %broadcast_in_dim3A : f32 to vector<16xf32>
      %swap3A = arith.index_cast %scan3A_118 : i32 to index
      %swap3A_120 = arith.constant 0 : index
      %swap3A_121 = tpu.vector_load %arg10[%swap3A, %swap3A_120] {strides = array<i32>} : memref<64x128xf32, #tpu.memory_space<vmem>>, vector<1x16xf32>,
      %swap3A_122 = vector.shape_cast %swap3A_121 : vector<1x16xf32> to vector<16xf32>
      %swap3A_123 = vector.shape_cast %broadcast_in_dim3A_119 : vector<16xf32> to vector<1x16xf32>
      tpu.vector_store %arg10[%swap3A, %swap3A_120], %swap3A_123 {strides = array<i32>} : memref<64x128xf32, #tpu.memory_space<vmem>>, vector<1x16xf32>,
      %broadcast_in_dim3A_124 = arith.constant 0.000000e+00 : f32
      %broadcast_in_dim3A_125 = vector.broadcast %broadcast_in_dim3A_124 : f32 to vector<16xf32>
      %swap3A_126 = arith.index_cast %scan3A_118 : i32 to index
      %swap3A_127 = arith.constant 16 : index
      %swap3A_128 = tpu.vector_load %arg10[%swap3A_126, %swap3A_127] {strides = array<i32>} : memref<64x128xf32, #tpu.memory_space<vmem>>, vector<1x16xf32>,
      %swap3A_129 = vector.shape_cast %swap3A_128 : vector<1x16xf32> to vector<16xf32>
      %swap3A_130 = vector.shape_cast %broadcast_in_dim3A_125 : vector<16xf32> to vector<1x16xf32>
      tpu.vector_store %arg10[%swap3A_126, %swap3A_127], %swap3A_130 {strides = array<i32>} : memref<64x128xf32, #tpu.memory_space<vmem>>, vector<1x16xf32>,
      %broadcast_in_dim3A_131 = arith.constant 0.000000e+00 : f32
      %broadcast_in_dim3A_132 = vector.broadcast %broadcast_in_dim3A_131 : f32 to vector<16xf32>
      %swap3A_133 = arith.index_cast %scan3A_118 : i32 to index
      %swap3A_134 = arith.constant 32 : index
      %swap3A_135 = tpu.vector_load %arg10[%swap3A_133, %swap3A_134] {strides = array<i32>} : memref<64x128xf32, #tpu.memory_space<vmem>>, vector<1x16xf32>,
      %swap3A_136 = vector.shape_cast %swap3A_135 : vector<1x16xf32> to vector<16xf32>
      %swap3A_137 = vector.shape_cast %broadcast_in_dim3A_132 : vector<16xf32> to vector<1x16xf32>
      tpu.vector_store %arg10[%swap3A_133, %swap3A_134], %swap3A_137 {strides = array<i32>} : memref<64x128xf32, #tpu.memory_space<vmem>>, vector<1x16xf32>,
      %broadcast_in_dim3A_138 = arith.constant 0.000000e+00 : f32
      %broadcast_in_dim3A_139 = vector.broadcast %broadcast_in_dim3A_138 : f32 to vector<16xf32>
      %swap3A_140 = arith.index_cast %scan3A_118 : i32 to index
      %swap3A_141 = arith.constant 48 : index
      %swap3A_142 = tpu.vector_load %arg10[%swap3A_140, %swap3A_141] {strides = array<i32>} : memref<64x128xf32, #tpu.memory_space<vmem>>, vector<1x16xf32>,
      %swap3A_143 = vector.shape_cast %swap3A_142 : vector<1x16xf32> to vector<16xf32>
      %swap3A_144 = vector.shape_cast %broadcast_in_dim3A_139 : vector<16xf32> to vector<1x16xf32>
      tpu.vector_store %arg10[%swap3A_140, %swap3A_141], %swap3A_144 {strides = array<i32>} : memref<64x128xf32, #tpu.memory_space<vmem>>, vector<1x16xf32>,
      %broadcast_in_dim3A_145 = arith.constant 0.000000e+00 : f32
      %broadcast_in_dim3A_146 = vector.broadcast %broadcast_in_dim3A_145 : f32 to vector<16xf32>
      %swap3A_147 = arith.index_cast %scan3A_118 : i32 to index
      %swap3A_148 = arith.constant 64 : index
      %swap3A_149 = tpu.vector_load %arg10[%swap3A_147, %swap3A_148] {strides = array<i32>} : memref<64x128xf32, #tpu.memory_space<vmem>>, vector<1x16xf32>,
      %swap3A_150 = vector.shape_cast %swap3A_149 : vector<1x16xf32> to vector<16xf32>
      %swap3A_151 = vector.shape_cast %broadcast_in_dim3A_146 : vector<16xf32> to vector<1x16xf32>
      tpu.vector_store %arg10[%swap3A_147, %swap3A_148], %swap3A_151 {strides = array<i32>} : memref<64x128xf32, #tpu.memory_space<vmem>>, vector<1x16xf32>,
      %broadcast_in_dim3A_152 = arith.constant 0.000000e+00 : f32
      %broadcast_in_dim3A_153 = vector.broadcast %broadcast_in_dim3A_152 : f32 to vector<16xf32>
      %swap3A_154 = arith.index_cast %scan3A_118 : i32 to index
      %swap3A_155 = arith.constant 80 : index
      %swap3A_156 = tpu.vector_load %arg10[%swap3A_154, %swap3A_155] {strides = array<i32>} : memref<64x128xf32, #tpu.memory_space<vmem>>, vector<1x16xf32>,
      %swap3A_157 = vector.shape_cast %swap3A_156 : vector<1x16xf32> to vector<16xf32>
      %swap3A_158 = vector.shape_cast %broadcast_in_dim3A_153 : vector<16xf32> to vector<1x16xf32>
      tpu.vector_store %arg10[%swap3A_154, %swap3A_155], %swap3A_158 {strides = array<i32>} : memref<64x128xf32, #tpu.memory_space<vmem>>, vector<1x16xf32>,
      %broadcast_in_dim3A_159 = arith.constant 0.000000e+00 : f32
      %broadcast_in_dim3A_160 = vector.broadcast %broadcast_in_dim3A_159 : f32 to vector<16xf32>
      %swap3A_161 = arith.index_cast %scan3A_118 : i32 to index
      %swap3A_162 = arith.constant 96 : index
      %swap3A_163 = tpu.vector_load %arg10[%swap3A_161, %swap3A_162] {strides = array<i32>} : memref<64x128xf32, #tpu.memory_space<vmem>>, vector<1x16xf32>,
      %swap3A_164 = vector.shape_cast %swap3A_163 : vector<1x16xf32> to vector<16xf32>
      %swap3A_165 = vector.shape_cast %broadcast_in_dim3A_160 : vector<16xf32> to vector<1x16xf32>
      tpu.vector_store %arg10[%swap3A_161, %swap3A_162], %swap3A_165 {strides = array<i32>} : memref<64x128xf32, #tpu.memory_space<vmem>>, vector<1x16xf32>,
      %broadcast_in_dim3A_166 = arith.constant 0.000000e+00 : f32
      %broadcast_in_dim3A_167 = vector.broadcast %broadcast_in_dim3A_166 : f32 to vector<16xf32>
      %swap3A_168 = arith.index_cast %scan3A_118 : i32 to index
      %swap3A_169 = arith.constant 112 : index
      %swap3A_170 = tpu.vector_load %arg10[%swap3A_168, %swap3A_169] {strides = array<i32>} : memref<64x128xf32, #tpu.memory_space<vmem>>, vector<1x16xf32>,
      %swap3A_171 = vector.shape_cast %swap3A_170 : vector<1x16xf32> to vector<16xf32>
      %swap3A_172 = vector.shape_cast %broadcast_in_dim3A_167 : vector<16xf32> to vector<1x16xf32>
      tpu.vector_store %arg10[%swap3A_168, %swap3A_169], %swap3A_172 {strides = array<i32>} : memref<64x128xf32, #tpu.memory_space<vmem>>, vector<1x16xf32>,
    }
    %scan3A_4 = arith.constant 64 : i32
    %add3A = arith.constant 0 : i32
    %add3A_5 = arith.addi %add3A, %arg0 : i32
    %mul3A = arith.constant 640 : i32
    %mul3A_6 = arith.muli %arg1, %mul3A : i32
    %add3A_7 = arith.constant 0 : i32
    %add3A_8 = arith.addi %mul3A_6, %add3A_7 : i32
    "tpu.region"() ({
      %run_scoped3A = tpu.sem_alloc : memref<!tpu.dma_semaphore, #tpu.memory_space<semaphore_mem>>
      %dma_start3A = arith.constant 0 : i32
      %dma_start3A_118 = tpu.memref_slice %arg11[%add3A_8, %dma_start3A] : memref<10240x128xf32, #tpu.memory_space<vmem_shared>> -> memref<64x128xf32, #tpu.memory_space<vmem_shared>>
      %dma_start3A_119 = arith.constant 0 : i32
      %dma_start3A_120 = tpu.memref_slice %arg11[%add3A_8, %dma_start3A_119] : memref<10240x128xf32, #tpu.memory_space<vmem_shared>> -> memref<64x128xf32, #tpu.memory_space<vmem_shared>>
      tpu.enqueue_dma source(%arg10 : memref<64x128xf32, #tpu.memory_space<vmem>>) target(%dma_start3A_120 : memref<64x128xf32, #tpu.memory_space<vmem_shared>>) target_semaphore(%run_scoped3A : memref<!tpu.dma_semaphore, #tpu.memory_space<semaphore_mem>>)
      %dma_wait3A = arith.constant 0 : i32
      %dma_wait3A_121 = tpu.memref_slice %arg11[%add3A_8, %dma_wait3A] : memref<10240x128xf32, #tpu.memory_space<vmem_shared>> -> memref<64x128xf32, #tpu.memory_space<vmem_shared>>
      %dma_wait3A_122 = arith.constant 0 : i32
      %dma_wait3A_123 = tpu.memref_slice %arg11[%add3A_8, %dma_wait3A_122] : memref<10240x128xf32, #tpu.memory_space<vmem_shared>> -> memref<64x128xf32, #tpu.memory_space<vmem_shared>>
      tpu.wait_dma2 semaphore(%run_scoped3A : memref<!tpu.dma_semaphore, #tpu.memory_space<semaphore_mem>>) src(%arg10 : memref<64x128xf32, #tpu.memory_space<vmem>>) dst(%dma_wait3A_123 : memref<64x128xf32, #tpu.memory_space<vmem_shared>>)
      tpu.yield
    }) : () -> ()
    %mul3A_9 = arith.constant 640 : i32
    %mul3A_10 = arith.muli %arg1, %mul3A_9 : i32
    %add3A_11 = arith.constant 64 : i32
    %add3A_12 = arith.addi %mul3A_10, %add3A_11 : i32
    "tpu.region"() ({
      %run_scoped3A = tpu.sem_alloc : memref<!tpu.dma_semaphore, #tpu.memory_space<semaphore_mem>>
      %dma_start3A = arith.constant 0 : i32
      %dma_start3A_118 = tpu.memref_slice %arg11[%add3A_12, %dma_start3A] : memref<10240x128xf32, #tpu.memory_space<vmem_shared>> -> memref<64x128xf32, #tpu.memory_space<vmem_shared>>
      %dma_start3A_119 = arith.constant 0 : i32
      %dma_start3A_120 = tpu.memref_slice %arg11[%add3A_12, %dma_start3A_119] : memref<10240x128xf32, #tpu.memory_space<vmem_shared>> -> memref<64x128xf32, #tpu.memory_space<vmem_shared>>
      tpu.enqueue_dma source(%arg10 : memref<64x128xf32, #tpu.memory_space<vmem>>) target(%dma_start3A_120 : memref<64x128xf32, #tpu.memory_space<vmem_shared>>) target_semaphore(%run_scoped3A : memref<!tpu.dma_semaphore, #tpu.memory_space<semaphore_mem>>)
      %dma_wait3A = arith.constant 0 : i32
      %dma_wait3A_121 = tpu.memref_slice %arg11[%add3A_12, %dma_wait3A] : memref<10240x128xf32, #tpu.memory_space<vmem_shared>> -> memref<64x128xf32, #tpu.memory_space<vmem_shared>>
      %dma_wait3A_122 = arith.constant 0 : i32
      %dma_wait3A_123 = tpu.memref_slice %arg11[%add3A_12, %dma_wait3A_122] : memref<10240x128xf32, #tpu.memory_space<vmem_shared>> -> memref<64x128xf32, #tpu.memory_space<vmem_shared>>
      tpu.wait_dma2 semaphore(%run_scoped3A : memref<!tpu.dma_semaphore, #tpu.memory_space<semaphore_mem>>) src(%arg10 : memref<64x128xf32, #tpu.memory_space<vmem>>) dst(%dma_wait3A_123 : memref<64x128xf32, #tpu.memory_space<vmem_shared>>)
      tpu.yield
    }) : () -> ()
    %mul3A_13 = arith.constant 640 : i32
    %mul3A_14 = arith.muli %arg1, %mul3A_13 : i32
    %add3A_15 = arith.constant 128 : i32
    %add3A_16 = arith.addi %mul3A_14, %add3A_15 : i32
    "tpu.region"() ({
      %run_scoped3A = tpu.sem_alloc : memref<!tpu.dma_semaphore, #tpu.memory_space<semaphore_mem>>
      %dma_start3A = arith.constant 0 : i32
      %dma_start3A_118 = tpu.memref_slice %arg11[%add3A_16, %dma_start3A] : memref<10240x128xf32, #tpu.memory_space<vmem_shared>> -> memref<64x128xf32, #tpu.memory_space<vmem_shared>>
      %dma_start3A_119 = arith.constant 0 : i32
      %dma_start3A_120 = tpu.memref_slice %arg11[%add3A_16, %dma_start3A_119] : memref<10240x128xf32, #tpu.memory_space<vmem_shared>> -> memref<64x128xf32, #tpu.memory_space<vmem_shared>>
      tpu.enqueue_dma source(%arg10 : memref<64x128xf32, #tpu.memory_space<vmem>>) target(%dma_start3A_120 : memref<64x128xf32, #tpu.memory_space<vmem_shared>>) target_semaphore(%run_scoped3A : memref<!tpu.dma_semaphore, #tpu.memory_space<semaphore_mem>>)
      %dma_wait3A = arith.constant 0 : i32
      %dma_wait3A_121 = tpu.memref_slice %arg11[%add3A_16, %dma_wait3A] : memref<10240x128xf32, #tpu.memory_space<vmem_shared>> -> memref<64x128xf32, #tpu.memory_space<vmem_shared>>
      %dma_wait3A_122 = arith.constant 0 : i32
      %dma_wait3A_123 = tpu.memref_slice %arg11[%add3A_16, %dma_wait3A_122] : memref<10240x128xf32, #tpu.memory_space<vmem_shared>> -> memref<64x128xf32, #tpu.memory_space<vmem_shared>>
      tpu.wait_dma2 semaphore(%run_scoped3A : memref<!tpu.dma_semaphore, #tpu.memory_space<semaphore_mem>>) src(%arg10 : memref<64x128xf32, #tpu.memory_space<vmem>>) dst(%dma_wait3A_123 : memref<64x128xf32, #tpu.memory_space<vmem_shared>>)
      tpu.yield
    }) : () -> ()
    %mul3A_17 = arith.constant 640 : i32
    %mul3A_18 = arith.muli %arg1, %mul3A_17 : i32
    %add3A_19 = arith.constant 192 : i32
    %add3A_20 = arith.addi %mul3A_18, %add3A_19 : i32
    "tpu.region"() ({
      %run_scoped3A = tpu.sem_alloc : memref<!tpu.dma_semaphore, #tpu.memory_space<semaphore_mem>>
      %dma_start3A = arith.constant 0 : i32
      %dma_start3A_118 = tpu.memref_slice %arg11[%add3A_20, %dma_start3A] : memref<10240x128xf32, #tpu.memory_space<vmem_shared>> -> memref<64x128xf32, #tpu.memory_space<vmem_shared>>
      %dma_start3A_119 = arith.constant 0 : i32
      %dma_start3A_120 = tpu.memref_slice %arg11[%add3A_20, %dma_start3A_119] : memref<10240x128xf32, #tpu.memory_space<vmem_shared>> -> memref<64x128xf32, #tpu.memory_space<vmem_shared>>
      tpu.enqueue_dma source(%arg10 : memref<64x128xf32, #tpu.memory_space<vmem>>) target(%dma_start3A_120 : memref<64x128xf32, #tpu.memory_space<vmem_shared>>) target_semaphore(%run_scoped3A : memref<!tpu.dma_semaphore, #tpu.memory_space<semaphore_mem>>)
      %dma_wait3A = arith.constant 0 : i32
      %dma_wait3A_121 = tpu.memref_slice %arg11[%add3A_20, %dma_wait3A] : memref<10240x128xf32, #tpu.memory_space<vmem_shared>> -> memref<64x128xf32, #tpu.memory_space<vmem_shared>>
      %dma_wait3A_122 = arith.constant 0 : i32
      %dma_wait3A_123 = tpu.memref_slice %arg11[%add3A_20, %dma_wait3A_122] : memref<10240x128xf32, #tpu.memory_space<vmem_shared>> -> memref<64x128xf32, #tpu.memory_space<vmem_shared>>
      tpu.wait_dma2 semaphore(%run_scoped3A : memref<!tpu.dma_semaphore, #tpu.memory_space<semaphore_mem>>) src(%arg10 : memref<64x128xf32, #tpu.memory_space<vmem>>) dst(%dma_wait3A_123 : memref<64x128xf32, #tpu.memory_space<vmem_shared>>)
      tpu.yield
    }) : () -> ()
    %mul3A_21 = arith.constant 640 : i32
    %mul3A_22 = arith.muli %arg1, %mul3A_21 : i32
    %add3A_23 = arith.constant 256 : i32
    %add3A_24 = arith.addi %mul3A_22, %add3A_23 : i32
    "tpu.region"() ({
      %run_scoped3A = tpu.sem_alloc : memref<!tpu.dma_semaphore, #tpu.memory_space<semaphore_mem>>
      %dma_start3A = arith.constant 0 : i32
      %dma_start3A_118 = tpu.memref_slice %arg11[%add3A_24, %dma_start3A] : memref<10240x128xf32, #tpu.memory_space<vmem_shared>> -> memref<64x128xf32, #tpu.memory_space<vmem_shared>>
      %dma_start3A_119 = arith.constant 0 : i32
      %dma_start3A_120 = tpu.memref_slice %arg11[%add3A_24, %dma_start3A_119] : memref<10240x128xf32, #tpu.memory_space<vmem_shared>> -> memref<64x128xf32, #tpu.memory_space<vmem_shared>>
      tpu.enqueue_dma source(%arg10 : memref<64x128xf32, #tpu.memory_space<vmem>>) target(%dma_start3A_120 : memref<64x128xf32, #tpu.memory_space<vmem_shared>>) target_semaphore(%run_scoped3A : memref<!tpu.dma_semaphore, #tpu.memory_space<semaphore_mem>>)
      %dma_wait3A = arith.constant 0 : i32
      %dma_wait3A_121 = tpu.memref_slice %arg11[%add3A_24, %dma_wait3A] : memref<10240x128xf32, #tpu.memory_space<vmem_shared>> -> memref<64x128xf32, #tpu.memory_space<vmem_shared>>
      %dma_wait3A_122 = arith.constant 0 : i32
      %dma_wait3A_123 = tpu.memref_slice %arg11[%add3A_24, %dma_wait3A_122] : memref<10240x128xf32, #tpu.memory_space<vmem_shared>> -> memref<64x128xf32, #tpu.memory_space<vmem_shared>>
      tpu.wait_dma2 semaphore(%run_scoped3A : memref<!tpu.dma_semaphore, #tpu.memory_space<semaphore_mem>>) src(%arg10 : memref<64x128xf32, #tpu.memory_space<vmem>>) dst(%dma_wait3A_123 : memref<64x128xf32, #tpu.memory_space<vmem_shared>>)
      tpu.yield
    }) : () -> ()
    %mul3A_25 = arith.constant 640 : i32
    %mul3A_26 = arith.muli %arg1, %mul3A_25 : i32
    %add3A_27 = arith.constant 320 : i32
    %add3A_28 = arith.addi %mul3A_26, %add3A_27 : i32
    "tpu.region"() ({
      %run_scoped3A = tpu.sem_alloc : memref<!tpu.dma_semaphore, #tpu.memory_space<semaphore_mem>>
      %dma_start3A = arith.constant 0 : i32
      %dma_start3A_118 = tpu.memref_slice %arg11[%add3A_28, %dma_start3A] : memref<10240x128xf32, #tpu.memory_space<vmem_shared>> -> memref<64x128xf32, #tpu.memory_space<vmem_shared>>
      %dma_start3A_119 = arith.constant 0 : i32
      %dma_start3A_120 = tpu.memref_slice %arg11[%add3A_28, %dma_start3A_119] : memref<10240x128xf32, #tpu.memory_space<vmem_shared>> -> memref<64x128xf32, #tpu.memory_space<vmem_shared>>
      tpu.enqueue_dma source(%arg10 : memref<64x128xf32, #tpu.memory_space<vmem>>) target(%dma_start3A_120 : memref<64x128xf32, #tpu.memory_space<vmem_shared>>) target_semaphore(%run_scoped3A : memref<!tpu.dma_semaphore, #tpu.memory_space<semaphore_mem>>)
      %dma_wait3A = arith.constant 0 : i32
      %dma_wait3A_121 = tpu.memref_slice %arg11[%add3A_28, %dma_wait3A] : memref<10240x128xf32, #tpu.memory_space<vmem_shared>> -> memref<64x128xf32, #tpu.memory_space<vmem_shared>>
      %dma_wait3A_122 = arith.constant 0 : i32
      %dma_wait3A_123 = tpu.memref_slice %arg11[%add3A_28, %dma_wait3A_122] : memref<10240x128xf32, #tpu.memory_space<vmem_shared>> -> memref<64x128xf32, #tpu.memory_space<vmem_shared>>
      tpu.wait_dma2 semaphore(%run_scoped3A : memref<!tpu.dma_semaphore, #tpu.memory_space<semaphore_mem>>) src(%arg10 : memref<64x128xf32, #tpu.memory_space<vmem>>) dst(%dma_wait3A_123 : memref<64x128xf32, #tpu.memory_space<vmem_shared>>)
      tpu.yield
    }) : () -> ()
    %mul3A_29 = arith.constant 640 : i32
    %mul3A_30 = arith.muli %arg1, %mul3A_29 : i32
    %add3A_31 = arith.constant 384 : i32
    %add3A_32 = arith.addi %mul3A_30, %add3A_31 : i32
    "tpu.region"() ({
      %run_scoped3A = tpu.sem_alloc : memref<!tpu.dma_semaphore, #tpu.memory_space<semaphore_mem>>
      %dma_start3A = arith.constant 0 : i32
      %dma_start3A_118 = tpu.memref_slice %arg11[%add3A_32, %dma_start3A] : memref<10240x128xf32, #tpu.memory_space<vmem_shared>> -> memref<64x128xf32, #tpu.memory_space<vmem_shared>>
      %dma_start3A_119 = arith.constant 0 : i32
      %dma_start3A_120 = tpu.memref_slice %arg11[%add3A_32, %dma_start3A_119] : memref<10240x128xf32, #tpu.memory_space<vmem_shared>> -> memref<64x128xf32, #tpu.memory_space<vmem_shared>>
      tpu.enqueue_dma source(%arg10 : memref<64x128xf32, #tpu.memory_space<vmem>>) target(%dma_start3A_120 : memref<64x128xf32, #tpu.memory_space<vmem_shared>>) target_semaphore(%run_scoped3A : memref<!tpu.dma_semaphore, #tpu.memory_space<semaphore_mem>>)
      %dma_wait3A = arith.constant 0 : i32
      %dma_wait3A_121 = tpu.memref_slice %arg11[%add3A_32, %dma_wait3A] : memref<10240x128xf32, #tpu.memory_space<vmem_shared>> -> memref<64x128xf32, #tpu.memory_space<vmem_shared>>
      %dma_wait3A_122 = arith.constant 0 : i32
      %dma_wait3A_123 = tpu.memref_slice %arg11[%add3A_32, %dma_wait3A_122] : memref<10240x128xf32, #tpu.memory_space<vmem_shared>> -> memref<64x128xf32, #tpu.memory_space<vmem_shared>>
      tpu.wait_dma2 semaphore(%run_scoped3A : memref<!tpu.dma_semaphore, #tpu.memory_space<semaphore_mem>>) src(%arg10 : memref<64x128xf32, #tpu.memory_space<vmem>>) dst(%dma_wait3A_123 : memref<64x128xf32, #tpu.memory_space<vmem_shared>>)
      tpu.yield
    }) : () -> ()
    %mul3A_33 = arith.constant 640 : i32
    %mul3A_34 = arith.muli %arg1, %mul3A_33 : i32
    %add3A_35 = arith.constant 448 : i32
    %add3A_36 = arith.addi %mul3A_34, %add3A_35 : i32
    "tpu.region"() ({
      %run_scoped3A = tpu.sem_alloc : memref<!tpu.dma_semaphore, #tpu.memory_space<semaphore_mem>>
      %dma_start3A = arith.constant 0 : i32
      %dma_start3A_118 = tpu.memref_slice %arg11[%add3A_36, %dma_start3A] : memref<10240x128xf32, #tpu.memory_space<vmem_shared>> -> memref<64x128xf32, #tpu.memory_space<vmem_shared>>
      %dma_start3A_119 = arith.constant 0 : i32
      %dma_start3A_120 = tpu.memref_slice %arg11[%add3A_36, %dma_start3A_119] : memref<10240x128xf32, #tpu.memory_space<vmem_shared>> -> memref<64x128xf32, #tpu.memory_space<vmem_shared>>
      tpu.enqueue_dma source(%arg10 : memref<64x128xf32, #tpu.memory_space<vmem>>) target(%dma_start3A_120 : memref<64x128xf32, #tpu.memory_space<vmem_shared>>) target_semaphore(%run_scoped3A : memref<!tpu.dma_semaphore, #tpu.memory_space<semaphore_mem>>)
      %dma_wait3A = arith.constant 0 : i32
      %dma_wait3A_121 = tpu.memref_slice %arg11[%add3A_36, %dma_wait3A] : memref<10240x128xf32, #tpu.memory_space<vmem_shared>> -> memref<64x128xf32, #tpu.memory_space<vmem_shared>>
      %dma_wait3A_122 = arith.constant 0 : i32
      %dma_wait3A_123 = tpu.memref_slice %arg11[%add3A_36, %dma_wait3A_122] : memref<10240x128xf32, #tpu.memory_space<vmem_shared>> -> memref<64x128xf32, #tpu.memory_space<vmem_shared>>
      tpu.wait_dma2 semaphore(%run_scoped3A : memref<!tpu.dma_semaphore, #tpu.memory_space<semaphore_mem>>) src(%arg10 : memref<64x128xf32, #tpu.memory_space<vmem>>) dst(%dma_wait3A_123 : memref<64x128xf32, #tpu.memory_space<vmem_shared>>)
      tpu.yield
    }) : () -> ()
    %mul3A_37 = arith.constant 640 : i32
    %mul3A_38 = arith.muli %arg1, %mul3A_37 : i32
    %add3A_39 = arith.constant 512 : i32
    %add3A_40 = arith.addi %mul3A_38, %add3A_39 : i32
    "tpu.region"() ({
      %run_scoped3A = tpu.sem_alloc : memref<!tpu.dma_semaphore, #tpu.memory_space<semaphore_mem>>
      %dma_start3A = arith.constant 0 : i32
      %dma_start3A_118 = tpu.memref_slice %arg11[%add3A_40, %dma_start3A] : memref<10240x128xf32, #tpu.memory_space<vmem_shared>> -> memref<64x128xf32, #tpu.memory_space<vmem_shared>>
      %dma_start3A_119 = arith.constant 0 : i32
      %dma_start3A_120 = tpu.memref_slice %arg11[%add3A_40, %dma_start3A_119] : memref<10240x128xf32, #tpu.memory_space<vmem_shared>> -> memref<64x128xf32, #tpu.memory_space<vmem_shared>>
      tpu.enqueue_dma source(%arg10 : memref<64x128xf32, #tpu.memory_space<vmem>>) target(%dma_start3A_120 : memref<64x128xf32, #tpu.memory_space<vmem_shared>>) target_semaphore(%run_scoped3A : memref<!tpu.dma_semaphore, #tpu.memory_space<semaphore_mem>>)
      %dma_wait3A = arith.constant 0 : i32
      %dma_wait3A_121 = tpu.memref_slice %arg11[%add3A_40, %dma_wait3A] : memref<10240x128xf32, #tpu.memory_space<vmem_shared>> -> memref<64x128xf32, #tpu.memory_space<vmem_shared>>
      %dma_wait3A_122 = arith.constant 0 : i32
      %dma_wait3A_123 = tpu.memref_slice %arg11[%add3A_40, %dma_wait3A_122] : memref<10240x128xf32, #tpu.memory_space<vmem_shared>> -> memref<64x128xf32, #tpu.memory_space<vmem_shared>>
      tpu.wait_dma2 semaphore(%run_scoped3A : memref<!tpu.dma_semaphore, #tpu.memory_space<semaphore_mem>>) src(%arg10 : memref<64x128xf32, #tpu.memory_space<vmem>>) dst(%dma_wait3A_123 : memref<64x128xf32, #tpu.memory_space<vmem_shared>>)
      tpu.yield
    }) : () -> ()
    %mul3A_41 = arith.constant 640 : i32
    %mul3A_42 = arith.muli %arg1, %mul3A_41 : i32
    %add3A_43 = arith.constant 576 : i32
    %add3A_44 = arith.addi %mul3A_42, %add3A_43 : i32
    "tpu.region"() ({
      %run_scoped3A = tpu.sem_alloc : memref<!tpu.dma_semaphore, #tpu.memory_space<semaphore_mem>>
      %dma_start3A = arith.constant 0 : i32
      %dma_start3A_118 = tpu.memref_slice %arg11[%add3A_44, %dma_start3A] : memref<10240x128xf32, #tpu.memory_space<vmem_shared>> -> memref<64x128xf32, #tpu.memory_space<vmem_shared>>
      %dma_start3A_119 = arith.constant 0 : i32
      %dma_start3A_120 = tpu.memref_slice %arg11[%add3A_44, %dma_start3A_119] : memref<10240x128xf32, #tpu.memory_space<vmem_shared>> -> memref<64x128xf32, #tpu.memory_space<vmem_shared>>
      tpu.enqueue_dma source(%arg10 : memref<64x128xf32, #tpu.memory_space<vmem>>) target(%dma_start3A_120 : memref<64x128xf32, #tpu.memory_space<vmem_shared>>) target_semaphore(%run_scoped3A : memref<!tpu.dma_semaphore, #tpu.memory_space<semaphore_mem>>)
      %dma_wait3A = arith.constant 0 : i32
      %dma_wait3A_121 = tpu.memref_slice %arg11[%add3A_44, %dma_wait3A] : memref<10240x128xf32, #tpu.memory_space<vmem_shared>> -> memref<64x128xf32, #tpu.memory_space<vmem_shared>>
      %dma_wait3A_122 = arith.constant 0 : i32
      %dma_wait3A_123 = tpu.memref_slice %arg11[%add3A_44, %dma_wait3A_122] : memref<10240x128xf32, #tpu.memory_space<vmem_shared>> -> memref<64x128xf32, #tpu.memory_space<vmem_shared>>
      tpu.wait_dma2 semaphore(%run_scoped3A : memref<!tpu.dma_semaphore, #tpu.memory_space<semaphore_mem>>) src(%arg10 : memref<64x128xf32, #tpu.memory_space<vmem>>) dst(%dma_wait3A_123 : memref<64x128xf32, #tpu.memory_space<vmem_shared>>)
      tpu.yield
    }) : () -> ()
    %barrier3A = arith.constant 0 : index
    tpu.barrier barrier_id(%barrier3A)
    %scan3A_45 = arith.constant 0 : i32
    %scan3A_46 = arith.constant 0 : i32
    %scan3A_47 = arith.constant 10 : i32
    %scan3A_48 = arith.addi %scan3A_46, %scan3A_47 : i32
    %scan3A_49 = arith.constant 1 : i32
    scf.for %scan3A_118 = %scan3A_46 to %scan3A_48 step %scan3A_49  : i32 {
      %mul3A_119 = arith.constant 2560 : i32
      %mul3A_120 = arith.muli %add3A_5, %mul3A_119 : i32
      %mul3A_121 = arith.constant 160 : i32
      %mul3A_122 = arith.muli %arg1, %mul3A_121 : i32
      %add3A_123 = arith.addi %mul3A_120, %mul3A_122 : i32
      %mul3A_124 = arith.constant 16 : i32
      %mul3A_125 = arith.muli %scan3A_118, %mul3A_124 : i32
      %add3A_126 = arith.addi %add3A_123, %mul3A_125 : i32
      "tpu.region"() ({
        %run_scoped3A = tpu.sem_alloc : memref<!tpu.dma_semaphore, #tpu.memory_space<semaphore_mem>>
        %dma_start3A_578 = arith.constant 0 : i32
        %dma_start3A_579 = tpu.memref_slice %arg2[%add3A_126, %dma_start3A_578] : memref<10240x128xi32, #tpu.memory_space<hbm>> -> memref<16x128xi32, #tpu.memory_space<hbm>>
        %dma_start3A_580 = arith.constant 0 : i32
        %dma_start3A_581 = tpu.memref_slice %arg2[%add3A_126, %dma_start3A_580] : memref<10240x128xi32, #tpu.memory_space<hbm>> -> memref<16x128xi32, #tpu.memory_space<hbm>>
        tpu.enqueue_dma source(%dma_start3A_581 : memref<16x128xi32, #tpu.memory_space<hbm>>) target(%arg6 : memref<16x128xi32, #tpu.memory_space<vmem>>) target_semaphore(%run_scoped3A : memref<!tpu.dma_semaphore, #tpu.memory_space<semaphore_mem>>)
        %dma_wait3A_582 = arith.constant 0 : i32
        %dma_wait3A_583 = tpu.memref_slice %arg2[%add3A_126, %dma_wait3A_582] : memref<10240x128xi32, #tpu.memory_space<hbm>> -> memref<16x128xi32, #tpu.memory_space<hbm>>
        %dma_wait3A_584 = arith.constant 0 : i32
        %dma_wait3A_585 = tpu.memref_slice %arg2[%add3A_126, %dma_wait3A_584] : memref<10240x128xi32, #tpu.memory_space<hbm>> -> memref<16x128xi32, #tpu.memory_space<hbm>>
        tpu.wait_dma2 semaphore(%run_scoped3A : memref<!tpu.dma_semaphore, #tpu.memory_space<semaphore_mem>>) src(%dma_wait3A_585 : memref<16x128xi32, #tpu.memory_space<hbm>>) dst(%arg6 : memref<16x128xi32, #tpu.memory_space<vmem>>)
        tpu.yield
      }) : () -> ()
      %mul3A_127 = arith.constant 160 : i32
      %mul3A_128 = arith.muli %arg1, %mul3A_127 : i32
      %mul3A_129 = arith.constant 16 : i32
      %mul3A_130 = arith.muli %scan3A_118, %mul3A_129 : i32
      %add3A_131 = arith.addi %mul3A_128, %mul3A_130 : i32
      "tpu.region"() ({
        %run_scoped3A = tpu.sem_alloc : memref<!tpu.dma_semaphore, #tpu.memory_space<semaphore_mem>>
        %dma_start3A_578 = arith.constant 0 : i32
        %dma_start3A_579 = tpu.memref_slice %arg3[%add3A_131, %dma_start3A_578] : memref<2560x128xi32, #tpu.memory_space<hbm>> -> memref<16x128xi32, #tpu.memory_space<hbm>>
        %dma_start3A_580 = arith.constant 0 : i32
        %dma_start3A_581 = tpu.memref_slice %arg3[%add3A_131, %dma_start3A_580] : memref<2560x128xi32, #tpu.memory_space<hbm>> -> memref<16x128xi32, #tpu.memory_space<hbm>>
        tpu.enqueue_dma source(%dma_start3A_581 : memref<16x128xi32, #tpu.memory_space<hbm>>) target(%arg7 : memref<16x128xi32, #tpu.memory_space<vmem>>) target_semaphore(%run_scoped3A : memref<!tpu.dma_semaphore, #tpu.memory_space<semaphore_mem>>)
        %dma_wait3A_582 = arith.constant 0 : i32
        %dma_wait3A_583 = tpu.memref_slice %arg3[%add3A_131, %dma_wait3A_582] : memref<2560x128xi32, #tpu.memory_space<hbm>> -> memref<16x128xi32, #tpu.memory_space<hbm>>
        %dma_wait3A_584 = arith.constant 0 : i32
        %dma_wait3A_585 = tpu.memref_slice %arg3[%add3A_131, %dma_wait3A_584] : memref<2560x128xi32, #tpu.memory_space<hbm>> -> memref<16x128xi32, #tpu.memory_space<hbm>>
        tpu.wait_dma2 semaphore(%run_scoped3A : memref<!tpu.dma_semaphore, #tpu.memory_space<semaphore_mem>>) src(%dma_wait3A_585 : memref<16x128xi32, #tpu.memory_space<hbm>>) dst(%arg7 : memref<16x128xi32, #tpu.memory_space<vmem>>)
        tpu.yield
      }) : () -> ()
      %dma_start3A = arith.constant 0 : i32
      %dma_start3A_132 = arith.constant 0 : i32
      %dma_start3A_133 = tpu.memref_slice %arg6[%dma_start3A, %dma_start3A_132] : memref<16x128xi32, #tpu.memory_space<vmem>> -> memref<1x128xi32, #tpu.memory_space<vmem>>
      %dma_start3A_134 = tpu.memref_squeeze %dma_start3A_133 : memref<1x128xi32, #tpu.memory_space<vmem>> -> memref<128xi32, #tpu.memory_space<vmem>>
      %dma_start3A_135 = arith.constant 0 : i32
      %dma_start3A_136 = arith.constant 0 : i32
      %dma_start3A_137 = tpu.memref_slice %arg4[%dma_start3A_135, %dma_start3A_136] : memref<40008x128xf32, #tpu.memory_space<hbm>> -> memref<40008x128xf32, #tpu.memory_space<hbm>>
      tpu.enqueue_indirect_dma source(%dma_start3A_137 : memref<40008x128xf32, #tpu.memory_space<hbm>>) target(%arg8 : memref<128x128xf32, #tpu.memory_space<vmem>>) offsets(%dma_start3A_134 : memref<128xi32, #tpu.memory_space<vmem>>) semaphore(%arg12 : memref<!tpu.dma_semaphore, #tpu.memory_space<semaphore_mem>>)
      %dma_wait3A = arith.constant 0 : i32
      %dma_wait3A_138 = arith.constant 0 : i32
      %dma_wait3A_139 = tpu.memref_slice %arg6[%dma_wait3A, %dma_wait3A_138] : memref<16x128xi32, #tpu.memory_space<vmem>> -> memref<1x128xi32, #tpu.memory_space<vmem>>
      %dma_wait3A_140 = tpu.memref_squeeze %dma_wait3A_139 : memref<1x128xi32, #tpu.memory_space<vmem>> -> memref<128xi32, #tpu.memory_space<vmem>>
      %dma_wait3A_141 = arith.constant 0 : i32
      %dma_wait3A_142 = arith.constant 0 : i32
      %dma_wait3A_143 = tpu.memref_slice %arg4[%dma_wait3A_141, %dma_wait3A_142] : memref<40008x128xf32, #tpu.memory_space<hbm>> -> memref<40008x128xf32, #tpu.memory_space<hbm>>
      tpu.wait_indirect_dma semaphore(%arg12 : memref<!tpu.dma_semaphore, #tpu.memory_space<semaphore_mem>>) src(%dma_wait3A_143 : memref<40008x128xf32, #tpu.memory_space<hbm>>) dst(%arg8 : memref<128x128xf32, #tpu.memory_space<vmem>>)
      %dma_start3A_144 = arith.constant 1 : i32
      %dma_start3A_145 = arith.constant 0 : i32
      %dma_start3A_146 = tpu.memref_slice %arg6[%dma_start3A_144, %dma_start3A_145] : memref<16x128xi32, #tpu.memory_space<vmem>> -> memref<1x128xi32, #tpu.memory_space<vmem>>
      %dma_start3A_147 = tpu.memref_squeeze %dma_start3A_146 : memref<1x128xi32, #tpu.memory_space<vmem>> -> memref<128xi32, #tpu.memory_space<vmem>>
      %dma_start3A_148 = arith.constant 0 : i32
      %dma_start3A_149 = arith.constant 0 : i32
      %dma_start3A_150 = tpu.memref_slice %arg4[%dma_start3A_148, %dma_start3A_149] : memref<40008x128xf32, #tpu.memory_space<hbm>> -> memref<40008x128xf32, #tpu.memory_space<hbm>>
      tpu.enqueue_indirect_dma source(%dma_start3A_150 : memref<40008x128xf32, #tpu.memory_space<hbm>>) target(%arg9 : memref<128x128xf32, #tpu.memory_space<vmem>>) offsets(%dma_start3A_147 : memref<128xi32, #tpu.memory_space<vmem>>) semaphore(%arg13 : memref<!tpu.dma_semaphore, #tpu.memory_space<semaphore_mem>>)
      %dma_start3A_151 = arith.constant 0 : i32
      %dma_start3A_152 = arith.constant 0 : i32
      %dma_start3A_153 = tpu.memref_slice %arg7[%dma_start3A_151, %dma_start3A_152] : memref<16x128xi32, #tpu.memory_space<vmem>> -> memref<1x128xi32, #tpu.memory_space<vmem>>
      %dma_start3A_154 = tpu.memref_squeeze %dma_start3A_153 : memref<1x128xi32, #tpu.memory_space<vmem>> -> memref<128xi32, #tpu.memory_space<vmem>>
      %dma_start3A_155 = arith.constant 0 : i32
      %dma_start3A_156 = arith.constant 0 : i32
      %dma_start3A_157 = tpu.memref_slice %arg11[%dma_start3A_155, %dma_start3A_156] : memref<10240x128xf32, #tpu.memory_space<vmem_shared>> -> memref<10240x128xf32, #tpu.memory_space<vmem_shared>>
      tpu.enqueue_indirect_dma source(%arg8 : memref<128x128xf32, #tpu.memory_space<vmem>>) target(%dma_start3A_157 : memref<10240x128xf32, #tpu.memory_space<vmem_shared>>) offsets(%dma_start3A_154 : memref<128xi32, #tpu.memory_space<vmem>>) semaphore(%arg14 : memref<!tpu.dma_semaphore, #tpu.memory_space<semaphore_mem>>) {add = true}
      %dma_wait3A_158 = arith.constant 1 : i32
      %dma_wait3A_159 = arith.constant 0 : i32
      %dma_wait3A_160 = tpu.memref_slice %arg6[%dma_wait3A_158, %dma_wait3A_159] : memref<16x128xi32, #tpu.memory_space<vmem>> -> memref<1x128xi32, #tpu.memory_space<vmem>>
      %dma_wait3A_161 = tpu.memref_squeeze %dma_wait3A_160 : memref<1x128xi32, #tpu.memory_space<vmem>> -> memref<128xi32, #tpu.memory_space<vmem>>
      %dma_wait3A_162 = arith.constant 0 : i32
      %dma_wait3A_163 = arith.constant 0 : i32
      %dma_wait3A_164 = tpu.memref_slice %arg4[%dma_wait3A_162, %dma_wait3A_163] : memref<40008x128xf32, #tpu.memory_space<hbm>> -> memref<40008x128xf32, #tpu.memory_space<hbm>>
      tpu.wait_indirect_dma semaphore(%arg13 : memref<!tpu.dma_semaphore, #tpu.memory_space<semaphore_mem>>) src(%dma_wait3A_164 : memref<40008x128xf32, #tpu.memory_space<hbm>>) dst(%arg9 : memref<128x128xf32, #tpu.memory_space<vmem>>)
      %dma_wait3A_165 = arith.constant 0 : i32
      %dma_wait3A_166 = arith.constant 0 : i32
      %dma_wait3A_167 = tpu.memref_slice %arg7[%dma_wait3A_165, %dma_wait3A_166] : memref<16x128xi32, #tpu.memory_space<vmem>> -> memref<1x128xi32, #tpu.memory_space<vmem>>
      %dma_wait3A_168 = tpu.memref_squeeze %dma_wait3A_167 : memref<1x128xi32, #tpu.memory_space<vmem>> -> memref<128xi32, #tpu.memory_space<vmem>>
      %dma_wait3A_169 = arith.constant 0 : i32
      %dma_wait3A_170 = arith.constant 0 : i32
      %dma_wait3A_171 = tpu.memref_slice %arg11[%dma_wait3A_169, %dma_wait3A_170] : memref<10240x128xf32, #tpu.memory_space<vmem_shared>> -> memref<10240x128xf32, #tpu.memory_space<vmem_shared>>
      tpu.wait_indirect_dma semaphore(%arg14 : memref<!tpu.dma_semaphore, #tpu.memory_space<semaphore_mem>>) src(%arg8 : memref<128x128xf32, #tpu.memory_space<vmem>>) dst(%dma_wait3A_171 : memref<10240x128xf32, #tpu.memory_space<vmem_shared>>)
      %dma_start3A_172 = arith.constant 2 : i32
      %dma_start3A_173 = arith.constant 0 : i32
      %dma_start3A_174 = tpu.memref_slice %arg6[%dma_start3A_172, %dma_start3A_173] : memref<16x128xi32, #tpu.memory_space<vmem>> -> memref<1x128xi32, #tpu.memory_space<vmem>>
      %dma_start3A_175 = tpu.memref_squeeze %dma_start3A_174 : memref<1x128xi32, #tpu.memory_space<vmem>> -> memref<128xi32, #tpu.memory_space<vmem>>
      %dma_start3A_176 = arith.constant 0 : i32
      %dma_start3A_177 = arith.constant 0 : i32
      %dma_start3A_178 = tpu.memref_slice %arg4[%dma_start3A_176, %dma_start3A_177] : memref<40008x128xf32, #tpu.memory_space<hbm>> -> memref<40008x128xf32, #tpu.memory_space<hbm>>
      tpu.enqueue_indirect_dma source(%dma_start3A_178 : memref<40008x128xf32, #tpu.memory_space<hbm>>) target(%arg8 : memref<128x128xf32, #tpu.memory_space<vmem>>) offsets(%dma_start3A_175 : memref<128xi32, #tpu.memory_space<vmem>>) semaphore(%arg12 : memref<!tpu.dma_semaphore, #tpu.memory_space<semaphore_mem>>)
      %dma_start3A_179 = arith.constant 1 : i32
      %dma_start3A_180 = arith.constant 0 : i32
      %dma_start3A_181 = tpu.memref_slice %arg7[%dma_start3A_179, %dma_start3A_180] : memref<16x128xi32, #tpu.memory_space<vmem>> -> memref<1x128xi32, #tpu.memory_space<vmem>>
      %dma_start3A_182 = tpu.memref_squeeze %dma_start3A_181 : memref<1x128xi32, #tpu.memory_space<vmem>> -> memref<128xi32, #tpu.memory_space<vmem>>
      %dma_start3A_183 = arith.constant 0 : i32
      %dma_start3A_184 = arith.constant 0 : i32
      %dma_start3A_185 = tpu.memref_slice %arg11[%dma_start3A_183, %dma_start3A_184] : memref<10240x128xf32, #tpu.memory_space<vmem_shared>> -> memref<10240x128xf32, #tpu.memory_space<vmem_shared>>
      tpu.enqueue_indirect_dma source(%arg9 : memref<128x128xf32, #tpu.memory_space<vmem>>) target(%dma_start3A_185 : memref<10240x128xf32, #tpu.memory_space<vmem_shared>>) offsets(%dma_start3A_182 : memref<128xi32, #tpu.memory_space<vmem>>) semaphore(%arg15 : memref<!tpu.dma_semaphore, #tpu.memory_space<semaphore_mem>>) {add = true}
      %dma_wait3A_186 = arith.constant 2 : i32
      %dma_wait3A_187 = arith.constant 0 : i32
      %dma_wait3A_188 = tpu.memref_slice %arg6[%dma_wait3A_186, %dma_wait3A_187] : memref<16x128xi32, #tpu.memory_space<vmem>> -> memref<1x128xi32, #tpu.memory_space<vmem>>
      %dma_wait3A_189 = tpu.memref_squeeze %dma_wait3A_188 : memref<1x128xi32, #tpu.memory_space<vmem>> -> memref<128xi32, #tpu.memory_space<vmem>>
      %dma_wait3A_190 = arith.constant 0 : i32
      %dma_wait3A_191 = arith.constant 0 : i32
      %dma_wait3A_192 = tpu.memref_slice %arg4[%dma_wait3A_190, %dma_wait3A_191] : memref<40008x128xf32, #tpu.memory_space<hbm>> -> memref<40008x128xf32, #tpu.memory_space<hbm>>
      tpu.wait_indirect_dma semaphore(%arg12 : memref<!tpu.dma_semaphore, #tpu.memory_space<semaphore_mem>>) src(%dma_wait3A_192 : memref<40008x128xf32, #tpu.memory_space<hbm>>) dst(%arg8 : memref<128x128xf32, #tpu.memory_space<vmem>>)
      %dma_wait3A_193 = arith.constant 1 : i32
      %dma_wait3A_194 = arith.constant 0 : i32
      %dma_wait3A_195 = tpu.memref_slice %arg7[%dma_wait3A_193, %dma_wait3A_194] : memref<16x128xi32, #tpu.memory_space<vmem>> -> memref<1x128xi32, #tpu.memory_space<vmem>>
      %dma_wait3A_196 = tpu.memref_squeeze %dma_wait3A_195 : memref<1x128xi32, #tpu.memory_space<vmem>> -> memref<128xi32, #tpu.memory_space<vmem>>
      %dma_wait3A_197 = arith.constant 0 : i32
      %dma_wait3A_198 = arith.constant 0 : i32
      %dma_wait3A_199 = tpu.memref_slice %arg11[%dma_wait3A_197, %dma_wait3A_198] : memref<10240x128xf32, #tpu.memory_space<vmem_shared>> -> memref<10240x128xf32, #tpu.memory_space<vmem_shared>>
      tpu.wait_indirect_dma semaphore(%arg15 : memref<!tpu.dma_semaphore, #tpu.memory_space<semaphore_mem>>) src(%arg9 : memref<128x128xf32, #tpu.memory_space<vmem>>) dst(%dma_wait3A_199 : memref<10240x128xf32, #tpu.memory_space<vmem_shared>>)
      %dma_start3A_200 = arith.constant 3 : i32
      %dma_start3A_201 = arith.constant 0 : i32
      %dma_start3A_202 = tpu.memref_slice %arg6[%dma_start3A_200, %dma_start3A_201] : memref<16x128xi32, #tpu.memory_space<vmem>> -> memref<1x128xi32, #tpu.memory_space<vmem>>
      %dma_start3A_203 = tpu.memref_squeeze %dma_start3A_202 : memref<1x128xi32, #tpu.memory_space<vmem>> -> memref<128xi32, #tpu.memory_space<vmem>>
      %dma_start3A_204 = arith.constant 0 : i32
      %dma_start3A_205 = arith.constant 0 : i32
      %dma_start3A_206 = tpu.memref_slice %arg4[%dma_start3A_204, %dma_start3A_205] : memref<40008x128xf32, #tpu.memory_space<hbm>> -> memref<40008x128xf32, #tpu.memory_space<hbm>>
      tpu.enqueue_indirect_dma source(%dma_start3A_206 : memref<40008x128xf32, #tpu.memory_space<hbm>>) target(%arg9 : memref<128x128xf32, #tpu.memory_space<vmem>>) offsets(%dma_start3A_203 : memref<128xi32, #tpu.memory_space<vmem>>) semaphore(%arg13 : memref<!tpu.dma_semaphore, #tpu.memory_space<semaphore_mem>>)
      %dma_start3A_207 = arith.constant 2 : i32
      %dma_start3A_208 = arith.constant 0 : i32
      %dma_start3A_209 = tpu.memref_slice %arg7[%dma_start3A_207, %dma_start3A_208] : memref<16x128xi32, #tpu.memory_space<vmem>> -> memref<1x128xi32, #tpu.memory_space<vmem>>
      %dma_start3A_210 = tpu.memref_squeeze %dma_start3A_209 : memref<1x128xi32, #tpu.memory_space<vmem>> -> memref<128xi32, #tpu.memory_space<vmem>>
      %dma_start3A_211 = arith.constant 0 : i32
      %dma_start3A_212 = arith.constant 0 : i32
      %dma_start3A_213 = tpu.memref_slice %arg11[%dma_start3A_211, %dma_start3A_212] : memref<10240x128xf32, #tpu.memory_space<vmem_shared>> -> memref<10240x128xf32, #tpu.memory_space<vmem_shared>>
      tpu.enqueue_indirect_dma source(%arg8 : memref<128x128xf32, #tpu.memory_space<vmem>>) target(%dma_start3A_213 : memref<10240x128xf32, #tpu.memory_space<vmem_shared>>) offsets(%dma_start3A_210 : memref<128xi32, #tpu.memory_space<vmem>>) semaphore(%arg14 : memref<!tpu.dma_semaphore, #tpu.memory_space<semaphore_mem>>) {add = true}
      %dma_wait3A_214 = arith.constant 3 : i32
      %dma_wait3A_215 = arith.constant 0 : i32
      %dma_wait3A_216 = tpu.memref_slice %arg6[%dma_wait3A_214, %dma_wait3A_215] : memref<16x128xi32, #tpu.memory_space<vmem>> -> memref<1x128xi32, #tpu.memory_space<vmem>>
      %dma_wait3A_217 = tpu.memref_squeeze %dma_wait3A_216 : memref<1x128xi32, #tpu.memory_space<vmem>> -> memref<128xi32, #tpu.memory_space<vmem>>
      %dma_wait3A_218 = arith.constant 0 : i32
      %dma_wait3A_219 = arith.constant 0 : i32
      %dma_wait3A_220 = tpu.memref_slice %arg4[%dma_wait3A_218, %dma_wait3A_219] : memref<40008x128xf32, #tpu.memory_space<hbm>> -> memref<40008x128xf32, #tpu.memory_space<hbm>>
      tpu.wait_indirect_dma semaphore(%arg13 : memref<!tpu.dma_semaphore, #tpu.memory_space<semaphore_mem>>) src(%dma_wait3A_220 : memref<40008x128xf32, #tpu.memory_space<hbm>>) dst(%arg9 : memref<128x128xf32, #tpu.memory_space<vmem>>)
      %dma_wait3A_221 = arith.constant 2 : i32
      %dma_wait3A_222 = arith.constant 0 : i32
      %dma_wait3A_223 = tpu.memref_slice %arg7[%dma_wait3A_221, %dma_wait3A_222] : memref<16x128xi32, #tpu.memory_space<vmem>> -> memref<1x128xi32, #tpu.memory_space<vmem>>
      %dma_wait3A_224 = tpu.memref_squeeze %dma_wait3A_223 : memref<1x128xi32, #tpu.memory_space<vmem>> -> memref<128xi32, #tpu.memory_space<vmem>>
      %dma_wait3A_225 = arith.constant 0 : i32
      %dma_wait3A_226 = arith.constant 0 : i32
      %dma_wait3A_227 = tpu.memref_slice %arg11[%dma_wait3A_225, %dma_wait3A_226] : memref<10240x128xf32, #tpu.memory_space<vmem_shared>> -> memref<10240x128xf32, #tpu.memory_space<vmem_shared>>
      tpu.wait_indirect_dma semaphore(%arg14 : memref<!tpu.dma_semaphore, #tpu.memory_space<semaphore_mem>>) src(%arg8 : memref<128x128xf32, #tpu.memory_space<vmem>>) dst(%dma_wait3A_227 : memref<10240x128xf32, #tpu.memory_space<vmem_shared>>)
      %dma_start3A_228 = arith.constant 4 : i32
      %dma_start3A_229 = arith.constant 0 : i32
      %dma_start3A_230 = tpu.memref_slice %arg6[%dma_start3A_228, %dma_start3A_229] : memref<16x128xi32, #tpu.memory_space<vmem>> -> memref<1x128xi32, #tpu.memory_space<vmem>>
      %dma_start3A_231 = tpu.memref_squeeze %dma_start3A_230 : memref<1x128xi32, #tpu.memory_space<vmem>> -> memref<128xi32, #tpu.memory_space<vmem>>
      %dma_start3A_232 = arith.constant 0 : i32
      %dma_start3A_233 = arith.constant 0 : i32
      %dma_start3A_234 = tpu.memref_slice %arg4[%dma_start3A_232, %dma_start3A_233] : memref<40008x128xf32, #tpu.memory_space<hbm>> -> memref<40008x128xf32, #tpu.memory_space<hbm>>
      tpu.enqueue_indirect_dma source(%dma_start3A_234 : memref<40008x128xf32, #tpu.memory_space<hbm>>) target(%arg8 : memref<128x128xf32, #tpu.memory_space<vmem>>) offsets(%dma_start3A_231 : memref<128xi32, #tpu.memory_space<vmem>>) semaphore(%arg12 : memref<!tpu.dma_semaphore, #tpu.memory_space<semaphore_mem>>)
      %dma_start3A_235 = arith.constant 3 : i32
      %dma_start3A_236 = arith.constant 0 : i32
      %dma_start3A_237 = tpu.memref_slice %arg7[%dma_start3A_235, %dma_start3A_236] : memref<16x128xi32, #tpu.memory_space<vmem>> -> memref<1x128xi32, #tpu.memory_space<vmem>>
      %dma_start3A_238 = tpu.memref_squeeze %dma_start3A_237 : memref<1x128xi32, #tpu.memory_space<vmem>> -> memref<128xi32, #tpu.memory_space<vmem>>
      %dma_start3A_239 = arith.constant 0 : i32
      %dma_start3A_240 = arith.constant 0 : i32
      %dma_start3A_241 = tpu.memref_slice %arg11[%dma_start3A_239, %dma_start3A_240] : memref<10240x128xf32, #tpu.memory_space<vmem_shared>> -> memref<10240x128xf32, #tpu.memory_space<vmem_shared>>
      tpu.enqueue_indirect_dma source(%arg9 : memref<128x128xf32, #tpu.memory_space<vmem>>) target(%dma_start3A_241 : memref<10240x128xf32, #tpu.memory_space<vmem_shared>>) offsets(%dma_start3A_238 : memref<128xi32, #tpu.memory_space<vmem>>) semaphore(%arg15 : memref<!tpu.dma_semaphore, #tpu.memory_space<semaphore_mem>>) {add = true}
      %dma_wait3A_242 = arith.constant 4 : i32
      %dma_wait3A_243 = arith.constant 0 : i32
      %dma_wait3A_244 = tpu.memref_slice %arg6[%dma_wait3A_242, %dma_wait3A_243] : memref<16x128xi32, #tpu.memory_space<vmem>> -> memref<1x128xi32, #tpu.memory_space<vmem>>
      %dma_wait3A_245 = tpu.memref_squeeze %dma_wait3A_244 : memref<1x128xi32, #tpu.memory_space<vmem>> -> memref<128xi32, #tpu.memory_space<vmem>>
      %dma_wait3A_246 = arith.constant 0 : i32
      %dma_wait3A_247 = arith.constant 0 : i32
      %dma_wait3A_248 = tpu.memref_slice %arg4[%dma_wait3A_246, %dma_wait3A_247] : memref<40008x128xf32, #tpu.memory_space<hbm>> -> memref<40008x128xf32, #tpu.memory_space<hbm>>
      tpu.wait_indirect_dma semaphore(%arg12 : memref<!tpu.dma_semaphore, #tpu.memory_space<semaphore_mem>>) src(%dma_wait3A_248 : memref<40008x128xf32, #tpu.memory_space<hbm>>) dst(%arg8 : memref<128x128xf32, #tpu.memory_space<vmem>>)
      %dma_wait3A_249 = arith.constant 3 : i32
      %dma_wait3A_250 = arith.constant 0 : i32
      %dma_wait3A_251 = tpu.memref_slice %arg7[%dma_wait3A_249, %dma_wait3A_250] : memref<16x128xi32, #tpu.memory_space<vmem>> -> memref<1x128xi32, #tpu.memory_space<vmem>>
      %dma_wait3A_252 = tpu.memref_squeeze %dma_wait3A_251 : memref<1x128xi32, #tpu.memory_space<vmem>> -> memref<128xi32, #tpu.memory_space<vmem>>
      %dma_wait3A_253 = arith.constant 0 : i32
      %dma_wait3A_254 = arith.constant 0 : i32
      %dma_wait3A_255 = tpu.memref_slice %arg11[%dma_wait3A_253, %dma_wait3A_254] : memref<10240x128xf32, #tpu.memory_space<vmem_shared>> -> memref<10240x128xf32, #tpu.memory_space<vmem_shared>>
      tpu.wait_indirect_dma semaphore(%arg15 : memref<!tpu.dma_semaphore, #tpu.memory_space<semaphore_mem>>) src(%arg9 : memref<128x128xf32, #tpu.memory_space<vmem>>) dst(%dma_wait3A_255 : memref<10240x128xf32, #tpu.memory_space<vmem_shared>>)
      %dma_start3A_256 = arith.constant 5 : i32
      %dma_start3A_257 = arith.constant 0 : i32
      %dma_start3A_258 = tpu.memref_slice %arg6[%dma_start3A_256, %dma_start3A_257] : memref<16x128xi32, #tpu.memory_space<vmem>> -> memref<1x128xi32, #tpu.memory_space<vmem>>
      %dma_start3A_259 = tpu.memref_squeeze %dma_start3A_258 : memref<1x128xi32, #tpu.memory_space<vmem>> -> memref<128xi32, #tpu.memory_space<vmem>>
      %dma_start3A_260 = arith.constant 0 : i32
      %dma_start3A_261 = arith.constant 0 : i32
      %dma_start3A_262 = tpu.memref_slice %arg4[%dma_start3A_260, %dma_start3A_261] : memref<40008x128xf32, #tpu.memory_space<hbm>> -> memref<40008x128xf32, #tpu.memory_space<hbm>>
      tpu.enqueue_indirect_dma source(%dma_start3A_262 : memref<40008x128xf32, #tpu.memory_space<hbm>>) target(%arg9 : memref<128x128xf32, #tpu.memory_space<vmem>>) offsets(%dma_start3A_259 : memref<128xi32, #tpu.memory_space<vmem>>) semaphore(%arg13 : memref<!tpu.dma_semaphore, #tpu.memory_space<semaphore_mem>>)
      %dma_start3A_263 = arith.constant 4 : i32
      %dma_start3A_264 = arith.constant 0 : i32
      %dma_start3A_265 = tpu.memref_slice %arg7[%dma_start3A_263, %dma_start3A_264] : memref<16x128xi32, #tpu.memory_space<vmem>> -> memref<1x128xi32, #tpu.memory_space<vmem>>
      %dma_start3A_266 = tpu.memref_squeeze %dma_start3A_265 : memref<1x128xi32, #tpu.memory_space<vmem>> -> memref<128xi32, #tpu.memory_space<vmem>>
      %dma_start3A_267 = arith.constant 0 : i32
      %dma_start3A_268 = arith.constant 0 : i32
      %dma_start3A_269 = tpu.memref_slice %arg11[%dma_start3A_267, %dma_start3A_268] : memref<10240x128xf32, #tpu.memory_space<vmem_shared>> -> memref<10240x128xf32, #tpu.memory_space<vmem_shared>>
      tpu.enqueue_indirect_dma source(%arg8 : memref<128x128xf32, #tpu.memory_space<vmem>>) target(%dma_start3A_269 : memref<10240x128xf32, #tpu.memory_space<vmem_shared>>) offsets(%dma_start3A_266 : memref<128xi32, #tpu.memory_space<vmem>>) semaphore(%arg14 : memref<!tpu.dma_semaphore, #tpu.memory_space<semaphore_mem>>) {add = true}
      %dma_wait3A_270 = arith.constant 5 : i32
      %dma_wait3A_271 = arith.constant 0 : i32
      %dma_wait3A_272 = tpu.memref_slice %arg6[%dma_wait3A_270, %dma_wait3A_271] : memref<16x128xi32, #tpu.memory_space<vmem>> -> memref<1x128xi32, #tpu.memory_space<vmem>>
      %dma_wait3A_273 = tpu.memref_squeeze %dma_wait3A_272 : memref<1x128xi32, #tpu.memory_space<vmem>> -> memref<128xi32, #tpu.memory_space<vmem>>
      %dma_wait3A_274 = arith.constant 0 : i32
      %dma_wait3A_275 = arith.constant 0 : i32
      %dma_wait3A_276 = tpu.memref_slice %arg4[%dma_wait3A_274, %dma_wait3A_275] : memref<40008x128xf32, #tpu.memory_space<hbm>> -> memref<40008x128xf32, #tpu.memory_space<hbm>>
      tpu.wait_indirect_dma semaphore(%arg13 : memref<!tpu.dma_semaphore, #tpu.memory_space<semaphore_mem>>) src(%dma_wait3A_276 : memref<40008x128xf32, #tpu.memory_space<hbm>>) dst(%arg9 : memref<128x128xf32, #tpu.memory_space<vmem>>)
      %dma_wait3A_277 = arith.constant 4 : i32
      %dma_wait3A_278 = arith.constant 0 : i32
      %dma_wait3A_279 = tpu.memref_slice %arg7[%dma_wait3A_277, %dma_wait3A_278] : memref<16x128xi32, #tpu.memory_space<vmem>> -> memref<1x128xi32, #tpu.memory_space<vmem>>
      %dma_wait3A_280 = tpu.memref_squeeze %dma_wait3A_279 : memref<1x128xi32, #tpu.memory_space<vmem>> -> memref<128xi32, #tpu.memory_space<vmem>>
      %dma_wait3A_281 = arith.constant 0 : i32
      %dma_wait3A_282 = arith.constant 0 : i32
      %dma_wait3A_283 = tpu.memref_slice %arg11[%dma_wait3A_281, %dma_wait3A_282] : memref<10240x128xf32, #tpu.memory_space<vmem_shared>> -> memref<10240x128xf32, #tpu.memory_space<vmem_shared>>
      tpu.wait_indirect_dma semaphore(%arg14 : memref<!tpu.dma_semaphore, #tpu.memory_space<semaphore_mem>>) src(%arg8 : memref<128x128xf32, #tpu.memory_space<vmem>>) dst(%dma_wait3A_283 : memref<10240x128xf32, #tpu.memory_space<vmem_shared>>)
      %dma_start3A_284 = arith.constant 6 : i32
      %dma_start3A_285 = arith.constant 0 : i32
      %dma_start3A_286 = tpu.memref_slice %arg6[%dma_start3A_284, %dma_start3A_285] : memref<16x128xi32, #tpu.memory_space<vmem>> -> memref<1x128xi32, #tpu.memory_space<vmem>>
      %dma_start3A_287 = tpu.memref_squeeze %dma_start3A_286 : memref<1x128xi32, #tpu.memory_space<vmem>> -> memref<128xi32, #tpu.memory_space<vmem>>
      %dma_start3A_288 = arith.constant 0 : i32
      %dma_start3A_289 = arith.constant 0 : i32
      %dma_start3A_290 = tpu.memref_slice %arg4[%dma_start3A_288, %dma_start3A_289] : memref<40008x128xf32, #tpu.memory_space<hbm>> -> memref<40008x128xf32, #tpu.memory_space<hbm>>
      tpu.enqueue_indirect_dma source(%dma_start3A_290 : memref<40008x128xf32, #tpu.memory_space<hbm>>) target(%arg8 : memref<128x128xf32, #tpu.memory_space<vmem>>) offsets(%dma_start3A_287 : memref<128xi32, #tpu.memory_space<vmem>>) semaphore(%arg12 : memref<!tpu.dma_semaphore, #tpu.memory_space<semaphore_mem>>)
      %dma_start3A_291 = arith.constant 5 : i32
      %dma_start3A_292 = arith.constant 0 : i32
      %dma_start3A_293 = tpu.memref_slice %arg7[%dma_start3A_291, %dma_start3A_292] : memref<16x128xi32, #tpu.memory_space<vmem>> -> memref<1x128xi32, #tpu.memory_space<vmem>>
      %dma_start3A_294 = tpu.memref_squeeze %dma_start3A_293 : memref<1x128xi32, #tpu.memory_space<vmem>> -> memref<128xi32, #tpu.memory_space<vmem>>
      %dma_start3A_295 = arith.constant 0 : i32
      %dma_start3A_296 = arith.constant 0 : i32
      %dma_start3A_297 = tpu.memref_slice %arg11[%dma_start3A_295, %dma_start3A_296] : memref<10240x128xf32, #tpu.memory_space<vmem_shared>> -> memref<10240x128xf32, #tpu.memory_space<vmem_shared>>
      tpu.enqueue_indirect_dma source(%arg9 : memref<128x128xf32, #tpu.memory_space<vmem>>) target(%dma_start3A_297 : memref<10240x128xf32, #tpu.memory_space<vmem_shared>>) offsets(%dma_start3A_294 : memref<128xi32, #tpu.memory_space<vmem>>) semaphore(%arg15 : memref<!tpu.dma_semaphore, #tpu.memory_space<semaphore_mem>>) {add = true}
      %dma_wait3A_298 = arith.constant 6 : i32
      %dma_wait3A_299 = arith.constant 0 : i32
      %dma_wait3A_300 = tpu.memref_slice %arg6[%dma_wait3A_298, %dma_wait3A_299] : memref<16x128xi32, #tpu.memory_space<vmem>> -> memref<1x128xi32, #tpu.memory_space<vmem>>
      %dma_wait3A_301 = tpu.memref_squeeze %dma_wait3A_300 : memref<1x128xi32, #tpu.memory_space<vmem>> -> memref<128xi32, #tpu.memory_space<vmem>>
      %dma_wait3A_302 = arith.constant 0 : i32
      %dma_wait3A_303 = arith.constant 0 : i32
      %dma_wait3A_304 = tpu.memref_slice %arg4[%dma_wait3A_302, %dma_wait3A_303] : memref<40008x128xf32, #tpu.memory_space<hbm>> -> memref<40008x128xf32, #tpu.memory_space<hbm>>
      tpu.wait_indirect_dma semaphore(%arg12 : memref<!tpu.dma_semaphore, #tpu.memory_space<semaphore_mem>>) src(%dma_wait3A_304 : memref<40008x128xf32, #tpu.memory_space<hbm>>) dst(%arg8 : memref<128x128xf32, #tpu.memory_space<vmem>>)
      %dma_wait3A_305 = arith.constant 5 : i32
      %dma_wait3A_306 = arith.constant 0 : i32
      %dma_wait3A_307 = tpu.memref_slice %arg7[%dma_wait3A_305, %dma_wait3A_306] : memref<16x128xi32, #tpu.memory_space<vmem>> -> memref<1x128xi32, #tpu.memory_space<vmem>>
      %dma_wait3A_308 = tpu.memref_squeeze %dma_wait3A_307 : memref<1x128xi32, #tpu.memory_space<vmem>> -> memref<128xi32, #tpu.memory_space<vmem>>
      %dma_wait3A_309 = arith.constant 0 : i32
      %dma_wait3A_310 = arith.constant 0 : i32
      %dma_wait3A_311 = tpu.memref_slice %arg11[%dma_wait3A_309, %dma_wait3A_310] : memref<10240x128xf32, #tpu.memory_space<vmem_shared>> -> memref<10240x128xf32, #tpu.memory_space<vmem_shared>>
      tpu.wait_indirect_dma semaphore(%arg15 : memref<!tpu.dma_semaphore, #tpu.memory_space<semaphore_mem>>) src(%arg9 : memref<128x128xf32, #tpu.memory_space<vmem>>) dst(%dma_wait3A_311 : memref<10240x128xf32, #tpu.memory_space<vmem_shared>>)
      %dma_start3A_312 = arith.constant 7 : i32
      %dma_start3A_313 = arith.constant 0 : i32
      %dma_start3A_314 = tpu.memref_slice %arg6[%dma_start3A_312, %dma_start3A_313] : memref<16x128xi32, #tpu.memory_space<vmem>> -> memref<1x128xi32, #tpu.memory_space<vmem>>
      %dma_start3A_315 = tpu.memref_squeeze %dma_start3A_314 : memref<1x128xi32, #tpu.memory_space<vmem>> -> memref<128xi32, #tpu.memory_space<vmem>>
      %dma_start3A_316 = arith.constant 0 : i32
      %dma_start3A_317 = arith.constant 0 : i32
      %dma_start3A_318 = tpu.memref_slice %arg4[%dma_start3A_316, %dma_start3A_317] : memref<40008x128xf32, #tpu.memory_space<hbm>> -> memref<40008x128xf32, #tpu.memory_space<hbm>>
      tpu.enqueue_indirect_dma source(%dma_start3A_318 : memref<40008x128xf32, #tpu.memory_space<hbm>>) target(%arg9 : memref<128x128xf32, #tpu.memory_space<vmem>>) offsets(%dma_start3A_315 : memref<128xi32, #tpu.memory_space<vmem>>) semaphore(%arg13 : memref<!tpu.dma_semaphore, #tpu.memory_space<semaphore_mem>>)
      %dma_start3A_319 = arith.constant 6 : i32
      %dma_start3A_320 = arith.constant 0 : i32
      %dma_start3A_321 = tpu.memref_slice %arg7[%dma_start3A_319, %dma_start3A_320] : memref<16x128xi32, #tpu.memory_space<vmem>> -> memref<1x128xi32, #tpu.memory_space<vmem>>
      %dma_start3A_322 = tpu.memref_squeeze %dma_start3A_321 : memref<1x128xi32, #tpu.memory_space<vmem>> -> memref<128xi32, #tpu.memory_space<vmem>>
      %dma_start3A_323 = arith.constant 0 : i32
      %dma_start3A_324 = arith.constant 0 : i32
      %dma_start3A_325 = tpu.memref_slice %arg11[%dma_start3A_323, %dma_start3A_324] : memref<10240x128xf32, #tpu.memory_space<vmem_shared>> -> memref<10240x128xf32, #tpu.memory_space<vmem_shared>>
      tpu.enqueue_indirect_dma source(%arg8 : memref<128x128xf32, #tpu.memory_space<vmem>>) target(%dma_start3A_325 : memref<10240x128xf32, #tpu.memory_space<vmem_shared>>) offsets(%dma_start3A_322 : memref<128xi32, #tpu.memory_space<vmem>>) semaphore(%arg14 : memref<!tpu.dma_semaphore, #tpu.memory_space<semaphore_mem>>) {add = true}
      %dma_wait3A_326 = arith.constant 7 : i32
      %dma_wait3A_327 = arith.constant 0 : i32
      %dma_wait3A_328 = tpu.memref_slice %arg6[%dma_wait3A_326, %dma_wait3A_327] : memref<16x128xi32, #tpu.memory_space<vmem>> -> memref<1x128xi32, #tpu.memory_space<vmem>>
      %dma_wait3A_329 = tpu.memref_squeeze %dma_wait3A_328 : memref<1x128xi32, #tpu.memory_space<vmem>> -> memref<128xi32, #tpu.memory_space<vmem>>
      %dma_wait3A_330 = arith.constant 0 : i32
      %dma_wait3A_331 = arith.constant 0 : i32
      %dma_wait3A_332 = tpu.memref_slice %arg4[%dma_wait3A_330, %dma_wait3A_331] : memref<40008x128xf32, #tpu.memory_space<hbm>> -> memref<40008x128xf32, #tpu.memory_space<hbm>>
      tpu.wait_indirect_dma semaphore(%arg13 : memref<!tpu.dma_semaphore, #tpu.memory_space<semaphore_mem>>) src(%dma_wait3A_332 : memref<40008x128xf32, #tpu.memory_space<hbm>>) dst(%arg9 : memref<128x128xf32, #tpu.memory_space<vmem>>)
      %dma_wait3A_333 = arith.constant 6 : i32
      %dma_wait3A_334 = arith.constant 0 : i32
      %dma_wait3A_335 = tpu.memref_slice %arg7[%dma_wait3A_333, %dma_wait3A_334] : memref<16x128xi32, #tpu.memory_space<vmem>> -> memref<1x128xi32, #tpu.memory_space<vmem>>
      %dma_wait3A_336 = tpu.memref_squeeze %dma_wait3A_335 : memref<1x128xi32, #tpu.memory_space<vmem>> -> memref<128xi32, #tpu.memory_space<vmem>>
      %dma_wait3A_337 = arith.constant 0 : i32
      %dma_wait3A_338 = arith.constant 0 : i32
      %dma_wait3A_339 = tpu.memref_slice %arg11[%dma_wait3A_337, %dma_wait3A_338] : memref<10240x128xf32, #tpu.memory_space<vmem_shared>> -> memref<10240x128xf32, #tpu.memory_space<vmem_shared>>
      tpu.wait_indirect_dma semaphore(%arg14 : memref<!tpu.dma_semaphore, #tpu.memory_space<semaphore_mem>>) src(%arg8 : memref<128x128xf32, #tpu.memory_space<vmem>>) dst(%dma_wait3A_339 : memref<10240x128xf32, #tpu.memory_space<vmem_shared>>)
      %dma_start3A_340 = arith.constant 8 : i32
      %dma_start3A_341 = arith.constant 0 : i32
      %dma_start3A_342 = tpu.memref_slice %arg6[%dma_start3A_340, %dma_start3A_341] : memref<16x128xi32, #tpu.memory_space<vmem>> -> memref<1x128xi32, #tpu.memory_space<vmem>>
      %dma_start3A_343 = tpu.memref_squeeze %dma_start3A_342 : memref<1x128xi32, #tpu.memory_space<vmem>> -> memref<128xi32, #tpu.memory_space<vmem>>
      %dma_start3A_344 = arith.constant 0 : i32
      %dma_start3A_345 = arith.constant 0 : i32
      %dma_start3A_346 = tpu.memref_slice %arg4[%dma_start3A_344, %dma_start3A_345] : memref<40008x128xf32, #tpu.memory_space<hbm>> -> memref<40008x128xf32, #tpu.memory_space<hbm>>
      tpu.enqueue_indirect_dma source(%dma_start3A_346 : memref<40008x128xf32, #tpu.memory_space<hbm>>) target(%arg8 : memref<128x128xf32, #tpu.memory_space<vmem>>) offsets(%dma_start3A_343 : memref<128xi32, #tpu.memory_space<vmem>>) semaphore(%arg12 : memref<!tpu.dma_semaphore, #tpu.memory_space<semaphore_mem>>)
      %dma_start3A_347 = arith.constant 7 : i32
      %dma_start3A_348 = arith.constant 0 : i32
      %dma_start3A_349 = tpu.memref_slice %arg7[%dma_start3A_347, %dma_start3A_348] : memref<16x128xi32, #tpu.memory_space<vmem>> -> memref<1x128xi32, #tpu.memory_space<vmem>>
      %dma_start3A_350 = tpu.memref_squeeze %dma_start3A_349 : memref<1x128xi32, #tpu.memory_space<vmem>> -> memref<128xi32, #tpu.memory_space<vmem>>
      %dma_start3A_351 = arith.constant 0 : i32
      %dma_start3A_352 = arith.constant 0 : i32
      %dma_start3A_353 = tpu.memref_slice %arg11[%dma_start3A_351, %dma_start3A_352] : memref<10240x128xf32, #tpu.memory_space<vmem_shared>> -> memref<10240x128xf32, #tpu.memory_space<vmem_shared>>
      tpu.enqueue_indirect_dma source(%arg9 : memref<128x128xf32, #tpu.memory_space<vmem>>) target(%dma_start3A_353 : memref<10240x128xf32, #tpu.memory_space<vmem_shared>>) offsets(%dma_start3A_350 : memref<128xi32, #tpu.memory_space<vmem>>) semaphore(%arg15 : memref<!tpu.dma_semaphore, #tpu.memory_space<semaphore_mem>>) {add = true}
      %dma_wait3A_354 = arith.constant 8 : i32
      %dma_wait3A_355 = arith.constant 0 : i32
      %dma_wait3A_356 = tpu.memref_slice %arg6[%dma_wait3A_354, %dma_wait3A_355] : memref<16x128xi32, #tpu.memory_space<vmem>> -> memref<1x128xi32, #tpu.memory_space<vmem>>
      %dma_wait3A_357 = tpu.memref_squeeze %dma_wait3A_356 : memref<1x128xi32, #tpu.memory_space<vmem>> -> memref<128xi32, #tpu.memory_space<vmem>>
      %dma_wait3A_358 = arith.constant 0 : i32
      %dma_wait3A_359 = arith.constant 0 : i32
      %dma_wait3A_360 = tpu.memref_slice %arg4[%dma_wait3A_358, %dma_wait3A_359] : memref<40008x128xf32, #tpu.memory_space<hbm>> -> memref<40008x128xf32, #tpu.memory_space<hbm>>
      tpu.wait_indirect_dma semaphore(%arg12 : memref<!tpu.dma_semaphore, #tpu.memory_space<semaphore_mem>>) src(%dma_wait3A_360 : memref<40008x128xf32, #tpu.memory_space<hbm>>) dst(%arg8 : memref<128x128xf32, #tpu.memory_space<vmem>>)
      %dma_wait3A_361 = arith.constant 7 : i32
      %dma_wait3A_362 = arith.constant 0 : i32
      %dma_wait3A_363 = tpu.memref_slice %arg7[%dma_wait3A_361, %dma_wait3A_362] : memref<16x128xi32, #tpu.memory_space<vmem>> -> memref<1x128xi32, #tpu.memory_space<vmem>>
      %dma_wait3A_364 = tpu.memref_squeeze %dma_wait3A_363 : memref<1x128xi32, #tpu.memory_space<vmem>> -> memref<128xi32, #tpu.memory_space<vmem>>
      %dma_wait3A_365 = arith.constant 0 : i32
      %dma_wait3A_366 = arith.constant 0 : i32
      %dma_wait3A_367 = tpu.memref_slice %arg11[%dma_wait3A_365, %dma_wait3A_366] : memref<10240x128xf32, #tpu.memory_space<vmem_shared>> -> memref<10240x128xf32, #tpu.memory_space<vmem_shared>>
      tpu.wait_indirect_dma semaphore(%arg15 : memref<!tpu.dma_semaphore, #tpu.memory_space<semaphore_mem>>) src(%arg9 : memref<128x128xf32, #tpu.memory_space<vmem>>) dst(%dma_wait3A_367 : memref<10240x128xf32, #tpu.memory_space<vmem_shared>>)
      %dma_start3A_368 = arith.constant 9 : i32
      %dma_start3A_369 = arith.constant 0 : i32
      %dma_start3A_370 = tpu.memref_slice %arg6[%dma_start3A_368, %dma_start3A_369] : memref<16x128xi32, #tpu.memory_space<vmem>> -> memref<1x128xi32, #tpu.memory_space<vmem>>
      %dma_start3A_371 = tpu.memref_squeeze %dma_start3A_370 : memref<1x128xi32, #tpu.memory_space<vmem>> -> memref<128xi32, #tpu.memory_space<vmem>>
      %dma_start3A_372 = arith.constant 0 : i32
      %dma_start3A_373 = arith.constant 0 : i32
      %dma_start3A_374 = tpu.memref_slice %arg4[%dma_start3A_372, %dma_start3A_373] : memref<40008x128xf32, #tpu.memory_space<hbm>> -> memref<40008x128xf32, #tpu.memory_space<hbm>>
      tpu.enqueue_indirect_dma source(%dma_start3A_374 : memref<40008x128xf32, #tpu.memory_space<hbm>>) target(%arg9 : memref<128x128xf32, #tpu.memory_space<vmem>>) offsets(%dma_start3A_371 : memref<128xi32, #tpu.memory_space<vmem>>) semaphore(%arg13 : memref<!tpu.dma_semaphore, #tpu.memory_space<semaphore_mem>>)
      %dma_start3A_375 = arith.constant 8 : i32
      %dma_start3A_376 = arith.constant 0 : i32
      %dma_start3A_377 = tpu.memref_slice %arg7[%dma_start3A_375, %dma_start3A_376] : memref<16x128xi32, #tpu.memory_space<vmem>> -> memref<1x128xi32, #tpu.memory_space<vmem>>
      %dma_start3A_378 = tpu.memref_squeeze %dma_start3A_377 : memref<1x128xi32, #tpu.memory_space<vmem>> -> memref<128xi32, #tpu.memory_space<vmem>>
      %dma_start3A_379 = arith.constant 0 : i32
      %dma_start3A_380 = arith.constant 0 : i32
      %dma_start3A_381 = tpu.memref_slice %arg11[%dma_start3A_379, %dma_start3A_380] : memref<10240x128xf32, #tpu.memory_space<vmem_shared>> -> memref<10240x128xf32, #tpu.memory_space<vmem_shared>>
      tpu.enqueue_indirect_dma source(%arg8 : memref<128x128xf32, #tpu.memory_space<vmem>>) target(%dma_start3A_381 : memref<10240x128xf32, #tpu.memory_space<vmem_shared>>) offsets(%dma_start3A_378 : memref<128xi32, #tpu.memory_space<vmem>>) semaphore(%arg14 : memref<!tpu.dma_semaphore, #tpu.memory_space<semaphore_mem>>) {add = true}
      %dma_wait3A_382 = arith.constant 9 : i32
      %dma_wait3A_383 = arith.constant 0 : i32
      %dma_wait3A_384 = tpu.memref_slice %arg6[%dma_wait3A_382, %dma_wait3A_383] : memref<16x128xi32, #tpu.memory_space<vmem>> -> memref<1x128xi32, #tpu.memory_space<vmem>>
      %dma_wait3A_385 = tpu.memref_squeeze %dma_wait3A_384 : memref<1x128xi32, #tpu.memory_space<vmem>> -> memref<128xi32, #tpu.memory_space<vmem>>
      %dma_wait3A_386 = arith.constant 0 : i32
      %dma_wait3A_387 = arith.constant 0 : i32
      %dma_wait3A_388 = tpu.memref_slice %arg4[%dma_wait3A_386, %dma_wait3A_387] : memref<40008x128xf32, #tpu.memory_space<hbm>> -> memref<40008x128xf32, #tpu.memory_space<hbm>>
      tpu.wait_indirect_dma semaphore(%arg13 : memref<!tpu.dma_semaphore, #tpu.memory_space<semaphore_mem>>) src(%dma_wait3A_388 : memref<40008x128xf32, #tpu.memory_space<hbm>>) dst(%arg9 : memref<128x128xf32, #tpu.memory_space<vmem>>)
      %dma_wait3A_389 = arith.constant 8 : i32
      %dma_wait3A_390 = arith.constant 0 : i32
      %dma_wait3A_391 = tpu.memref_slice %arg7[%dma_wait3A_389, %dma_wait3A_390] : memref<16x128xi32, #tpu.memory_space<vmem>> -> memref<1x128xi32, #tpu.memory_space<vmem>>
      %dma_wait3A_392 = tpu.memref_squeeze %dma_wait3A_391 : memref<1x128xi32, #tpu.memory_space<vmem>> -> memref<128xi32, #tpu.memory_space<vmem>>
      %dma_wait3A_393 = arith.constant 0 : i32
      %dma_wait3A_394 = arith.constant 0 : i32
      %dma_wait3A_395 = tpu.memref_slice %arg11[%dma_wait3A_393, %dma_wait3A_394] : memref<10240x128xf32, #tpu.memory_space<vmem_shared>> -> memref<10240x128xf32, #tpu.memory_space<vmem_shared>>
      tpu.wait_indirect_dma semaphore(%arg14 : memref<!tpu.dma_semaphore, #tpu.memory_space<semaphore_mem>>) src(%arg8 : memref<128x128xf32, #tpu.memory_space<vmem>>) dst(%dma_wait3A_395 : memref<10240x128xf32, #tpu.memory_space<vmem_shared>>)
      %dma_start3A_396 = arith.constant 10 : i32
      %dma_start3A_397 = arith.constant 0 : i32
      %dma_start3A_398 = tpu.memref_slice %arg6[%dma_start3A_396, %dma_start3A_397] : memref<16x128xi32, #tpu.memory_space<vmem>> -> memref<1x128xi32, #tpu.memory_space<vmem>>
      %dma_start3A_399 = tpu.memref_squeeze %dma_start3A_398 : memref<1x128xi32, #tpu.memory_space<vmem>> -> memref<128xi32, #tpu.memory_space<vmem>>
      %dma_start3A_400 = arith.constant 0 : i32
      %dma_start3A_401 = arith.constant 0 : i32
      %dma_start3A_402 = tpu.memref_slice %arg4[%dma_start3A_400, %dma_start3A_401] : memref<40008x128xf32, #tpu.memory_space<hbm>> -> memref<40008x128xf32, #tpu.memory_space<hbm>>
      tpu.enqueue_indirect_dma source(%dma_start3A_402 : memref<40008x128xf32, #tpu.memory_space<hbm>>) target(%arg8 : memref<128x128xf32, #tpu.memory_space<vmem>>) offsets(%dma_start3A_399 : memref<128xi32, #tpu.memory_space<vmem>>) semaphore(%arg12 : memref<!tpu.dma_semaphore, #tpu.memory_space<semaphore_mem>>)
      %dma_start3A_403 = arith.constant 9 : i32
      %dma_start3A_404 = arith.constant 0 : i32
      %dma_start3A_405 = tpu.memref_slice %arg7[%dma_start3A_403, %dma_start3A_404] : memref<16x128xi32, #tpu.memory_space<vmem>> -> memref<1x128xi32, #tpu.memory_space<vmem>>
      %dma_start3A_406 = tpu.memref_squeeze %dma_start3A_405 : memref<1x128xi32, #tpu.memory_space<vmem>> -> memref<128xi32, #tpu.memory_space<vmem>>
      %dma_start3A_407 = arith.constant 0 : i32
      %dma_start3A_408 = arith.constant 0 : i32
      %dma_start3A_409 = tpu.memref_slice %arg11[%dma_start3A_407, %dma_start3A_408] : memref<10240x128xf32, #tpu.memory_space<vmem_shared>> -> memref<10240x128xf32, #tpu.memory_space<vmem_shared>>
      tpu.enqueue_indirect_dma source(%arg9 : memref<128x128xf32, #tpu.memory_space<vmem>>) target(%dma_start3A_409 : memref<10240x128xf32, #tpu.memory_space<vmem_shared>>) offsets(%dma_start3A_406 : memref<128xi32, #tpu.memory_space<vmem>>) semaphore(%arg15 : memref<!tpu.dma_semaphore, #tpu.memory_space<semaphore_mem>>) {add = true}
      %dma_wait3A_410 = arith.constant 10 : i32
      %dma_wait3A_411 = arith.constant 0 : i32
      %dma_wait3A_412 = tpu.memref_slice %arg6[%dma_wait3A_410, %dma_wait3A_411] : memref<16x128xi32, #tpu.memory_space<vmem>> -> memref<1x128xi32, #tpu.memory_space<vmem>>
      %dma_wait3A_413 = tpu.memref_squeeze %dma_wait3A_412 : memref<1x128xi32, #tpu.memory_space<vmem>> -> memref<128xi32, #tpu.memory_space<vmem>>
      %dma_wait3A_414 = arith.constant 0 : i32
      %dma_wait3A_415 = arith.constant 0 : i32
      %dma_wait3A_416 = tpu.memref_slice %arg4[%dma_wait3A_414, %dma_wait3A_415] : memref<40008x128xf32, #tpu.memory_space<hbm>> -> memref<40008x128xf32, #tpu.memory_space<hbm>>
      tpu.wait_indirect_dma semaphore(%arg12 : memref<!tpu.dma_semaphore, #tpu.memory_space<semaphore_mem>>) src(%dma_wait3A_416 : memref<40008x128xf32, #tpu.memory_space<hbm>>) dst(%arg8 : memref<128x128xf32, #tpu.memory_space<vmem>>)
      %dma_wait3A_417 = arith.constant 9 : i32
      %dma_wait3A_418 = arith.constant 0 : i32
      %dma_wait3A_419 = tpu.memref_slice %arg7[%dma_wait3A_417, %dma_wait3A_418] : memref<16x128xi32, #tpu.memory_space<vmem>> -> memref<1x128xi32, #tpu.memory_space<vmem>>
      %dma_wait3A_420 = tpu.memref_squeeze %dma_wait3A_419 : memref<1x128xi32, #tpu.memory_space<vmem>> -> memref<128xi32, #tpu.memory_space<vmem>>
      %dma_wait3A_421 = arith.constant 0 : i32
      %dma_wait3A_422 = arith.constant 0 : i32
      %dma_wait3A_423 = tpu.memref_slice %arg11[%dma_wait3A_421, %dma_wait3A_422] : memref<10240x128xf32, #tpu.memory_space<vmem_shared>> -> memref<10240x128xf32, #tpu.memory_space<vmem_shared>>
      tpu.wait_indirect_dma semaphore(%arg15 : memref<!tpu.dma_semaphore, #tpu.memory_space<semaphore_mem>>) src(%arg9 : memref<128x128xf32, #tpu.memory_space<vmem>>) dst(%dma_wait3A_423 : memref<10240x128xf32, #tpu.memory_space<vmem_shared>>)
      %dma_start3A_424 = arith.constant 11 : i32
      %dma_start3A_425 = arith.constant 0 : i32
      %dma_start3A_426 = tpu.memref_slice %arg6[%dma_start3A_424, %dma_start3A_425] : memref<16x128xi32, #tpu.memory_space<vmem>> -> memref<1x128xi32, #tpu.memory_space<vmem>>
      %dma_start3A_427 = tpu.memref_squeeze %dma_start3A_426 : memref<1x128xi32, #tpu.memory_space<vmem>> -> memref<128xi32, #tpu.memory_space<vmem>>
      %dma_start3A_428 = arith.constant 0 : i32
      %dma_start3A_429 = arith.constant 0 : i32
      %dma_start3A_430 = tpu.memref_slice %arg4[%dma_start3A_428, %dma_start3A_429] : memref<40008x128xf32, #tpu.memory_space<hbm>> -> memref<40008x128xf32, #tpu.memory_space<hbm>>
      tpu.enqueue_indirect_dma source(%dma_start3A_430 : memref<40008x128xf32, #tpu.memory_space<hbm>>) target(%arg9 : memref<128x128xf32, #tpu.memory_space<vmem>>) offsets(%dma_start3A_427 : memref<128xi32, #tpu.memory_space<vmem>>) semaphore(%arg13 : memref<!tpu.dma_semaphore, #tpu.memory_space<semaphore_mem>>)
      %dma_start3A_431 = arith.constant 10 : i32
      %dma_start3A_432 = arith.constant 0 : i32
      %dma_start3A_433 = tpu.memref_slice %arg7[%dma_start3A_431, %dma_start3A_432] : memref<16x128xi32, #tpu.memory_space<vmem>> -> memref<1x128xi32, #tpu.memory_space<vmem>>
      %dma_start3A_434 = tpu.memref_squeeze %dma_start3A_433 : memref<1x128xi32, #tpu.memory_space<vmem>> -> memref<128xi32, #tpu.memory_space<vmem>>
      %dma_start3A_435 = arith.constant 0 : i32
      %dma_start3A_436 = arith.constant 0 : i32
      %dma_start3A_437 = tpu.memref_slice %arg11[%dma_start3A_435, %dma_start3A_436] : memref<10240x128xf32, #tpu.memory_space<vmem_shared>> -> memref<10240x128xf32, #tpu.memory_space<vmem_shared>>
      tpu.enqueue_indirect_dma source(%arg8 : memref<128x128xf32, #tpu.memory_space<vmem>>) target(%dma_start3A_437 : memref<10240x128xf32, #tpu.memory_space<vmem_shared>>) offsets(%dma_start3A_434 : memref<128xi32, #tpu.memory_space<vmem>>) semaphore(%arg14 : memref<!tpu.dma_semaphore, #tpu.memory_space<semaphore_mem>>) {add = true}
      %dma_wait3A_438 = arith.constant 11 : i32
      %dma_wait3A_439 = arith.constant 0 : i32
      %dma_wait3A_440 = tpu.memref_slice %arg6[%dma_wait3A_438, %dma_wait3A_439] : memref<16x128xi32, #tpu.memory_space<vmem>> -> memref<1x128xi32, #tpu.memory_space<vmem>>
      %dma_wait3A_441 = tpu.memref_squeeze %dma_wait3A_440 : memref<1x128xi32, #tpu.memory_space<vmem>> -> memref<128xi32, #tpu.memory_space<vmem>>
      %dma_wait3A_442 = arith.constant 0 : i32
      %dma_wait3A_443 = arith.constant 0 : i32
      %dma_wait3A_444 = tpu.memref_slice %arg4[%dma_wait3A_442, %dma_wait3A_443] : memref<40008x128xf32, #tpu.memory_space<hbm>> -> memref<40008x128xf32, #tpu.memory_space<hbm>>
      tpu.wait_indirect_dma semaphore(%arg13 : memref<!tpu.dma_semaphore, #tpu.memory_space<semaphore_mem>>) src(%dma_wait3A_444 : memref<40008x128xf32, #tpu.memory_space<hbm>>) dst(%arg9 : memref<128x128xf32, #tpu.memory_space<vmem>>)
      %dma_wait3A_445 = arith.constant 10 : i32
      %dma_wait3A_446 = arith.constant 0 : i32
      %dma_wait3A_447 = tpu.memref_slice %arg7[%dma_wait3A_445, %dma_wait3A_446] : memref<16x128xi32, #tpu.memory_space<vmem>> -> memref<1x128xi32, #tpu.memory_space<vmem>>
      %dma_wait3A_448 = tpu.memref_squeeze %dma_wait3A_447 : memref<1x128xi32, #tpu.memory_space<vmem>> -> memref<128xi32, #tpu.memory_space<vmem>>
      %dma_wait3A_449 = arith.constant 0 : i32
      %dma_wait3A_450 = arith.constant 0 : i32
      %dma_wait3A_451 = tpu.memref_slice %arg11[%dma_wait3A_449, %dma_wait3A_450] : memref<10240x128xf32, #tpu.memory_space<vmem_shared>> -> memref<10240x128xf32, #tpu.memory_space<vmem_shared>>
      tpu.wait_indirect_dma semaphore(%arg14 : memref<!tpu.dma_semaphore, #tpu.memory_space<semaphore_mem>>) src(%arg8 : memref<128x128xf32, #tpu.memory_space<vmem>>) dst(%dma_wait3A_451 : memref<10240x128xf32, #tpu.memory_space<vmem_shared>>)
      %dma_start3A_452 = arith.constant 12 : i32
      %dma_start3A_453 = arith.constant 0 : i32
      %dma_start3A_454 = tpu.memref_slice %arg6[%dma_start3A_452, %dma_start3A_453] : memref<16x128xi32, #tpu.memory_space<vmem>> -> memref<1x128xi32, #tpu.memory_space<vmem>>
      %dma_start3A_455 = tpu.memref_squeeze %dma_start3A_454 : memref<1x128xi32, #tpu.memory_space<vmem>> -> memref<128xi32, #tpu.memory_space<vmem>>
      %dma_start3A_456 = arith.constant 0 : i32
      %dma_start3A_457 = arith.constant 0 : i32
      %dma_start3A_458 = tpu.memref_slice %arg4[%dma_start3A_456, %dma_start3A_457] : memref<40008x128xf32, #tpu.memory_space<hbm>> -> memref<40008x128xf32, #tpu.memory_space<hbm>>
      tpu.enqueue_indirect_dma source(%dma_start3A_458 : memref<40008x128xf32, #tpu.memory_space<hbm>>) target(%arg8 : memref<128x128xf32, #tpu.memory_space<vmem>>) offsets(%dma_start3A_455 : memref<128xi32, #tpu.memory_space<vmem>>) semaphore(%arg12 : memref<!tpu.dma_semaphore, #tpu.memory_space<semaphore_mem>>)
      %dma_start3A_459 = arith.constant 11 : i32
      %dma_start3A_460 = arith.constant 0 : i32
      %dma_start3A_461 = tpu.memref_slice %arg7[%dma_start3A_459, %dma_start3A_460] : memref<16x128xi32, #tpu.memory_space<vmem>> -> memref<1x128xi32, #tpu.memory_space<vmem>>
      %dma_start3A_462 = tpu.memref_squeeze %dma_start3A_461 : memref<1x128xi32, #tpu.memory_space<vmem>> -> memref<128xi32, #tpu.memory_space<vmem>>
      %dma_start3A_463 = arith.constant 0 : i32
      %dma_start3A_464 = arith.constant 0 : i32
      %dma_start3A_465 = tpu.memref_slice %arg11[%dma_start3A_463, %dma_start3A_464] : memref<10240x128xf32, #tpu.memory_space<vmem_shared>> -> memref<10240x128xf32, #tpu.memory_space<vmem_shared>>
      tpu.enqueue_indirect_dma source(%arg9 : memref<128x128xf32, #tpu.memory_space<vmem>>) target(%dma_start3A_465 : memref<10240x128xf32, #tpu.memory_space<vmem_shared>>) offsets(%dma_start3A_462 : memref<128xi32, #tpu.memory_space<vmem>>) semaphore(%arg15 : memref<!tpu.dma_semaphore, #tpu.memory_space<semaphore_mem>>) {add = true}
      %dma_wait3A_466 = arith.constant 12 : i32
      %dma_wait3A_467 = arith.constant 0 : i32
      %dma_wait3A_468 = tpu.memref_slice %arg6[%dma_wait3A_466, %dma_wait3A_467] : memref<16x128xi32, #tpu.memory_space<vmem>> -> memref<1x128xi32, #tpu.memory_space<vmem>>
      %dma_wait3A_469 = tpu.memref_squeeze %dma_wait3A_468 : memref<1x128xi32, #tpu.memory_space<vmem>> -> memref<128xi32, #tpu.memory_space<vmem>>
      %dma_wait3A_470 = arith.constant 0 : i32
      %dma_wait3A_471 = arith.constant 0 : i32
      %dma_wait3A_472 = tpu.memref_slice %arg4[%dma_wait3A_470, %dma_wait3A_471] : memref<40008x128xf32, #tpu.memory_space<hbm>> -> memref<40008x128xf32, #tpu.memory_space<hbm>>
      tpu.wait_indirect_dma semaphore(%arg12 : memref<!tpu.dma_semaphore, #tpu.memory_space<semaphore_mem>>) src(%dma_wait3A_472 : memref<40008x128xf32, #tpu.memory_space<hbm>>) dst(%arg8 : memref<128x128xf32, #tpu.memory_space<vmem>>)
      %dma_wait3A_473 = arith.constant 11 : i32
      %dma_wait3A_474 = arith.constant 0 : i32
      %dma_wait3A_475 = tpu.memref_slice %arg7[%dma_wait3A_473, %dma_wait3A_474] : memref<16x128xi32, #tpu.memory_space<vmem>> -> memref<1x128xi32, #tpu.memory_space<vmem>>
      %dma_wait3A_476 = tpu.memref_squeeze %dma_wait3A_475 : memref<1x128xi32, #tpu.memory_space<vmem>> -> memref<128xi32, #tpu.memory_space<vmem>>
      %dma_wait3A_477 = arith.constant 0 : i32
      %dma_wait3A_478 = arith.constant 0 : i32
      %dma_wait3A_479 = tpu.memref_slice %arg11[%dma_wait3A_477, %dma_wait3A_478] : memref<10240x128xf32, #tpu.memory_space<vmem_shared>> -> memref<10240x128xf32, #tpu.memory_space<vmem_shared>>
      tpu.wait_indirect_dma semaphore(%arg15 : memref<!tpu.dma_semaphore, #tpu.memory_space<semaphore_mem>>) src(%arg9 : memref<128x128xf32, #tpu.memory_space<vmem>>) dst(%dma_wait3A_479 : memref<10240x128xf32, #tpu.memory_space<vmem_shared>>)
      %dma_start3A_480 = arith.constant 13 : i32
      %dma_start3A_481 = arith.constant 0 : i32
      %dma_start3A_482 = tpu.memref_slice %arg6[%dma_start3A_480, %dma_start3A_481] : memref<16x128xi32, #tpu.memory_space<vmem>> -> memref<1x128xi32, #tpu.memory_space<vmem>>
      %dma_start3A_483 = tpu.memref_squeeze %dma_start3A_482 : memref<1x128xi32, #tpu.memory_space<vmem>> -> memref<128xi32, #tpu.memory_space<vmem>>
      %dma_start3A_484 = arith.constant 0 : i32
      %dma_start3A_485 = arith.constant 0 : i32
      %dma_start3A_486 = tpu.memref_slice %arg4[%dma_start3A_484, %dma_start3A_485] : memref<40008x128xf32, #tpu.memory_space<hbm>> -> memref<40008x128xf32, #tpu.memory_space<hbm>>
      tpu.enqueue_indirect_dma source(%dma_start3A_486 : memref<40008x128xf32, #tpu.memory_space<hbm>>) target(%arg9 : memref<128x128xf32, #tpu.memory_space<vmem>>) offsets(%dma_start3A_483 : memref<128xi32, #tpu.memory_space<vmem>>) semaphore(%arg13 : memref<!tpu.dma_semaphore, #tpu.memory_space<semaphore_mem>>)
      %dma_start3A_487 = arith.constant 12 : i32
      %dma_start3A_488 = arith.constant 0 : i32
      %dma_start3A_489 = tpu.memref_slice %arg7[%dma_start3A_487, %dma_start3A_488] : memref<16x128xi32, #tpu.memory_space<vmem>> -> memref<1x128xi32, #tpu.memory_space<vmem>>
      %dma_start3A_490 = tpu.memref_squeeze %dma_start3A_489 : memref<1x128xi32, #tpu.memory_space<vmem>> -> memref<128xi32, #tpu.memory_space<vmem>>
      %dma_start3A_491 = arith.constant 0 : i32
      %dma_start3A_492 = arith.constant 0 : i32
      %dma_start3A_493 = tpu.memref_slice %arg11[%dma_start3A_491, %dma_start3A_492] : memref<10240x128xf32, #tpu.memory_space<vmem_shared>> -> memref<10240x128xf32, #tpu.memory_space<vmem_shared>>
      tpu.enqueue_indirect_dma source(%arg8 : memref<128x128xf32, #tpu.memory_space<vmem>>) target(%dma_start3A_493 : memref<10240x128xf32, #tpu.memory_space<vmem_shared>>) offsets(%dma_start3A_490 : memref<128xi32, #tpu.memory_space<vmem>>) semaphore(%arg14 : memref<!tpu.dma_semaphore, #tpu.memory_space<semaphore_mem>>) {add = true}
      %dma_wait3A_494 = arith.constant 13 : i32
      %dma_wait3A_495 = arith.constant 0 : i32
      %dma_wait3A_496 = tpu.memref_slice %arg6[%dma_wait3A_494, %dma_wait3A_495] : memref<16x128xi32, #tpu.memory_space<vmem>> -> memref<1x128xi32, #tpu.memory_space<vmem>>
      %dma_wait3A_497 = tpu.memref_squeeze %dma_wait3A_496 : memref<1x128xi32, #tpu.memory_space<vmem>> -> memref<128xi32, #tpu.memory_space<vmem>>
      %dma_wait3A_498 = arith.constant 0 : i32
      %dma_wait3A_499 = arith.constant 0 : i32
      %dma_wait3A_500 = tpu.memref_slice %arg4[%dma_wait3A_498, %dma_wait3A_499] : memref<40008x128xf32, #tpu.memory_space<hbm>> -> memref<40008x128xf32, #tpu.memory_space<hbm>>
      tpu.wait_indirect_dma semaphore(%arg13 : memref<!tpu.dma_semaphore, #tpu.memory_space<semaphore_mem>>) src(%dma_wait3A_500 : memref<40008x128xf32, #tpu.memory_space<hbm>>) dst(%arg9 : memref<128x128xf32, #tpu.memory_space<vmem>>)
      %dma_wait3A_501 = arith.constant 12 : i32
      %dma_wait3A_502 = arith.constant 0 : i32
      %dma_wait3A_503 = tpu.memref_slice %arg7[%dma_wait3A_501, %dma_wait3A_502] : memref<16x128xi32, #tpu.memory_space<vmem>> -> memref<1x128xi32, #tpu.memory_space<vmem>>
      %dma_wait3A_504 = tpu.memref_squeeze %dma_wait3A_503 : memref<1x128xi32, #tpu.memory_space<vmem>> -> memref<128xi32, #tpu.memory_space<vmem>>
      %dma_wait3A_505 = arith.constant 0 : i32
      %dma_wait3A_506 = arith.constant 0 : i32
      %dma_wait3A_507 = tpu.memref_slice %arg11[%dma_wait3A_505, %dma_wait3A_506] : memref<10240x128xf32, #tpu.memory_space<vmem_shared>> -> memref<10240x128xf32, #tpu.memory_space<vmem_shared>>
      tpu.wait_indirect_dma semaphore(%arg14 : memref<!tpu.dma_semaphore, #tpu.memory_space<semaphore_mem>>) src(%arg8 : memref<128x128xf32, #tpu.memory_space<vmem>>) dst(%dma_wait3A_507 : memref<10240x128xf32, #tpu.memory_space<vmem_shared>>)
      %dma_start3A_508 = arith.constant 14 : i32
      %dma_start3A_509 = arith.constant 0 : i32
      %dma_start3A_510 = tpu.memref_slice %arg6[%dma_start3A_508, %dma_start3A_509] : memref<16x128xi32, #tpu.memory_space<vmem>> -> memref<1x128xi32, #tpu.memory_space<vmem>>
      %dma_start3A_511 = tpu.memref_squeeze %dma_start3A_510 : memref<1x128xi32, #tpu.memory_space<vmem>> -> memref<128xi32, #tpu.memory_space<vmem>>
      %dma_start3A_512 = arith.constant 0 : i32
      %dma_start3A_513 = arith.constant 0 : i32
      %dma_start3A_514 = tpu.memref_slice %arg4[%dma_start3A_512, %dma_start3A_513] : memref<40008x128xf32, #tpu.memory_space<hbm>> -> memref<40008x128xf32, #tpu.memory_space<hbm>>
      tpu.enqueue_indirect_dma source(%dma_start3A_514 : memref<40008x128xf32, #tpu.memory_space<hbm>>) target(%arg8 : memref<128x128xf32, #tpu.memory_space<vmem>>) offsets(%dma_start3A_511 : memref<128xi32, #tpu.memory_space<vmem>>) semaphore(%arg12 : memref<!tpu.dma_semaphore, #tpu.memory_space<semaphore_mem>>)
      %dma_start3A_515 = arith.constant 13 : i32
      %dma_start3A_516 = arith.constant 0 : i32
      %dma_start3A_517 = tpu.memref_slice %arg7[%dma_start3A_515, %dma_start3A_516] : memref<16x128xi32, #tpu.memory_space<vmem>> -> memref<1x128xi32, #tpu.memory_space<vmem>>
      %dma_start3A_518 = tpu.memref_squeeze %dma_start3A_517 : memref<1x128xi32, #tpu.memory_space<vmem>> -> memref<128xi32, #tpu.memory_space<vmem>>
      %dma_start3A_519 = arith.constant 0 : i32
      %dma_start3A_520 = arith.constant 0 : i32
      %dma_start3A_521 = tpu.memref_slice %arg11[%dma_start3A_519, %dma_start3A_520] : memref<10240x128xf32, #tpu.memory_space<vmem_shared>> -> memref<10240x128xf32, #tpu.memory_space<vmem_shared>>
      tpu.enqueue_indirect_dma source(%arg9 : memref<128x128xf32, #tpu.memory_space<vmem>>) target(%dma_start3A_521 : memref<10240x128xf32, #tpu.memory_space<vmem_shared>>) offsets(%dma_start3A_518 : memref<128xi32, #tpu.memory_space<vmem>>) semaphore(%arg15 : memref<!tpu.dma_semaphore, #tpu.memory_space<semaphore_mem>>) {add = true}
      %dma_wait3A_522 = arith.constant 14 : i32
      %dma_wait3A_523 = arith.constant 0 : i32
      %dma_wait3A_524 = tpu.memref_slice %arg6[%dma_wait3A_522, %dma_wait3A_523] : memref<16x128xi32, #tpu.memory_space<vmem>> -> memref<1x128xi32, #tpu.memory_space<vmem>>
      %dma_wait3A_525 = tpu.memref_squeeze %dma_wait3A_524 : memref<1x128xi32, #tpu.memory_space<vmem>> -> memref<128xi32, #tpu.memory_space<vmem>>
      %dma_wait3A_526 = arith.constant 0 : i32
      %dma_wait3A_527 = arith.constant 0 : i32
      %dma_wait3A_528 = tpu.memref_slice %arg4[%dma_wait3A_526, %dma_wait3A_527] : memref<40008x128xf32, #tpu.memory_space<hbm>> -> memref<40008x128xf32, #tpu.memory_space<hbm>>
      tpu.wait_indirect_dma semaphore(%arg12 : memref<!tpu.dma_semaphore, #tpu.memory_space<semaphore_mem>>) src(%dma_wait3A_528 : memref<40008x128xf32, #tpu.memory_space<hbm>>) dst(%arg8 : memref<128x128xf32, #tpu.memory_space<vmem>>)
      %dma_wait3A_529 = arith.constant 13 : i32
      %dma_wait3A_530 = arith.constant 0 : i32
      %dma_wait3A_531 = tpu.memref_slice %arg7[%dma_wait3A_529, %dma_wait3A_530] : memref<16x128xi32, #tpu.memory_space<vmem>> -> memref<1x128xi32, #tpu.memory_space<vmem>>
      %dma_wait3A_532 = tpu.memref_squeeze %dma_wait3A_531 : memref<1x128xi32, #tpu.memory_space<vmem>> -> memref<128xi32, #tpu.memory_space<vmem>>
      %dma_wait3A_533 = arith.constant 0 : i32
      %dma_wait3A_534 = arith.constant 0 : i32
      %dma_wait3A_535 = tpu.memref_slice %arg11[%dma_wait3A_533, %dma_wait3A_534] : memref<10240x128xf32, #tpu.memory_space<vmem_shared>> -> memref<10240x128xf32, #tpu.memory_space<vmem_shared>>
      tpu.wait_indirect_dma semaphore(%arg15 : memref<!tpu.dma_semaphore, #tpu.memory_space<semaphore_mem>>) src(%arg9 : memref<128x128xf32, #tpu.memory_space<vmem>>) dst(%dma_wait3A_535 : memref<10240x128xf32, #tpu.memory_space<vmem_shared>>)
      %dma_start3A_536 = arith.constant 15 : i32
      %dma_start3A_537 = arith.constant 0 : i32
      %dma_start3A_538 = tpu.memref_slice %arg6[%dma_start3A_536, %dma_start3A_537] : memref<16x128xi32, #tpu.memory_space<vmem>> -> memref<1x128xi32, #tpu.memory_space<vmem>>
      %dma_start3A_539 = tpu.memref_squeeze %dma_start3A_538 : memref<1x128xi32, #tpu.memory_space<vmem>> -> memref<128xi32, #tpu.memory_space<vmem>>
      %dma_start3A_540 = arith.constant 0 : i32
      %dma_start3A_541 = arith.constant 0 : i32
      %dma_start3A_542 = tpu.memref_slice %arg4[%dma_start3A_540, %dma_start3A_541] : memref<40008x128xf32, #tpu.memory_space<hbm>> -> memref<40008x128xf32, #tpu.memory_space<hbm>>
      tpu.enqueue_indirect_dma source(%dma_start3A_542 : memref<40008x128xf32, #tpu.memory_space<hbm>>) target(%arg9 : memref<128x128xf32, #tpu.memory_space<vmem>>) offsets(%dma_start3A_539 : memref<128xi32, #tpu.memory_space<vmem>>) semaphore(%arg13 : memref<!tpu.dma_semaphore, #tpu.memory_space<semaphore_mem>>)
      %dma_start3A_543 = arith.constant 14 : i32
      %dma_start3A_544 = arith.constant 0 : i32
      %dma_start3A_545 = tpu.memref_slice %arg7[%dma_start3A_543, %dma_start3A_544] : memref<16x128xi32, #tpu.memory_space<vmem>> -> memref<1x128xi32, #tpu.memory_space<vmem>>
      %dma_start3A_546 = tpu.memref_squeeze %dma_start3A_545 : memref<1x128xi32, #tpu.memory_space<vmem>> -> memref<128xi32, #tpu.memory_space<vmem>>
      %dma_start3A_547 = arith.constant 0 : i32
      %dma_start3A_548 = arith.constant 0 : i32
      %dma_start3A_549 = tpu.memref_slice %arg11[%dma_start3A_547, %dma_start3A_548] : memref<10240x128xf32, #tpu.memory_space<vmem_shared>> -> memref<10240x128xf32, #tpu.memory_space<vmem_shared>>
      tpu.enqueue_indirect_dma source(%arg8 : memref<128x128xf32, #tpu.memory_space<vmem>>) target(%dma_start3A_549 : memref<10240x128xf32, #tpu.memory_space<vmem_shared>>) offsets(%dma_start3A_546 : memref<128xi32, #tpu.memory_space<vmem>>) semaphore(%arg14 : memref<!tpu.dma_semaphore, #tpu.memory_space<semaphore_mem>>) {add = true}
      %dma_wait3A_550 = arith.constant 15 : i32
      %dma_wait3A_551 = arith.constant 0 : i32
      %dma_wait3A_552 = tpu.memref_slice %arg6[%dma_wait3A_550, %dma_wait3A_551] : memref<16x128xi32, #tpu.memory_space<vmem>> -> memref<1x128xi32, #tpu.memory_space<vmem>>
      %dma_wait3A_553 = tpu.memref_squeeze %dma_wait3A_552 : memref<1x128xi32, #tpu.memory_space<vmem>> -> memref<128xi32, #tpu.memory_space<vmem>>
      %dma_wait3A_554 = arith.constant 0 : i32
      %dma_wait3A_555 = arith.constant 0 : i32
      %dma_wait3A_556 = tpu.memref_slice %arg4[%dma_wait3A_554, %dma_wait3A_555] : memref<40008x128xf32, #tpu.memory_space<hbm>> -> memref<40008x128xf32, #tpu.memory_space<hbm>>
      tpu.wait_indirect_dma semaphore(%arg13 : memref<!tpu.dma_semaphore, #tpu.memory_space<semaphore_mem>>) src(%dma_wait3A_556 : memref<40008x128xf32, #tpu.memory_space<hbm>>) dst(%arg9 : memref<128x128xf32, #tpu.memory_space<vmem>>)
      %dma_start3A_557 = arith.constant 15 : i32
      %dma_start3A_558 = arith.constant 0 : i32
      %dma_start3A_559 = tpu.memref_slice %arg7[%dma_start3A_557, %dma_start3A_558] : memref<16x128xi32, #tpu.memory_space<vmem>> -> memref<1x128xi32, #tpu.memory_space<vmem>>
      %dma_start3A_560 = tpu.memref_squeeze %dma_start3A_559 : memref<1x128xi32, #tpu.memory_space<vmem>> -> memref<128xi32, #tpu.memory_space<vmem>>
      %dma_start3A_561 = arith.constant 0 : i32
      %dma_start3A_562 = arith.constant 0 : i32
      %dma_start3A_563 = tpu.memref_slice %arg11[%dma_start3A_561, %dma_start3A_562] : memref<10240x128xf32, #tpu.memory_space<vmem_shared>> -> memref<10240x128xf32, #tpu.memory_space<vmem_shared>>
      tpu.enqueue_indirect_dma source(%arg9 : memref<128x128xf32, #tpu.memory_space<vmem>>) target(%dma_start3A_563 : memref<10240x128xf32, #tpu.memory_space<vmem_shared>>) offsets(%dma_start3A_560 : memref<128xi32, #tpu.memory_space<vmem>>) semaphore(%arg15 : memref<!tpu.dma_semaphore, #tpu.memory_space<semaphore_mem>>) {add = true}
      %dma_wait3A_564 = arith.constant 14 : i32
      %dma_wait3A_565 = arith.constant 0 : i32
      %dma_wait3A_566 = tpu.memref_slice %arg7[%dma_wait3A_564, %dma_wait3A_565] : memref<16x128xi32, #tpu.memory_space<vmem>> -> memref<1x128xi32, #tpu.memory_space<vmem>>
      %dma_wait3A_567 = tpu.memref_squeeze %dma_wait3A_566 : memref<1x128xi32, #tpu.memory_space<vmem>> -> memref<128xi32, #tpu.memory_space<vmem>>
      %dma_wait3A_568 = arith.constant 0 : i32
      %dma_wait3A_569 = arith.constant 0 : i32
      %dma_wait3A_570 = tpu.memref_slice %arg11[%dma_wait3A_568, %dma_wait3A_569] : memref<10240x128xf32, #tpu.memory_space<vmem_shared>> -> memref<10240x128xf32, #tpu.memory_space<vmem_shared>>
      tpu.wait_indirect_dma semaphore(%arg14 : memref<!tpu.dma_semaphore, #tpu.memory_space<semaphore_mem>>) src(%arg8 : memref<128x128xf32, #tpu.memory_space<vmem>>) dst(%dma_wait3A_570 : memref<10240x128xf32, #tpu.memory_space<vmem_shared>>)
      %dma_wait3A_571 = arith.constant 15 : i32
      %dma_wait3A_572 = arith.constant 0 : i32
      %dma_wait3A_573 = tpu.memref_slice %arg7[%dma_wait3A_571, %dma_wait3A_572] : memref<16x128xi32, #tpu.memory_space<vmem>> -> memref<1x128xi32, #tpu.memory_space<vmem>>
      %dma_wait3A_574 = tpu.memref_squeeze %dma_wait3A_573 : memref<1x128xi32, #tpu.memory_space<vmem>> -> memref<128xi32, #tpu.memory_space<vmem>>
      %dma_wait3A_575 = arith.constant 0 : i32
      %dma_wait3A_576 = arith.constant 0 : i32
      %dma_wait3A_577 = tpu.memref_slice %arg11[%dma_wait3A_575, %dma_wait3A_576] : memref<10240x128xf32, #tpu.memory_space<vmem_shared>> -> memref<10240x128xf32, #tpu.memory_space<vmem_shared>>
      tpu.wait_indirect_dma semaphore(%arg15 : memref<!tpu.dma_semaphore, #tpu.memory_space<semaphore_mem>>) src(%arg9 : memref<128x128xf32, #tpu.memory_space<vmem>>) dst(%dma_wait3A_577 : memref<10240x128xf32, #tpu.memory_space<vmem_shared>>)
    }
    %scan3A_50 = arith.constant 10 : i32
    %barrier3A_51 = arith.constant 0 : index
    tpu.barrier barrier_id(%barrier3A_51)
    %mul3A_52 = arith.constant 640 : i32
    %mul3A_53 = arith.muli %arg1, %mul3A_52 : i32
    %mul3A_54 = arith.constant 10240 : i32
    %mul3A_55 = arith.muli %add3A_5, %mul3A_54 : i32
    %mul3A_56 = arith.constant 640 : i32
    %mul3A_57 = arith.muli %arg1, %mul3A_56 : i32
    %add3A_58 = arith.addi %mul3A_55, %mul3A_57 : i32
    "tpu.region"() ({
      %run_scoped3A = tpu.sem_alloc : memref<!tpu.dma_semaphore, #tpu.memory_space<semaphore_mem>>
      %dma_start3A = arith.constant 0 : i32
      %dma_start3A_118 = tpu.memref_slice %arg5[%add3A_58, %dma_start3A] : memref<40960x128xf32, #tpu.memory_space<hbm>> -> memref<640x128xf32, #tpu.memory_space<hbm>>
      %dma_start3A_119 = arith.constant 0 : i32
      %dma_start3A_120 = tpu.memref_slice %arg11[%mul3A_53, %dma_start3A_119] : memref<10240x128xf32, #tpu.memory_space<vmem_shared>> -> memref<640x128xf32, #tpu.memory_space<vmem_shared>>
      tpu.enqueue_dma source(%dma_start3A_120 : memref<640x128xf32, #tpu.memory_space<vmem_shared>>) target(%dma_start3A_118 : memref<640x128xf32, #tpu.memory_space<hbm>>) target_semaphore(%run_scoped3A : memref<!tpu.dma_semaphore, #tpu.memory_space<semaphore_mem>>)
      %dma_wait3A = arith.constant 0 : i32
      %dma_wait3A_121 = tpu.memref_slice %arg5[%add3A_58, %dma_wait3A] : memref<40960x128xf32, #tpu.memory_space<hbm>> -> memref<640x128xf32, #tpu.memory_space<hbm>>
      %dma_wait3A_122 = arith.constant 0 : i32
      %dma_wait3A_123 = tpu.memref_slice %arg11[%mul3A_53, %dma_wait3A_122] : memref<10240x128xf32, #tpu.memory_space<vmem_shared>> -> memref<640x128xf32, #tpu.memory_space<vmem_shared>>
      tpu.wait_dma2 semaphore(%run_scoped3A : memref<!tpu.dma_semaphore, #tpu.memory_space<semaphore_mem>>) src(%dma_wait3A_123 : memref<640x128xf32, #tpu.memory_space<vmem_shared>>) dst(%dma_wait3A_121 : memref<640x128xf32, #tpu.memory_space<hbm>>)
      tpu.yield
    }) : () -> ()
    %barrier3A_59 = arith.constant 0 : index
    tpu.barrier barrier_id(%barrier3A_59)
    %add3A_60 = arith.constant 2 : i32
    %add3A_61 = arith.addi %add3A_60, %arg0 : i32
    %mul3A_62 = arith.constant 640 : i32
    %mul3A_63 = arith.muli %arg1, %mul3A_62 : i32
    %add3A_64 = arith.constant 0 : i32
    %add3A_65 = arith.addi %mul3A_63, %add3A_64 : i32
    "tpu.region"() ({
      %run_scoped3A = tpu.sem_alloc : memref<!tpu.dma_semaphore, #tpu.memory_space<semaphore_mem>>
      %dma_start3A = arith.constant 0 : i32
      %dma_start3A_118 = tpu.memref_slice %arg11[%add3A_65, %dma_start3A] : memref<10240x128xf32, #tpu.memory_space<vmem_shared>> -> memref<64x128xf32, #tpu.memory_space<vmem_shared>>
      %dma_start3A_119 = arith.constant 0 : i32
      %dma_start3A_120 = tpu.memref_slice %arg11[%add3A_65, %dma_start3A_119] : memref<10240x128xf32, #tpu.memory_space<vmem_shared>> -> memref<64x128xf32, #tpu.memory_space<vmem_shared>>
      tpu.enqueue_dma source(%arg10 : memref<64x128xf32, #tpu.memory_space<vmem>>) target(%dma_start3A_120 : memref<64x128xf32, #tpu.memory_space<vmem_shared>>) target_semaphore(%run_scoped3A : memref<!tpu.dma_semaphore, #tpu.memory_space<semaphore_mem>>)
      %dma_wait3A = arith.constant 0 : i32
      %dma_wait3A_121 = tpu.memref_slice %arg11[%add3A_65, %dma_wait3A] : memref<10240x128xf32, #tpu.memory_space<vmem_shared>> -> memref<64x128xf32, #tpu.memory_space<vmem_shared>>
      %dma_wait3A_122 = arith.constant 0 : i32
      %dma_wait3A_123 = tpu.memref_slice %arg11[%add3A_65, %dma_wait3A_122] : memref<10240x128xf32, #tpu.memory_space<vmem_shared>> -> memref<64x128xf32, #tpu.memory_space<vmem_shared>>
      tpu.wait_dma2 semaphore(%run_scoped3A : memref<!tpu.dma_semaphore, #tpu.memory_space<semaphore_mem>>) src(%arg10 : memref<64x128xf32, #tpu.memory_space<vmem>>) dst(%dma_wait3A_123 : memref<64x128xf32, #tpu.memory_space<vmem_shared>>)
      tpu.yield
    }) : () -> ()
    %mul3A_66 = arith.constant 640 : i32
    %mul3A_67 = arith.muli %arg1, %mul3A_66 : i32
    %add3A_68 = arith.constant 64 : i32
    %add3A_69 = arith.addi %mul3A_67, %add3A_68 : i32
    "tpu.region"() ({
      %run_scoped3A = tpu.sem_alloc : memref<!tpu.dma_semaphore, #tpu.memory_space<semaphore_mem>>
      %dma_start3A = arith.constant 0 : i32
      %dma_start3A_118 = tpu.memref_slice %arg11[%add3A_69, %dma_start3A] : memref<10240x128xf32, #tpu.memory_space<vmem_shared>> -> memref<64x128xf32, #tpu.memory_space<vmem_shared>>
      %dma_start3A_119 = arith.constant 0 : i32
      %dma_start3A_120 = tpu.memref_slice %arg11[%add3A_69, %dma_start3A_119] : memref<10240x128xf32, #tpu.memory_space<vmem_shared>> -> memref<64x128xf32, #tpu.memory_space<vmem_shared>>
      tpu.enqueue_dma source(%arg10 : memref<64x128xf32, #tpu.memory_space<vmem>>) target(%dma_start3A_120 : memref<64x128xf32, #tpu.memory_space<vmem_shared>>) target_semaphore(%run_scoped3A : memref<!tpu.dma_semaphore, #tpu.memory_space<semaphore_mem>>)
      %dma_wait3A = arith.constant 0 : i32
      %dma_wait3A_121 = tpu.memref_slice %arg11[%add3A_69, %dma_wait3A] : memref<10240x128xf32, #tpu.memory_space<vmem_shared>> -> memref<64x128xf32, #tpu.memory_space<vmem_shared>>
      %dma_wait3A_122 = arith.constant 0 : i32
      %dma_wait3A_123 = tpu.memref_slice %arg11[%add3A_69, %dma_wait3A_122] : memref<10240x128xf32, #tpu.memory_space<vmem_shared>> -> memref<64x128xf32, #tpu.memory_space<vmem_shared>>
      tpu.wait_dma2 semaphore(%run_scoped3A : memref<!tpu.dma_semaphore, #tpu.memory_space<semaphore_mem>>) src(%arg10 : memref<64x128xf32, #tpu.memory_space<vmem>>) dst(%dma_wait3A_123 : memref<64x128xf32, #tpu.memory_space<vmem_shared>>)
      tpu.yield
    }) : () -> ()
    %mul3A_70 = arith.constant 640 : i32
    %mul3A_71 = arith.muli %arg1, %mul3A_70 : i32
    %add3A_72 = arith.constant 128 : i32
    %add3A_73 = arith.addi %mul3A_71, %add3A_72 : i32
    "tpu.region"() ({
      %run_scoped3A = tpu.sem_alloc : memref<!tpu.dma_semaphore, #tpu.memory_space<semaphore_mem>>
      %dma_start3A = arith.constant 0 : i32
      %dma_start3A_118 = tpu.memref_slice %arg11[%add3A_73, %dma_start3A] : memref<10240x128xf32, #tpu.memory_space<vmem_shared>> -> memref<64x128xf32, #tpu.memory_space<vmem_shared>>
      %dma_start3A_119 = arith.constant 0 : i32
      %dma_start3A_120 = tpu.memref_slice %arg11[%add3A_73, %dma_start3A_119] : memref<10240x128xf32, #tpu.memory_space<vmem_shared>> -> memref<64x128xf32, #tpu.memory_space<vmem_shared>>
      tpu.enqueue_dma source(%arg10 : memref<64x128xf32, #tpu.memory_space<vmem>>) target(%dma_start3A_120 : memref<64x128xf32, #tpu.memory_space<vmem_shared>>) target_semaphore(%run_scoped3A : memref<!tpu.dma_semaphore, #tpu.memory_space<semaphore_mem>>)
      %dma_wait3A = arith.constant 0 : i32
      %dma_wait3A_121 = tpu.memref_slice %arg11[%add3A_73, %dma_wait3A] : memref<10240x128xf32, #tpu.memory_space<vmem_shared>> -> memref<64x128xf32, #tpu.memory_space<vmem_shared>>
      %dma_wait3A_122 = arith.constant 0 : i32
      %dma_wait3A_123 = tpu.memref_slice %arg11[%add3A_73, %dma_wait3A_122] : memref<10240x128xf32, #tpu.memory_space<vmem_shared>> -> memref<64x128xf32, #tpu.memory_space<vmem_shared>>
      tpu.wait_dma2 semaphore(%run_scoped3A : memref<!tpu.dma_semaphore, #tpu.memory_space<semaphore_mem>>) src(%arg10 : memref<64x128xf32, #tpu.memory_space<vmem>>) dst(%dma_wait3A_123 : memref<64x128xf32, #tpu.memory_space<vmem_shared>>)
      tpu.yield
    }) : () -> ()
    %mul3A_74 = arith.constant 640 : i32
    %mul3A_75 = arith.muli %arg1, %mul3A_74 : i32
    %add3A_76 = arith.constant 192 : i32
    %add3A_77 = arith.addi %mul3A_75, %add3A_76 : i32
    "tpu.region"() ({
      %run_scoped3A = tpu.sem_alloc : memref<!tpu.dma_semaphore, #tpu.memory_space<semaphore_mem>>
      %dma_start3A = arith.constant 0 : i32
      %dma_start3A_118 = tpu.memref_slice %arg11[%add3A_77, %dma_start3A] : memref<10240x128xf32, #tpu.memory_space<vmem_shared>> -> memref<64x128xf32, #tpu.memory_space<vmem_shared>>
      %dma_start3A_119 = arith.constant 0 : i32
      %dma_start3A_120 = tpu.memref_slice %arg11[%add3A_77, %dma_start3A_119] : memref<10240x128xf32, #tpu.memory_space<vmem_shared>> -> memref<64x128xf32, #tpu.memory_space<vmem_shared>>
      tpu.enqueue_dma source(%arg10 : memref<64x128xf32, #tpu.memory_space<vmem>>) target(%dma_start3A_120 : memref<64x128xf32, #tpu.memory_space<vmem_shared>>) target_semaphore(%run_scoped3A : memref<!tpu.dma_semaphore, #tpu.memory_space<semaphore_mem>>)
      %dma_wait3A = arith.constant 0 : i32
      %dma_wait3A_121 = tpu.memref_slice %arg11[%add3A_77, %dma_wait3A] : memref<10240x128xf32, #tpu.memory_space<vmem_shared>> -> memref<64x128xf32, #tpu.memory_space<vmem_shared>>
      %dma_wait3A_122 = arith.constant 0 : i32
      %dma_wait3A_123 = tpu.memref_slice %arg11[%add3A_77, %dma_wait3A_122] : memref<10240x128xf32, #tpu.memory_space<vmem_shared>> -> memref<64x128xf32, #tpu.memory_space<vmem_shared>>
      tpu.wait_dma2 semaphore(%run_scoped3A : memref<!tpu.dma_semaphore, #tpu.memory_space<semaphore_mem>>) src(%arg10 : memref<64x128xf32, #tpu.memory_space<vmem>>) dst(%dma_wait3A_123 : memref<64x128xf32, #tpu.memory_space<vmem_shared>>)
      tpu.yield
    }) : () -> ()
    %mul3A_78 = arith.constant 640 : i32
    %mul3A_79 = arith.muli %arg1, %mul3A_78 : i32
    %add3A_80 = arith.constant 256 : i32
    %add3A_81 = arith.addi %mul3A_79, %add3A_80 : i32
    "tpu.region"() ({
      %run_scoped3A = tpu.sem_alloc : memref<!tpu.dma_semaphore, #tpu.memory_space<semaphore_mem>>
      %dma_start3A = arith.constant 0 : i32
      %dma_start3A_118 = tpu.memref_slice %arg11[%add3A_81, %dma_start3A] : memref<10240x128xf32, #tpu.memory_space<vmem_shared>> -> memref<64x128xf32, #tpu.memory_space<vmem_shared>>
      %dma_start3A_119 = arith.constant 0 : i32
      %dma_start3A_120 = tpu.memref_slice %arg11[%add3A_81, %dma_start3A_119] : memref<10240x128xf32, #tpu.memory_space<vmem_shared>> -> memref<64x128xf32, #tpu.memory_space<vmem_shared>>
      tpu.enqueue_dma source(%arg10 : memref<64x128xf32, #tpu.memory_space<vmem>>) target(%dma_start3A_120 : memref<64x128xf32, #tpu.memory_space<vmem_shared>>) target_semaphore(%run_scoped3A : memref<!tpu.dma_semaphore, #tpu.memory_space<semaphore_mem>>)
      %dma_wait3A = arith.constant 0 : i32
      %dma_wait3A_121 = tpu.memref_slice %arg11[%add3A_81, %dma_wait3A] : memref<10240x128xf32, #tpu.memory_space<vmem_shared>> -> memref<64x128xf32, #tpu.memory_space<vmem_shared>>
      %dma_wait3A_122 = arith.constant 0 : i32
      %dma_wait3A_123 = tpu.memref_slice %arg11[%add3A_81, %dma_wait3A_122] : memref<10240x128xf32, #tpu.memory_space<vmem_shared>> -> memref<64x128xf32, #tpu.memory_space<vmem_shared>>
      tpu.wait_dma2 semaphore(%run_scoped3A : memref<!tpu.dma_semaphore, #tpu.memory_space<semaphore_mem>>) src(%arg10 : memref<64x128xf32, #tpu.memory_space<vmem>>) dst(%dma_wait3A_123 : memref<64x128xf32, #tpu.memory_space<vmem_shared>>)
      tpu.yield
    }) : () -> ()
    %mul3A_82 = arith.constant 640 : i32
    %mul3A_83 = arith.muli %arg1, %mul3A_82 : i32
    %add3A_84 = arith.constant 320 : i32
    %add3A_85 = arith.addi %mul3A_83, %add3A_84 : i32
    "tpu.region"() ({
      %run_scoped3A = tpu.sem_alloc : memref<!tpu.dma_semaphore, #tpu.memory_space<semaphore_mem>>
      %dma_start3A = arith.constant 0 : i32
      %dma_start3A_118 = tpu.memref_slice %arg11[%add3A_85, %dma_start3A] : memref<10240x128xf32, #tpu.memory_space<vmem_shared>> -> memref<64x128xf32, #tpu.memory_space<vmem_shared>>
      %dma_start3A_119 = arith.constant 0 : i32
      %dma_start3A_120 = tpu.memref_slice %arg11[%add3A_85, %dma_start3A_119] : memref<10240x128xf32, #tpu.memory_space<vmem_shared>> -> memref<64x128xf32, #tpu.memory_space<vmem_shared>>
      tpu.enqueue_dma source(%arg10 : memref<64x128xf32, #tpu.memory_space<vmem>>) target(%dma_start3A_120 : memref<64x128xf32, #tpu.memory_space<vmem_shared>>) target_semaphore(%run_scoped3A : memref<!tpu.dma_semaphore, #tpu.memory_space<semaphore_mem>>)
      %dma_wait3A = arith.constant 0 : i32
      %dma_wait3A_121 = tpu.memref_slice %arg11[%add3A_85, %dma_wait3A] : memref<10240x128xf32, #tpu.memory_space<vmem_shared>> -> memref<64x128xf32, #tpu.memory_space<vmem_shared>>
      %dma_wait3A_122 = arith.constant 0 : i32
      %dma_wait3A_123 = tpu.memref_slice %arg11[%add3A_85, %dma_wait3A_122] : memref<10240x128xf32, #tpu.memory_space<vmem_shared>> -> memref<64x128xf32, #tpu.memory_space<vmem_shared>>
      tpu.wait_dma2 semaphore(%run_scoped3A : memref<!tpu.dma_semaphore, #tpu.memory_space<semaphore_mem>>) src(%arg10 : memref<64x128xf32, #tpu.memory_space<vmem>>) dst(%dma_wait3A_123 : memref<64x128xf32, #tpu.memory_space<vmem_shared>>)
      tpu.yield
    }) : () -> ()
    %mul3A_86 = arith.constant 640 : i32
    %mul3A_87 = arith.muli %arg1, %mul3A_86 : i32
    %add3A_88 = arith.constant 384 : i32
    %add3A_89 = arith.addi %mul3A_87, %add3A_88 : i32
    "tpu.region"() ({
      %run_scoped3A = tpu.sem_alloc : memref<!tpu.dma_semaphore, #tpu.memory_space<semaphore_mem>>
      %dma_start3A = arith.constant 0 : i32
      %dma_start3A_118 = tpu.memref_slice %arg11[%add3A_89, %dma_start3A] : memref<10240x128xf32, #tpu.memory_space<vmem_shared>> -> memref<64x128xf32, #tpu.memory_space<vmem_shared>>
      %dma_start3A_119 = arith.constant 0 : i32
      %dma_start3A_120 = tpu.memref_slice %arg11[%add3A_89, %dma_start3A_119] : memref<10240x128xf32, #tpu.memory_space<vmem_shared>> -> memref<64x128xf32, #tpu.memory_space<vmem_shared>>
      tpu.enqueue_dma source(%arg10 : memref<64x128xf32, #tpu.memory_space<vmem>>) target(%dma_start3A_120 : memref<64x128xf32, #tpu.memory_space<vmem_shared>>) target_semaphore(%run_scoped3A : memref<!tpu.dma_semaphore, #tpu.memory_space<semaphore_mem>>)
      %dma_wait3A = arith.constant 0 : i32
      %dma_wait3A_121 = tpu.memref_slice %arg11[%add3A_89, %dma_wait3A] : memref<10240x128xf32, #tpu.memory_space<vmem_shared>> -> memref<64x128xf32, #tpu.memory_space<vmem_shared>>
      %dma_wait3A_122 = arith.constant 0 : i32
      %dma_wait3A_123 = tpu.memref_slice %arg11[%add3A_89, %dma_wait3A_122] : memref<10240x128xf32, #tpu.memory_space<vmem_shared>> -> memref<64x128xf32, #tpu.memory_space<vmem_shared>>
      tpu.wait_dma2 semaphore(%run_scoped3A : memref<!tpu.dma_semaphore, #tpu.memory_space<semaphore_mem>>) src(%arg10 : memref<64x128xf32, #tpu.memory_space<vmem>>) dst(%dma_wait3A_123 : memref<64x128xf32, #tpu.memory_space<vmem_shared>>)
      tpu.yield
    }) : () -> ()
    %mul3A_90 = arith.constant 640 : i32
    %mul3A_91 = arith.muli %arg1, %mul3A_90 : i32
    %add3A_92 = arith.constant 448 : i32
    %add3A_93 = arith.addi %mul3A_91, %add3A_92 : i32
    "tpu.region"() ({
      %run_scoped3A = tpu.sem_alloc : memref<!tpu.dma_semaphore, #tpu.memory_space<semaphore_mem>>
      %dma_start3A = arith.constant 0 : i32
      %dma_start3A_118 = tpu.memref_slice %arg11[%add3A_93, %dma_start3A] : memref<10240x128xf32, #tpu.memory_space<vmem_shared>> -> memref<64x128xf32, #tpu.memory_space<vmem_shared>>
      %dma_start3A_119 = arith.constant 0 : i32
      %dma_start3A_120 = tpu.memref_slice %arg11[%add3A_93, %dma_start3A_119] : memref<10240x128xf32, #tpu.memory_space<vmem_shared>> -> memref<64x128xf32, #tpu.memory_space<vmem_shared>>
      tpu.enqueue_dma source(%arg10 : memref<64x128xf32, #tpu.memory_space<vmem>>) target(%dma_start3A_120 : memref<64x128xf32, #tpu.memory_space<vmem_shared>>) target_semaphore(%run_scoped3A : memref<!tpu.dma_semaphore, #tpu.memory_space<semaphore_mem>>)
      %dma_wait3A = arith.constant 0 : i32
      %dma_wait3A_121 = tpu.memref_slice %arg11[%add3A_93, %dma_wait3A] : memref<10240x128xf32, #tpu.memory_space<vmem_shared>> -> memref<64x128xf32, #tpu.memory_space<vmem_shared>>
      %dma_wait3A_122 = arith.constant 0 : i32
      %dma_wait3A_123 = tpu.memref_slice %arg11[%add3A_93, %dma_wait3A_122] : memref<10240x128xf32, #tpu.memory_space<vmem_shared>> -> memref<64x128xf32, #tpu.memory_space<vmem_shared>>
      tpu.wait_dma2 semaphore(%run_scoped3A : memref<!tpu.dma_semaphore, #tpu.memory_space<semaphore_mem>>) src(%arg10 : memref<64x128xf32, #tpu.memory_space<vmem>>) dst(%dma_wait3A_123 : memref<64x128xf32, #tpu.memory_space<vmem_shared>>)
      tpu.yield
    }) : () -> ()
    %mul3A_94 = arith.constant 640 : i32
    %mul3A_95 = arith.muli %arg1, %mul3A_94 : i32
    %add3A_96 = arith.constant 512 : i32
    %add3A_97 = arith.addi %mul3A_95, %add3A_96 : i32
    "tpu.region"() ({
      %run_scoped3A = tpu.sem_alloc : memref<!tpu.dma_semaphore, #tpu.memory_space<semaphore_mem>>
      %dma_start3A = arith.constant 0 : i32
      %dma_start3A_118 = tpu.memref_slice %arg11[%add3A_97, %dma_start3A] : memref<10240x128xf32, #tpu.memory_space<vmem_shared>> -> memref<64x128xf32, #tpu.memory_space<vmem_shared>>
      %dma_start3A_119 = arith.constant 0 : i32
      %dma_start3A_120 = tpu.memref_slice %arg11[%add3A_97, %dma_start3A_119] : memref<10240x128xf32, #tpu.memory_space<vmem_shared>> -> memref<64x128xf32, #tpu.memory_space<vmem_shared>>
      tpu.enqueue_dma source(%arg10 : memref<64x128xf32, #tpu.memory_space<vmem>>) target(%dma_start3A_120 : memref<64x128xf32, #tpu.memory_space<vmem_shared>>) target_semaphore(%run_scoped3A : memref<!tpu.dma_semaphore, #tpu.memory_space<semaphore_mem>>)
      %dma_wait3A = arith.constant 0 : i32
      %dma_wait3A_121 = tpu.memref_slice %arg11[%add3A_97, %dma_wait3A] : memref<10240x128xf32, #tpu.memory_space<vmem_shared>> -> memref<64x128xf32, #tpu.memory_space<vmem_shared>>
      %dma_wait3A_122 = arith.constant 0 : i32
      %dma_wait3A_123 = tpu.memref_slice %arg11[%add3A_97, %dma_wait3A_122] : memref<10240x128xf32, #tpu.memory_space<vmem_shared>> -> memref<64x128xf32, #tpu.memory_space<vmem_shared>>
      tpu.wait_dma2 semaphore(%run_scoped3A : memref<!tpu.dma_semaphore, #tpu.memory_space<semaphore_mem>>) src(%arg10 : memref<64x128xf32, #tpu.memory_space<vmem>>) dst(%dma_wait3A_123 : memref<64x128xf32, #tpu.memory_space<vmem_shared>>)
      tpu.yield
    }) : () -> ()
    %mul3A_98 = arith.constant 640 : i32
    %mul3A_99 = arith.muli %arg1, %mul3A_98 : i32
    %add3A_100 = arith.constant 576 : i32
    %add3A_101 = arith.addi %mul3A_99, %add3A_100 : i32
    "tpu.region"() ({
      %run_scoped3A = tpu.sem_alloc : memref<!tpu.dma_semaphore, #tpu.memory_space<semaphore_mem>>
      %dma_start3A = arith.constant 0 : i32
      %dma_start3A_118 = tpu.memref_slice %arg11[%add3A_101, %dma_start3A] : memref<10240x128xf32, #tpu.memory_space<vmem_shared>> -> memref<64x128xf32, #tpu.memory_space<vmem_shared>>
      %dma_start3A_119 = arith.constant 0 : i32
      %dma_start3A_120 = tpu.memref_slice %arg11[%add3A_101, %dma_start3A_119] : memref<10240x128xf32, #tpu.memory_space<vmem_shared>> -> memref<64x128xf32, #tpu.memory_space<vmem_shared>>
      tpu.enqueue_dma source(%arg10 : memref<64x128xf32, #tpu.memory_space<vmem>>) target(%dma_start3A_120 : memref<64x128xf32, #tpu.memory_space<vmem_shared>>) target_semaphore(%run_scoped3A : memref<!tpu.dma_semaphore, #tpu.memory_space<semaphore_mem>>)
      %dma_wait3A = arith.constant 0 : i32
      %dma_wait3A_121 = tpu.memref_slice %arg11[%add3A_101, %dma_wait3A] : memref<10240x128xf32, #tpu.memory_space<vmem_shared>> -> memref<64x128xf32, #tpu.memory_space<vmem_shared>>
      %dma_wait3A_122 = arith.constant 0 : i32
      %dma_wait3A_123 = tpu.memref_slice %arg11[%add3A_101, %dma_wait3A_122] : memref<10240x128xf32, #tpu.memory_space<vmem_shared>> -> memref<64x128xf32, #tpu.memory_space<vmem_shared>>
      tpu.wait_dma2 semaphore(%run_scoped3A : memref<!tpu.dma_semaphore, #tpu.memory_space<semaphore_mem>>) src(%arg10 : memref<64x128xf32, #tpu.memory_space<vmem>>) dst(%dma_wait3A_123 : memref<64x128xf32, #tpu.memory_space<vmem_shared>>)
      tpu.yield
    }) : () -> ()
    %barrier3A_102 = arith.constant 0 : index
    tpu.barrier barrier_id(%barrier3A_102)
    %scan3A_103 = arith.constant 0 : i32
    %scan3A_104 = arith.constant 0 : i32
    %scan3A_105 = arith.constant 10 : i32
    %scan3A_106 = arith.addi %scan3A_104, %scan3A_105 : i32
    %scan3A_107 = arith.constant 1 : i32
    scf.for %scan3A_118 = %scan3A_104 to %scan3A_106 step %scan3A_107  : i32 {
      %mul3A_119 = arith.constant 2560 : i32
      %mul3A_120 = arith.muli %add3A_61, %mul3A_119 : i32
      %mul3A_121 = arith.constant 160 : i32
      %mul3A_122 = arith.muli %arg1, %mul3A_121 : i32
      %add3A_123 = arith.addi %mul3A_120, %mul3A_122 : i32
      %mul3A_124 = arith.constant 16 : i32
      %mul3A_125 = arith.muli %scan3A_118, %mul3A_124 : i32
      %add3A_126 = arith.addi %add3A_123, %mul3A_125 : i32
      "tpu.region"() ({
        %run_scoped3A = tpu.sem_alloc : memref<!tpu.dma_semaphore, #tpu.memory_space<semaphore_mem>>
        %dma_start3A_578 = arith.constant 0 : i32
        %dma_start3A_579 = tpu.memref_slice %arg2[%add3A_126, %dma_start3A_578] : memref<10240x128xi32, #tpu.memory_space<hbm>> -> memref<16x128xi32, #tpu.memory_space<hbm>>
        %dma_start3A_580 = arith.constant 0 : i32
        %dma_start3A_581 = tpu.memref_slice %arg2[%add3A_126, %dma_start3A_580] : memref<10240x128xi32, #tpu.memory_space<hbm>> -> memref<16x128xi32, #tpu.memory_space<hbm>>
        tpu.enqueue_dma source(%dma_start3A_581 : memref<16x128xi32, #tpu.memory_space<hbm>>) target(%arg6 : memref<16x128xi32, #tpu.memory_space<vmem>>) target_semaphore(%run_scoped3A : memref<!tpu.dma_semaphore, #tpu.memory_space<semaphore_mem>>)
        %dma_wait3A_582 = arith.constant 0 : i32
        %dma_wait3A_583 = tpu.memref_slice %arg2[%add3A_126, %dma_wait3A_582] : memref<10240x128xi32, #tpu.memory_space<hbm>> -> memref<16x128xi32, #tpu.memory_space<hbm>>
        %dma_wait3A_584 = arith.constant 0 : i32
        %dma_wait3A_585 = tpu.memref_slice %arg2[%add3A_126, %dma_wait3A_584] : memref<10240x128xi32, #tpu.memory_space<hbm>> -> memref<16x128xi32, #tpu.memory_space<hbm>>
        tpu.wait_dma2 semaphore(%run_scoped3A : memref<!tpu.dma_semaphore, #tpu.memory_space<semaphore_mem>>) src(%dma_wait3A_585 : memref<16x128xi32, #tpu.memory_space<hbm>>) dst(%arg6 : memref<16x128xi32, #tpu.memory_space<vmem>>)
        tpu.yield
      }) : () -> ()
      %mul3A_127 = arith.constant 160 : i32
      %mul3A_128 = arith.muli %arg1, %mul3A_127 : i32
      %mul3A_129 = arith.constant 16 : i32
      %mul3A_130 = arith.muli %scan3A_118, %mul3A_129 : i32
      %add3A_131 = arith.addi %mul3A_128, %mul3A_130 : i32
      "tpu.region"() ({
        %run_scoped3A = tpu.sem_alloc : memref<!tpu.dma_semaphore, #tpu.memory_space<semaphore_mem>>
        %dma_start3A_578 = arith.constant 0 : i32
        %dma_start3A_579 = tpu.memref_slice %arg3[%add3A_131, %dma_start3A_578] : memref<2560x128xi32, #tpu.memory_space<hbm>> -> memref<16x128xi32, #tpu.memory_space<hbm>>
        %dma_start3A_580 = arith.constant 0 : i32
        %dma_start3A_581 = tpu.memref_slice %arg3[%add3A_131, %dma_start3A_580] : memref<2560x128xi32, #tpu.memory_space<hbm>> -> memref<16x128xi32, #tpu.memory_space<hbm>>
        tpu.enqueue_dma source(%dma_start3A_581 : memref<16x128xi32, #tpu.memory_space<hbm>>) target(%arg7 : memref<16x128xi32, #tpu.memory_space<vmem>>) target_semaphore(%run_scoped3A : memref<!tpu.dma_semaphore, #tpu.memory_space<semaphore_mem>>)
        %dma_wait3A_582 = arith.constant 0 : i32
        %dma_wait3A_583 = tpu.memref_slice %arg3[%add3A_131, %dma_wait3A_582] : memref<2560x128xi32, #tpu.memory_space<hbm>> -> memref<16x128xi32, #tpu.memory_space<hbm>>
        %dma_wait3A_584 = arith.constant 0 : i32
        %dma_wait3A_585 = tpu.memref_slice %arg3[%add3A_131, %dma_wait3A_584] : memref<2560x128xi32, #tpu.memory_space<hbm>> -> memref<16x128xi32, #tpu.memory_space<hbm>>
        tpu.wait_dma2 semaphore(%run_scoped3A : memref<!tpu.dma_semaphore, #tpu.memory_space<semaphore_mem>>) src(%dma_wait3A_585 : memref<16x128xi32, #tpu.memory_space<hbm>>) dst(%arg7 : memref<16x128xi32, #tpu.memory_space<vmem>>)
        tpu.yield
      }) : () -> ()
      %dma_start3A = arith.constant 0 : i32
      %dma_start3A_132 = arith.constant 0 : i32
      %dma_start3A_133 = tpu.memref_slice %arg6[%dma_start3A, %dma_start3A_132] : memref<16x128xi32, #tpu.memory_space<vmem>> -> memref<1x128xi32, #tpu.memory_space<vmem>>
      %dma_start3A_134 = tpu.memref_squeeze %dma_start3A_133 : memref<1x128xi32, #tpu.memory_space<vmem>> -> memref<128xi32, #tpu.memory_space<vmem>>
      %dma_start3A_135 = arith.constant 0 : i32
      %dma_start3A_136 = arith.constant 0 : i32
      %dma_start3A_137 = tpu.memref_slice %arg4[%dma_start3A_135, %dma_start3A_136] : memref<40008x128xf32, #tpu.memory_space<hbm>> -> memref<40008x128xf32, #tpu.memory_space<hbm>>
      tpu.enqueue_indirect_dma source(%dma_start3A_137 : memref<40008x128xf32, #tpu.memory_space<hbm>>) target(%arg8 : memref<128x128xf32, #tpu.memory_space<vmem>>) offsets(%dma_start3A_134 : memref<128xi32, #tpu.memory_space<vmem>>) semaphore(%arg12 : memref<!tpu.dma_semaphore, #tpu.memory_space<semaphore_mem>>)
      %dma_wait3A = arith.constant 0 : i32
      %dma_wait3A_138 = arith.constant 0 : i32
      %dma_wait3A_139 = tpu.memref_slice %arg6[%dma_wait3A, %dma_wait3A_138] : memref<16x128xi32, #tpu.memory_space<vmem>> -> memref<1x128xi32, #tpu.memory_space<vmem>>
      %dma_wait3A_140 = tpu.memref_squeeze %dma_wait3A_139 : memref<1x128xi32, #tpu.memory_space<vmem>> -> memref<128xi32, #tpu.memory_space<vmem>>
      %dma_wait3A_141 = arith.constant 0 : i32
      %dma_wait3A_142 = arith.constant 0 : i32
      %dma_wait3A_143 = tpu.memref_slice %arg4[%dma_wait3A_141, %dma_wait3A_142] : memref<40008x128xf32, #tpu.memory_space<hbm>> -> memref<40008x128xf32, #tpu.memory_space<hbm>>
      tpu.wait_indirect_dma semaphore(%arg12 : memref<!tpu.dma_semaphore, #tpu.memory_space<semaphore_mem>>) src(%dma_wait3A_143 : memref<40008x128xf32, #tpu.memory_space<hbm>>) dst(%arg8 : memref<128x128xf32, #tpu.memory_space<vmem>>)
      %dma_start3A_144 = arith.constant 1 : i32
      %dma_start3A_145 = arith.constant 0 : i32
      %dma_start3A_146 = tpu.memref_slice %arg6[%dma_start3A_144, %dma_start3A_145] : memref<16x128xi32, #tpu.memory_space<vmem>> -> memref<1x128xi32, #tpu.memory_space<vmem>>
      %dma_start3A_147 = tpu.memref_squeeze %dma_start3A_146 : memref<1x128xi32, #tpu.memory_space<vmem>> -> memref<128xi32, #tpu.memory_space<vmem>>
      %dma_start3A_148 = arith.constant 0 : i32
      %dma_start3A_149 = arith.constant 0 : i32
      %dma_start3A_150 = tpu.memref_slice %arg4[%dma_start3A_148, %dma_start3A_149] : memref<40008x128xf32, #tpu.memory_space<hbm>> -> memref<40008x128xf32, #tpu.memory_space<hbm>>
      tpu.enqueue_indirect_dma source(%dma_start3A_150 : memref<40008x128xf32, #tpu.memory_space<hbm>>) target(%arg9 : memref<128x128xf32, #tpu.memory_space<vmem>>) offsets(%dma_start3A_147 : memref<128xi32, #tpu.memory_space<vmem>>) semaphore(%arg13 : memref<!tpu.dma_semaphore, #tpu.memory_space<semaphore_mem>>)
      %dma_start3A_151 = arith.constant 0 : i32
      %dma_start3A_152 = arith.constant 0 : i32
      %dma_start3A_153 = tpu.memref_slice %arg7[%dma_start3A_151, %dma_start3A_152] : memref<16x128xi32, #tpu.memory_space<vmem>> -> memref<1x128xi32, #tpu.memory_space<vmem>>
      %dma_start3A_154 = tpu.memref_squeeze %dma_start3A_153 : memref<1x128xi32, #tpu.memory_space<vmem>> -> memref<128xi32, #tpu.memory_space<vmem>>
      %dma_start3A_155 = arith.constant 0 : i32
      %dma_start3A_156 = arith.constant 0 : i32
      %dma_start3A_157 = tpu.memref_slice %arg11[%dma_start3A_155, %dma_start3A_156] : memref<10240x128xf32, #tpu.memory_space<vmem_shared>> -> memref<10240x128xf32, #tpu.memory_space<vmem_shared>>
      tpu.enqueue_indirect_dma source(%arg8 : memref<128x128xf32, #tpu.memory_space<vmem>>) target(%dma_start3A_157 : memref<10240x128xf32, #tpu.memory_space<vmem_shared>>) offsets(%dma_start3A_154 : memref<128xi32, #tpu.memory_space<vmem>>) semaphore(%arg14 : memref<!tpu.dma_semaphore, #tpu.memory_space<semaphore_mem>>) {add = true}
      %dma_wait3A_158 = arith.constant 1 : i32
      %dma_wait3A_159 = arith.constant 0 : i32
      %dma_wait3A_160 = tpu.memref_slice %arg6[%dma_wait3A_158, %dma_wait3A_159] : memref<16x128xi32, #tpu.memory_space<vmem>> -> memref<1x128xi32, #tpu.memory_space<vmem>>
      %dma_wait3A_161 = tpu.memref_squeeze %dma_wait3A_160 : memref<1x128xi32, #tpu.memory_space<vmem>> -> memref<128xi32, #tpu.memory_space<vmem>>
      %dma_wait3A_162 = arith.constant 0 : i32
      %dma_wait3A_163 = arith.constant 0 : i32
      %dma_wait3A_164 = tpu.memref_slice %arg4[%dma_wait3A_162, %dma_wait3A_163] : memref<40008x128xf32, #tpu.memory_space<hbm>> -> memref<40008x128xf32, #tpu.memory_space<hbm>>
      tpu.wait_indirect_dma semaphore(%arg13 : memref<!tpu.dma_semaphore, #tpu.memory_space<semaphore_mem>>) src(%dma_wait3A_164 : memref<40008x128xf32, #tpu.memory_space<hbm>>) dst(%arg9 : memref<128x128xf32, #tpu.memory_space<vmem>>)
      %dma_wait3A_165 = arith.constant 0 : i32
      %dma_wait3A_166 = arith.constant 0 : i32
      %dma_wait3A_167 = tpu.memref_slice %arg7[%dma_wait3A_165, %dma_wait3A_166] : memref<16x128xi32, #tpu.memory_space<vmem>> -> memref<1x128xi32, #tpu.memory_space<vmem>>
      %dma_wait3A_168 = tpu.memref_squeeze %dma_wait3A_167 : memref<1x128xi32, #tpu.memory_space<vmem>> -> memref<128xi32, #tpu.memory_space<vmem>>
      %dma_wait3A_169 = arith.constant 0 : i32
      %dma_wait3A_170 = arith.constant 0 : i32
      %dma_wait3A_171 = tpu.memref_slice %arg11[%dma_wait3A_169, %dma_wait3A_170] : memref<10240x128xf32, #tpu.memory_space<vmem_shared>> -> memref<10240x128xf32, #tpu.memory_space<vmem_shared>>
      tpu.wait_indirect_dma semaphore(%arg14 : memref<!tpu.dma_semaphore, #tpu.memory_space<semaphore_mem>>) src(%arg8 : memref<128x128xf32, #tpu.memory_space<vmem>>) dst(%dma_wait3A_171 : memref<10240x128xf32, #tpu.memory_space<vmem_shared>>)
      %dma_start3A_172 = arith.constant 2 : i32
      %dma_start3A_173 = arith.constant 0 : i32
      %dma_start3A_174 = tpu.memref_slice %arg6[%dma_start3A_172, %dma_start3A_173] : memref<16x128xi32, #tpu.memory_space<vmem>> -> memref<1x128xi32, #tpu.memory_space<vmem>>
      %dma_start3A_175 = tpu.memref_squeeze %dma_start3A_174 : memref<1x128xi32, #tpu.memory_space<vmem>> -> memref<128xi32, #tpu.memory_space<vmem>>
      %dma_start3A_176 = arith.constant 0 : i32
      %dma_start3A_177 = arith.constant 0 : i32
      %dma_start3A_178 = tpu.memref_slice %arg4[%dma_start3A_176, %dma_start3A_177] : memref<40008x128xf32, #tpu.memory_space<hbm>> -> memref<40008x128xf32, #tpu.memory_space<hbm>>
      tpu.enqueue_indirect_dma source(%dma_start3A_178 : memref<40008x128xf32, #tpu.memory_space<hbm>>) target(%arg8 : memref<128x128xf32, #tpu.memory_space<vmem>>) offsets(%dma_start3A_175 : memref<128xi32, #tpu.memory_space<vmem>>) semaphore(%arg12 : memref<!tpu.dma_semaphore, #tpu.memory_space<semaphore_mem>>)
      %dma_start3A_179 = arith.constant 1 : i32
      %dma_start3A_180 = arith.constant 0 : i32
      %dma_start3A_181 = tpu.memref_slice %arg7[%dma_start3A_179, %dma_start3A_180] : memref<16x128xi32, #tpu.memory_space<vmem>> -> memref<1x128xi32, #tpu.memory_space<vmem>>
      %dma_start3A_182 = tpu.memref_squeeze %dma_start3A_181 : memref<1x128xi32, #tpu.memory_space<vmem>> -> memref<128xi32, #tpu.memory_space<vmem>>
      %dma_start3A_183 = arith.constant 0 : i32
      %dma_start3A_184 = arith.constant 0 : i32
      %dma_start3A_185 = tpu.memref_slice %arg11[%dma_start3A_183, %dma_start3A_184] : memref<10240x128xf32, #tpu.memory_space<vmem_shared>> -> memref<10240x128xf32, #tpu.memory_space<vmem_shared>>
      tpu.enqueue_indirect_dma source(%arg9 : memref<128x128xf32, #tpu.memory_space<vmem>>) target(%dma_start3A_185 : memref<10240x128xf32, #tpu.memory_space<vmem_shared>>) offsets(%dma_start3A_182 : memref<128xi32, #tpu.memory_space<vmem>>) semaphore(%arg15 : memref<!tpu.dma_semaphore, #tpu.memory_space<semaphore_mem>>) {add = true}
      %dma_wait3A_186 = arith.constant 2 : i32
      %dma_wait3A_187 = arith.constant 0 : i32
      %dma_wait3A_188 = tpu.memref_slice %arg6[%dma_wait3A_186, %dma_wait3A_187] : memref<16x128xi32, #tpu.memory_space<vmem>> -> memref<1x128xi32, #tpu.memory_space<vmem>>
      %dma_wait3A_189 = tpu.memref_squeeze %dma_wait3A_188 : memref<1x128xi32, #tpu.memory_space<vmem>> -> memref<128xi32, #tpu.memory_space<vmem>>
      %dma_wait3A_190 = arith.constant 0 : i32
      %dma_wait3A_191 = arith.constant 0 : i32
      %dma_wait3A_192 = tpu.memref_slice %arg4[%dma_wait3A_190, %dma_wait3A_191] : memref<40008x128xf32, #tpu.memory_space<hbm>> -> memref<40008x128xf32, #tpu.memory_space<hbm>>
      tpu.wait_indirect_dma semaphore(%arg12 : memref<!tpu.dma_semaphore, #tpu.memory_space<semaphore_mem>>) src(%dma_wait3A_192 : memref<40008x128xf32, #tpu.memory_space<hbm>>) dst(%arg8 : memref<128x128xf32, #tpu.memory_space<vmem>>)
      %dma_wait3A_193 = arith.constant 1 : i32
      %dma_wait3A_194 = arith.constant 0 : i32
      %dma_wait3A_195 = tpu.memref_slice %arg7[%dma_wait3A_193, %dma_wait3A_194] : memref<16x128xi32, #tpu.memory_space<vmem>> -> memref<1x128xi32, #tpu.memory_space<vmem>>
      %dma_wait3A_196 = tpu.memref_squeeze %dma_wait3A_195 : memref<1x128xi32, #tpu.memory_space<vmem>> -> memref<128xi32, #tpu.memory_space<vmem>>
      %dma_wait3A_197 = arith.constant 0 : i32
      %dma_wait3A_198 = arith.constant 0 : i32
      %dma_wait3A_199 = tpu.memref_slice %arg11[%dma_wait3A_197, %dma_wait3A_198] : memref<10240x128xf32, #tpu.memory_space<vmem_shared>> -> memref<10240x128xf32, #tpu.memory_space<vmem_shared>>
      tpu.wait_indirect_dma semaphore(%arg15 : memref<!tpu.dma_semaphore, #tpu.memory_space<semaphore_mem>>) src(%arg9 : memref<128x128xf32, #tpu.memory_space<vmem>>) dst(%dma_wait3A_199 : memref<10240x128xf32, #tpu.memory_space<vmem_shared>>)
      %dma_start3A_200 = arith.constant 3 : i32
      %dma_start3A_201 = arith.constant 0 : i32
      %dma_start3A_202 = tpu.memref_slice %arg6[%dma_start3A_200, %dma_start3A_201] : memref<16x128xi32, #tpu.memory_space<vmem>> -> memref<1x128xi32, #tpu.memory_space<vmem>>
      %dma_start3A_203 = tpu.memref_squeeze %dma_start3A_202 : memref<1x128xi32, #tpu.memory_space<vmem>> -> memref<128xi32, #tpu.memory_space<vmem>>
      %dma_start3A_204 = arith.constant 0 : i32
      %dma_start3A_205 = arith.constant 0 : i32
      %dma_start3A_206 = tpu.memref_slice %arg4[%dma_start3A_204, %dma_start3A_205] : memref<40008x128xf32, #tpu.memory_space<hbm>> -> memref<40008x128xf32, #tpu.memory_space<hbm>>
      tpu.enqueue_indirect_dma source(%dma_start3A_206 : memref<40008x128xf32, #tpu.memory_space<hbm>>) target(%arg9 : memref<128x128xf32, #tpu.memory_space<vmem>>) offsets(%dma_start3A_203 : memref<128xi32, #tpu.memory_space<vmem>>) semaphore(%arg13 : memref<!tpu.dma_semaphore, #tpu.memory_space<semaphore_mem>>)
      %dma_start3A_207 = arith.constant 2 : i32
      %dma_start3A_208 = arith.constant 0 : i32
      %dma_start3A_209 = tpu.memref_slice %arg7[%dma_start3A_207, %dma_start3A_208] : memref<16x128xi32, #tpu.memory_space<vmem>> -> memref<1x128xi32, #tpu.memory_space<vmem>>
      %dma_start3A_210 = tpu.memref_squeeze %dma_start3A_209 : memref<1x128xi32, #tpu.memory_space<vmem>> -> memref<128xi32, #tpu.memory_space<vmem>>
      %dma_start3A_211 = arith.constant 0 : i32
      %dma_start3A_212 = arith.constant 0 : i32
      %dma_start3A_213 = tpu.memref_slice %arg11[%dma_start3A_211, %dma_start3A_212] : memref<10240x128xf32, #tpu.memory_space<vmem_shared>> -> memref<10240x128xf32, #tpu.memory_space<vmem_shared>>
      tpu.enqueue_indirect_dma source(%arg8 : memref<128x128xf32, #tpu.memory_space<vmem>>) target(%dma_start3A_213 : memref<10240x128xf32, #tpu.memory_space<vmem_shared>>) offsets(%dma_start3A_210 : memref<128xi32, #tpu.memory_space<vmem>>) semaphore(%arg14 : memref<!tpu.dma_semaphore, #tpu.memory_space<semaphore_mem>>) {add = true}
      %dma_wait3A_214 = arith.constant 3 : i32
      %dma_wait3A_215 = arith.constant 0 : i32
      %dma_wait3A_216 = tpu.memref_slice %arg6[%dma_wait3A_214, %dma_wait3A_215] : memref<16x128xi32, #tpu.memory_space<vmem>> -> memref<1x128xi32, #tpu.memory_space<vmem>>
      %dma_wait3A_217 = tpu.memref_squeeze %dma_wait3A_216 : memref<1x128xi32, #tpu.memory_space<vmem>> -> memref<128xi32, #tpu.memory_space<vmem>>
      %dma_wait3A_218 = arith.constant 0 : i32
      %dma_wait3A_219 = arith.constant 0 : i32
      %dma_wait3A_220 = tpu.memref_slice %arg4[%dma_wait3A_218, %dma_wait3A_219] : memref<40008x128xf32, #tpu.memory_space<hbm>> -> memref<40008x128xf32, #tpu.memory_space<hbm>>
      tpu.wait_indirect_dma semaphore(%arg13 : memref<!tpu.dma_semaphore, #tpu.memory_space<semaphore_mem>>) src(%dma_wait3A_220 : memref<40008x128xf32, #tpu.memory_space<hbm>>) dst(%arg9 : memref<128x128xf32, #tpu.memory_space<vmem>>)
      %dma_wait3A_221 = arith.constant 2 : i32
      %dma_wait3A_222 = arith.constant 0 : i32
      %dma_wait3A_223 = tpu.memref_slice %arg7[%dma_wait3A_221, %dma_wait3A_222] : memref<16x128xi32, #tpu.memory_space<vmem>> -> memref<1x128xi32, #tpu.memory_space<vmem>>
      %dma_wait3A_224 = tpu.memref_squeeze %dma_wait3A_223 : memref<1x128xi32, #tpu.memory_space<vmem>> -> memref<128xi32, #tpu.memory_space<vmem>>
      %dma_wait3A_225 = arith.constant 0 : i32
      %dma_wait3A_226 = arith.constant 0 : i32
      %dma_wait3A_227 = tpu.memref_slice %arg11[%dma_wait3A_225, %dma_wait3A_226] : memref<10240x128xf32, #tpu.memory_space<vmem_shared>> -> memref<10240x128xf32, #tpu.memory_space<vmem_shared>>
      tpu.wait_indirect_dma semaphore(%arg14 : memref<!tpu.dma_semaphore, #tpu.memory_space<semaphore_mem>>) src(%arg8 : memref<128x128xf32, #tpu.memory_space<vmem>>) dst(%dma_wait3A_227 : memref<10240x128xf32, #tpu.memory_space<vmem_shared>>)
      %dma_start3A_228 = arith.constant 4 : i32
      %dma_start3A_229 = arith.constant 0 : i32
      %dma_start3A_230 = tpu.memref_slice %arg6[%dma_start3A_228, %dma_start3A_229] : memref<16x128xi32, #tpu.memory_space<vmem>> -> memref<1x128xi32, #tpu.memory_space<vmem>>
      %dma_start3A_231 = tpu.memref_squeeze %dma_start3A_230 : memref<1x128xi32, #tpu.memory_space<vmem>> -> memref<128xi32, #tpu.memory_space<vmem>>
      %dma_start3A_232 = arith.constant 0 : i32
      %dma_start3A_233 = arith.constant 0 : i32
      %dma_start3A_234 = tpu.memref_slice %arg4[%dma_start3A_232, %dma_start3A_233] : memref<40008x128xf32, #tpu.memory_space<hbm>> -> memref<40008x128xf32, #tpu.memory_space<hbm>>
      tpu.enqueue_indirect_dma source(%dma_start3A_234 : memref<40008x128xf32, #tpu.memory_space<hbm>>) target(%arg8 : memref<128x128xf32, #tpu.memory_space<vmem>>) offsets(%dma_start3A_231 : memref<128xi32, #tpu.memory_space<vmem>>) semaphore(%arg12 : memref<!tpu.dma_semaphore, #tpu.memory_space<semaphore_mem>>)
      %dma_start3A_235 = arith.constant 3 : i32
      %dma_start3A_236 = arith.constant 0 : i32
      %dma_start3A_237 = tpu.memref_slice %arg7[%dma_start3A_235, %dma_start3A_236] : memref<16x128xi32, #tpu.memory_space<vmem>> -> memref<1x128xi32, #tpu.memory_space<vmem>>
      %dma_start3A_238 = tpu.memref_squeeze %dma_start3A_237 : memref<1x128xi32, #tpu.memory_space<vmem>> -> memref<128xi32, #tpu.memory_space<vmem>>
      %dma_start3A_239 = arith.constant 0 : i32
      %dma_start3A_240 = arith.constant 0 : i32
      %dma_start3A_241 = tpu.memref_slice %arg11[%dma_start3A_239, %dma_start3A_240] : memref<10240x128xf32, #tpu.memory_space<vmem_shared>> -> memref<10240x128xf32, #tpu.memory_space<vmem_shared>>
      tpu.enqueue_indirect_dma source(%arg9 : memref<128x128xf32, #tpu.memory_space<vmem>>) target(%dma_start3A_241 : memref<10240x128xf32, #tpu.memory_space<vmem_shared>>) offsets(%dma_start3A_238 : memref<128xi32, #tpu.memory_space<vmem>>) semaphore(%arg15 : memref<!tpu.dma_semaphore, #tpu.memory_space<semaphore_mem>>) {add = true}
      %dma_wait3A_242 = arith.constant 4 : i32
      %dma_wait3A_243 = arith.constant 0 : i32
      %dma_wait3A_244 = tpu.memref_slice %arg6[%dma_wait3A_242, %dma_wait3A_243] : memref<16x128xi32, #tpu.memory_space<vmem>> -> memref<1x128xi32, #tpu.memory_space<vmem>>
      %dma_wait3A_245 = tpu.memref_squeeze %dma_wait3A_244 : memref<1x128xi32, #tpu.memory_space<vmem>> -> memref<128xi32, #tpu.memory_space<vmem>>
      %dma_wait3A_246 = arith.constant 0 : i32
      %dma_wait3A_247 = arith.constant 0 : i32
      %dma_wait3A_248 = tpu.memref_slice %arg4[%dma_wait3A_246, %dma_wait3A_247] : memref<40008x128xf32, #tpu.memory_space<hbm>> -> memref<40008x128xf32, #tpu.memory_space<hbm>>
      tpu.wait_indirect_dma semaphore(%arg12 : memref<!tpu.dma_semaphore, #tpu.memory_space<semaphore_mem>>) src(%dma_wait3A_248 : memref<40008x128xf32, #tpu.memory_space<hbm>>) dst(%arg8 : memref<128x128xf32, #tpu.memory_space<vmem>>)
      %dma_wait3A_249 = arith.constant 3 : i32
      %dma_wait3A_250 = arith.constant 0 : i32
      %dma_wait3A_251 = tpu.memref_slice %arg7[%dma_wait3A_249, %dma_wait3A_250] : memref<16x128xi32, #tpu.memory_space<vmem>> -> memref<1x128xi32, #tpu.memory_space<vmem>>
      %dma_wait3A_252 = tpu.memref_squeeze %dma_wait3A_251 : memref<1x128xi32, #tpu.memory_space<vmem>> -> memref<128xi32, #tpu.memory_space<vmem>>
      %dma_wait3A_253 = arith.constant 0 : i32
      %dma_wait3A_254 = arith.constant 0 : i32
      %dma_wait3A_255 = tpu.memref_slice %arg11[%dma_wait3A_253, %dma_wait3A_254] : memref<10240x128xf32, #tpu.memory_space<vmem_shared>> -> memref<10240x128xf32, #tpu.memory_space<vmem_shared>>
      tpu.wait_indirect_dma semaphore(%arg15 : memref<!tpu.dma_semaphore, #tpu.memory_space<semaphore_mem>>) src(%arg9 : memref<128x128xf32, #tpu.memory_space<vmem>>) dst(%dma_wait3A_255 : memref<10240x128xf32, #tpu.memory_space<vmem_shared>>)
      %dma_start3A_256 = arith.constant 5 : i32
      %dma_start3A_257 = arith.constant 0 : i32
      %dma_start3A_258 = tpu.memref_slice %arg6[%dma_start3A_256, %dma_start3A_257] : memref<16x128xi32, #tpu.memory_space<vmem>> -> memref<1x128xi32, #tpu.memory_space<vmem>>
      %dma_start3A_259 = tpu.memref_squeeze %dma_start3A_258 : memref<1x128xi32, #tpu.memory_space<vmem>> -> memref<128xi32, #tpu.memory_space<vmem>>
      %dma_start3A_260 = arith.constant 0 : i32
      %dma_start3A_261 = arith.constant 0 : i32
      %dma_start3A_262 = tpu.memref_slice %arg4[%dma_start3A_260, %dma_start3A_261] : memref<40008x128xf32, #tpu.memory_space<hbm>> -> memref<40008x128xf32, #tpu.memory_space<hbm>>
      tpu.enqueue_indirect_dma source(%dma_start3A_262 : memref<40008x128xf32, #tpu.memory_space<hbm>>) target(%arg9 : memref<128x128xf32, #tpu.memory_space<vmem>>) offsets(%dma_start3A_259 : memref<128xi32, #tpu.memory_space<vmem>>) semaphore(%arg13 : memref<!tpu.dma_semaphore, #tpu.memory_space<semaphore_mem>>)
      %dma_start3A_263 = arith.constant 4 : i32
      %dma_start3A_264 = arith.constant 0 : i32
      %dma_start3A_265 = tpu.memref_slice %arg7[%dma_start3A_263, %dma_start3A_264] : memref<16x128xi32, #tpu.memory_space<vmem>> -> memref<1x128xi32, #tpu.memory_space<vmem>>
      %dma_start3A_266 = tpu.memref_squeeze %dma_start3A_265 : memref<1x128xi32, #tpu.memory_space<vmem>> -> memref<128xi32, #tpu.memory_space<vmem>>
      %dma_start3A_267 = arith.constant 0 : i32
      %dma_start3A_268 = arith.constant 0 : i32
      %dma_start3A_269 = tpu.memref_slice %arg11[%dma_start3A_267, %dma_start3A_268] : memref<10240x128xf32, #tpu.memory_space<vmem_shared>> -> memref<10240x128xf32, #tpu.memory_space<vmem_shared>>
      tpu.enqueue_indirect_dma source(%arg8 : memref<128x128xf32, #tpu.memory_space<vmem>>) target(%dma_start3A_269 : memref<10240x128xf32, #tpu.memory_space<vmem_shared>>) offsets(%dma_start3A_266 : memref<128xi32, #tpu.memory_space<vmem>>) semaphore(%arg14 : memref<!tpu.dma_semaphore, #tpu.memory_space<semaphore_mem>>) {add = true}
      %dma_wait3A_270 = arith.constant 5 : i32
      %dma_wait3A_271 = arith.constant 0 : i32
      %dma_wait3A_272 = tpu.memref_slice %arg6[%dma_wait3A_270, %dma_wait3A_271] : memref<16x128xi32, #tpu.memory_space<vmem>> -> memref<1x128xi32, #tpu.memory_space<vmem>>
      %dma_wait3A_273 = tpu.memref_squeeze %dma_wait3A_272 : memref<1x128xi32, #tpu.memory_space<vmem>> -> memref<128xi32, #tpu.memory_space<vmem>>
      %dma_wait3A_274 = arith.constant 0 : i32
      %dma_wait3A_275 = arith.constant 0 : i32
      %dma_wait3A_276 = tpu.memref_slice %arg4[%dma_wait3A_274, %dma_wait3A_275] : memref<40008x128xf32, #tpu.memory_space<hbm>> -> memref<40008x128xf32, #tpu.memory_space<hbm>>
      tpu.wait_indirect_dma semaphore(%arg13 : memref<!tpu.dma_semaphore, #tpu.memory_space<semaphore_mem>>) src(%dma_wait3A_276 : memref<40008x128xf32, #tpu.memory_space<hbm>>) dst(%arg9 : memref<128x128xf32, #tpu.memory_space<vmem>>)
      %dma_wait3A_277 = arith.constant 4 : i32
      %dma_wait3A_278 = arith.constant 0 : i32
      %dma_wait3A_279 = tpu.memref_slice %arg7[%dma_wait3A_277, %dma_wait3A_278] : memref<16x128xi32, #tpu.memory_space<vmem>> -> memref<1x128xi32, #tpu.memory_space<vmem>>
      %dma_wait3A_280 = tpu.memref_squeeze %dma_wait3A_279 : memref<1x128xi32, #tpu.memory_space<vmem>> -> memref<128xi32, #tpu.memory_space<vmem>>
      %dma_wait3A_281 = arith.constant 0 : i32
      %dma_wait3A_282 = arith.constant 0 : i32
      %dma_wait3A_283 = tpu.memref_slice %arg11[%dma_wait3A_281, %dma_wait3A_282] : memref<10240x128xf32, #tpu.memory_space<vmem_shared>> -> memref<10240x128xf32, #tpu.memory_space<vmem_shared>>
      tpu.wait_indirect_dma semaphore(%arg14 : memref<!tpu.dma_semaphore, #tpu.memory_space<semaphore_mem>>) src(%arg8 : memref<128x128xf32, #tpu.memory_space<vmem>>) dst(%dma_wait3A_283 : memref<10240x128xf32, #tpu.memory_space<vmem_shared>>)
      %dma_start3A_284 = arith.constant 6 : i32
      %dma_start3A_285 = arith.constant 0 : i32
      %dma_start3A_286 = tpu.memref_slice %arg6[%dma_start3A_284, %dma_start3A_285] : memref<16x128xi32, #tpu.memory_space<vmem>> -> memref<1x128xi32, #tpu.memory_space<vmem>>
      %dma_start3A_287 = tpu.memref_squeeze %dma_start3A_286 : memref<1x128xi32, #tpu.memory_space<vmem>> -> memref<128xi32, #tpu.memory_space<vmem>>
      %dma_start3A_288 = arith.constant 0 : i32
      %dma_start3A_289 = arith.constant 0 : i32
      %dma_start3A_290 = tpu.memref_slice %arg4[%dma_start3A_288, %dma_start3A_289] : memref<40008x128xf32, #tpu.memory_space<hbm>> -> memref<40008x128xf32, #tpu.memory_space<hbm>>
      tpu.enqueue_indirect_dma source(%dma_start3A_290 : memref<40008x128xf32, #tpu.memory_space<hbm>>) target(%arg8 : memref<128x128xf32, #tpu.memory_space<vmem>>) offsets(%dma_start3A_287 : memref<128xi32, #tpu.memory_space<vmem>>) semaphore(%arg12 : memref<!tpu.dma_semaphore, #tpu.memory_space<semaphore_mem>>)
      %dma_start3A_291 = arith.constant 5 : i32
      %dma_start3A_292 = arith.constant 0 : i32
      %dma_start3A_293 = tpu.memref_slice %arg7[%dma_start3A_291, %dma_start3A_292] : memref<16x128xi32, #tpu.memory_space<vmem>> -> memref<1x128xi32, #tpu.memory_space<vmem>>
      %dma_start3A_294 = tpu.memref_squeeze %dma_start3A_293 : memref<1x128xi32, #tpu.memory_space<vmem>> -> memref<128xi32, #tpu.memory_space<vmem>>
      %dma_start3A_295 = arith.constant 0 : i32
      %dma_start3A_296 = arith.constant 0 : i32
      %dma_start3A_297 = tpu.memref_slice %arg11[%dma_start3A_295, %dma_start3A_296] : memref<10240x128xf32, #tpu.memory_space<vmem_shared>> -> memref<10240x128xf32, #tpu.memory_space<vmem_shared>>
      tpu.enqueue_indirect_dma source(%arg9 : memref<128x128xf32, #tpu.memory_space<vmem>>) target(%dma_start3A_297 : memref<10240x128xf32, #tpu.memory_space<vmem_shared>>) offsets(%dma_start3A_294 : memref<128xi32, #tpu.memory_space<vmem>>) semaphore(%arg15 : memref<!tpu.dma_semaphore, #tpu.memory_space<semaphore_mem>>) {add = true}
      %dma_wait3A_298 = arith.constant 6 : i32
      %dma_wait3A_299 = arith.constant 0 : i32
      %dma_wait3A_300 = tpu.memref_slice %arg6[%dma_wait3A_298, %dma_wait3A_299] : memref<16x128xi32, #tpu.memory_space<vmem>> -> memref<1x128xi32, #tpu.memory_space<vmem>>
      %dma_wait3A_301 = tpu.memref_squeeze %dma_wait3A_300 : memref<1x128xi32, #tpu.memory_space<vmem>> -> memref<128xi32, #tpu.memory_space<vmem>>
      %dma_wait3A_302 = arith.constant 0 : i32
      %dma_wait3A_303 = arith.constant 0 : i32
      %dma_wait3A_304 = tpu.memref_slice %arg4[%dma_wait3A_302, %dma_wait3A_303] : memref<40008x128xf32, #tpu.memory_space<hbm>> -> memref<40008x128xf32, #tpu.memory_space<hbm>>
      tpu.wait_indirect_dma semaphore(%arg12 : memref<!tpu.dma_semaphore, #tpu.memory_space<semaphore_mem>>) src(%dma_wait3A_304 : memref<40008x128xf32, #tpu.memory_space<hbm>>) dst(%arg8 : memref<128x128xf32, #tpu.memory_space<vmem>>)
      %dma_wait3A_305 = arith.constant 5 : i32
      %dma_wait3A_306 = arith.constant 0 : i32
      %dma_wait3A_307 = tpu.memref_slice %arg7[%dma_wait3A_305, %dma_wait3A_306] : memref<16x128xi32, #tpu.memory_space<vmem>> -> memref<1x128xi32, #tpu.memory_space<vmem>>
      %dma_wait3A_308 = tpu.memref_squeeze %dma_wait3A_307 : memref<1x128xi32, #tpu.memory_space<vmem>> -> memref<128xi32, #tpu.memory_space<vmem>>
      %dma_wait3A_309 = arith.constant 0 : i32
      %dma_wait3A_310 = arith.constant 0 : i32
      %dma_wait3A_311 = tpu.memref_slice %arg11[%dma_wait3A_309, %dma_wait3A_310] : memref<10240x128xf32, #tpu.memory_space<vmem_shared>> -> memref<10240x128xf32, #tpu.memory_space<vmem_shared>>
      tpu.wait_indirect_dma semaphore(%arg15 : memref<!tpu.dma_semaphore, #tpu.memory_space<semaphore_mem>>) src(%arg9 : memref<128x128xf32, #tpu.memory_space<vmem>>) dst(%dma_wait3A_311 : memref<10240x128xf32, #tpu.memory_space<vmem_shared>>)
      %dma_start3A_312 = arith.constant 7 : i32
      %dma_start3A_313 = arith.constant 0 : i32
      %dma_start3A_314 = tpu.memref_slice %arg6[%dma_start3A_312, %dma_start3A_313] : memref<16x128xi32, #tpu.memory_space<vmem>> -> memref<1x128xi32, #tpu.memory_space<vmem>>
      %dma_start3A_315 = tpu.memref_squeeze %dma_start3A_314 : memref<1x128xi32, #tpu.memory_space<vmem>> -> memref<128xi32, #tpu.memory_space<vmem>>
      %dma_start3A_316 = arith.constant 0 : i32
      %dma_start3A_317 = arith.constant 0 : i32
      %dma_start3A_318 = tpu.memref_slice %arg4[%dma_start3A_316, %dma_start3A_317] : memref<40008x128xf32, #tpu.memory_space<hbm>> -> memref<40008x128xf32, #tpu.memory_space<hbm>>
      tpu.enqueue_indirect_dma source(%dma_start3A_318 : memref<40008x128xf32, #tpu.memory_space<hbm>>) target(%arg9 : memref<128x128xf32, #tpu.memory_space<vmem>>) offsets(%dma_start3A_315 : memref<128xi32, #tpu.memory_space<vmem>>) semaphore(%arg13 : memref<!tpu.dma_semaphore, #tpu.memory_space<semaphore_mem>>)
      %dma_start3A_319 = arith.constant 6 : i32
      %dma_start3A_320 = arith.constant 0 : i32
      %dma_start3A_321 = tpu.memref_slice %arg7[%dma_start3A_319, %dma_start3A_320] : memref<16x128xi32, #tpu.memory_space<vmem>> -> memref<1x128xi32, #tpu.memory_space<vmem>>
      %dma_start3A_322 = tpu.memref_squeeze %dma_start3A_321 : memref<1x128xi32, #tpu.memory_space<vmem>> -> memref<128xi32, #tpu.memory_space<vmem>>
      %dma_start3A_323 = arith.constant 0 : i32
      %dma_start3A_324 = arith.constant 0 : i32
      %dma_start3A_325 = tpu.memref_slice %arg11[%dma_start3A_323, %dma_start3A_324] : memref<10240x128xf32, #tpu.memory_space<vmem_shared>> -> memref<10240x128xf32, #tpu.memory_space<vmem_shared>>
      tpu.enqueue_indirect_dma source(%arg8 : memref<128x128xf32, #tpu.memory_space<vmem>>) target(%dma_start3A_325 : memref<10240x128xf32, #tpu.memory_space<vmem_shared>>) offsets(%dma_start3A_322 : memref<128xi32, #tpu.memory_space<vmem>>) semaphore(%arg14 : memref<!tpu.dma_semaphore, #tpu.memory_space<semaphore_mem>>) {add = true}
      %dma_wait3A_326 = arith.constant 7 : i32
      %dma_wait3A_327 = arith.constant 0 : i32
      %dma_wait3A_328 = tpu.memref_slice %arg6[%dma_wait3A_326, %dma_wait3A_327] : memref<16x128xi32, #tpu.memory_space<vmem>> -> memref<1x128xi32, #tpu.memory_space<vmem>>
      %dma_wait3A_329 = tpu.memref_squeeze %dma_wait3A_328 : memref<1x128xi32, #tpu.memory_space<vmem>> -> memref<128xi32, #tpu.memory_space<vmem>>
      %dma_wait3A_330 = arith.constant 0 : i32
      %dma_wait3A_331 = arith.constant 0 : i32
      %dma_wait3A_332 = tpu.memref_slice %arg4[%dma_wait3A_330, %dma_wait3A_331] : memref<40008x128xf32, #tpu.memory_space<hbm>> -> memref<40008x128xf32, #tpu.memory_space<hbm>>
      tpu.wait_indirect_dma semaphore(%arg13 : memref<!tpu.dma_semaphore, #tpu.memory_space<semaphore_mem>>) src(%dma_wait3A_332 : memref<40008x128xf32, #tpu.memory_space<hbm>>) dst(%arg9 : memref<128x128xf32, #tpu.memory_space<vmem>>)
      %dma_wait3A_333 = arith.constant 6 : i32
      %dma_wait3A_334 = arith.constant 0 : i32
      %dma_wait3A_335 = tpu.memref_slice %arg7[%dma_wait3A_333, %dma_wait3A_334] : memref<16x128xi32, #tpu.memory_space<vmem>> -> memref<1x128xi32, #tpu.memory_space<vmem>>
      %dma_wait3A_336 = tpu.memref_squeeze %dma_wait3A_335 : memref<1x128xi32, #tpu.memory_space<vmem>> -> memref<128xi32, #tpu.memory_space<vmem>>
      %dma_wait3A_337 = arith.constant 0 : i32
      %dma_wait3A_338 = arith.constant 0 : i32
      %dma_wait3A_339 = tpu.memref_slice %arg11[%dma_wait3A_337, %dma_wait3A_338] : memref<10240x128xf32, #tpu.memory_space<vmem_shared>> -> memref<10240x128xf32, #tpu.memory_space<vmem_shared>>
      tpu.wait_indirect_dma semaphore(%arg14 : memref<!tpu.dma_semaphore, #tpu.memory_space<semaphore_mem>>) src(%arg8 : memref<128x128xf32, #tpu.memory_space<vmem>>) dst(%dma_wait3A_339 : memref<10240x128xf32, #tpu.memory_space<vmem_shared>>)
      %dma_start3A_340 = arith.constant 8 : i32
      %dma_start3A_341 = arith.constant 0 : i32
      %dma_start3A_342 = tpu.memref_slice %arg6[%dma_start3A_340, %dma_start3A_341] : memref<16x128xi32, #tpu.memory_space<vmem>> -> memref<1x128xi32, #tpu.memory_space<vmem>>
      %dma_start3A_343 = tpu.memref_squeeze %dma_start3A_342 : memref<1x128xi32, #tpu.memory_space<vmem>> -> memref<128xi32, #tpu.memory_space<vmem>>
      %dma_start3A_344 = arith.constant 0 : i32
      %dma_start3A_345 = arith.constant 0 : i32
      %dma_start3A_346 = tpu.memref_slice %arg4[%dma_start3A_344, %dma_start3A_345] : memref<40008x128xf32, #tpu.memory_space<hbm>> -> memref<40008x128xf32, #tpu.memory_space<hbm>>
      tpu.enqueue_indirect_dma source(%dma_start3A_346 : memref<40008x128xf32, #tpu.memory_space<hbm>>) target(%arg8 : memref<128x128xf32, #tpu.memory_space<vmem>>) offsets(%dma_start3A_343 : memref<128xi32, #tpu.memory_space<vmem>>) semaphore(%arg12 : memref<!tpu.dma_semaphore, #tpu.memory_space<semaphore_mem>>)
      %dma_start3A_347 = arith.constant 7 : i32
      %dma_start3A_348 = arith.constant 0 : i32
      %dma_start3A_349 = tpu.memref_slice %arg7[%dma_start3A_347, %dma_start3A_348] : memref<16x128xi32, #tpu.memory_space<vmem>> -> memref<1x128xi32, #tpu.memory_space<vmem>>
      %dma_start3A_350 = tpu.memref_squeeze %dma_start3A_349 : memref<1x128xi32, #tpu.memory_space<vmem>> -> memref<128xi32, #tpu.memory_space<vmem>>
      %dma_start3A_351 = arith.constant 0 : i32
      %dma_start3A_352 = arith.constant 0 : i32
      %dma_start3A_353 = tpu.memref_slice %arg11[%dma_start3A_351, %dma_start3A_352] : memref<10240x128xf32, #tpu.memory_space<vmem_shared>> -> memref<10240x128xf32, #tpu.memory_space<vmem_shared>>
      tpu.enqueue_indirect_dma source(%arg9 : memref<128x128xf32, #tpu.memory_space<vmem>>) target(%dma_start3A_353 : memref<10240x128xf32, #tpu.memory_space<vmem_shared>>) offsets(%dma_start3A_350 : memref<128xi32, #tpu.memory_space<vmem>>) semaphore(%arg15 : memref<!tpu.dma_semaphore, #tpu.memory_space<semaphore_mem>>) {add = true}
      %dma_wait3A_354 = arith.constant 8 : i32
      %dma_wait3A_355 = arith.constant 0 : i32
      %dma_wait3A_356 = tpu.memref_slice %arg6[%dma_wait3A_354, %dma_wait3A_355] : memref<16x128xi32, #tpu.memory_space<vmem>> -> memref<1x128xi32, #tpu.memory_space<vmem>>
      %dma_wait3A_357 = tpu.memref_squeeze %dma_wait3A_356 : memref<1x128xi32, #tpu.memory_space<vmem>> -> memref<128xi32, #tpu.memory_space<vmem>>
      %dma_wait3A_358 = arith.constant 0 : i32
      %dma_wait3A_359 = arith.constant 0 : i32
      %dma_wait3A_360 = tpu.memref_slice %arg4[%dma_wait3A_358, %dma_wait3A_359] : memref<40008x128xf32, #tpu.memory_space<hbm>> -> memref<40008x128xf32, #tpu.memory_space<hbm>>
      tpu.wait_indirect_dma semaphore(%arg12 : memref<!tpu.dma_semaphore, #tpu.memory_space<semaphore_mem>>) src(%dma_wait3A_360 : memref<40008x128xf32, #tpu.memory_space<hbm>>) dst(%arg8 : memref<128x128xf32, #tpu.memory_space<vmem>>)
      %dma_wait3A_361 = arith.constant 7 : i32
      %dma_wait3A_362 = arith.constant 0 : i32
      %dma_wait3A_363 = tpu.memref_slice %arg7[%dma_wait3A_361, %dma_wait3A_362] : memref<16x128xi32, #tpu.memory_space<vmem>> -> memref<1x128xi32, #tpu.memory_space<vmem>>
      %dma_wait3A_364 = tpu.memref_squeeze %dma_wait3A_363 : memref<1x128xi32, #tpu.memory_space<vmem>> -> memref<128xi32, #tpu.memory_space<vmem>>
      %dma_wait3A_365 = arith.constant 0 : i32
      %dma_wait3A_366 = arith.constant 0 : i32
      %dma_wait3A_367 = tpu.memref_slice %arg11[%dma_wait3A_365, %dma_wait3A_366] : memref<10240x128xf32, #tpu.memory_space<vmem_shared>> -> memref<10240x128xf32, #tpu.memory_space<vmem_shared>>
      tpu.wait_indirect_dma semaphore(%arg15 : memref<!tpu.dma_semaphore, #tpu.memory_space<semaphore_mem>>) src(%arg9 : memref<128x128xf32, #tpu.memory_space<vmem>>) dst(%dma_wait3A_367 : memref<10240x128xf32, #tpu.memory_space<vmem_shared>>)
      %dma_start3A_368 = arith.constant 9 : i32
      %dma_start3A_369 = arith.constant 0 : i32
      %dma_start3A_370 = tpu.memref_slice %arg6[%dma_start3A_368, %dma_start3A_369] : memref<16x128xi32, #tpu.memory_space<vmem>> -> memref<1x128xi32, #tpu.memory_space<vmem>>
      %dma_start3A_371 = tpu.memref_squeeze %dma_start3A_370 : memref<1x128xi32, #tpu.memory_space<vmem>> -> memref<128xi32, #tpu.memory_space<vmem>>
      %dma_start3A_372 = arith.constant 0 : i32
      %dma_start3A_373 = arith.constant 0 : i32
      %dma_start3A_374 = tpu.memref_slice %arg4[%dma_start3A_372, %dma_start3A_373] : memref<40008x128xf32, #tpu.memory_space<hbm>> -> memref<40008x128xf32, #tpu.memory_space<hbm>>
      tpu.enqueue_indirect_dma source(%dma_start3A_374 : memref<40008x128xf32, #tpu.memory_space<hbm>>) target(%arg9 : memref<128x128xf32, #tpu.memory_space<vmem>>) offsets(%dma_start3A_371 : memref<128xi32, #tpu.memory_space<vmem>>) semaphore(%arg13 : memref<!tpu.dma_semaphore, #tpu.memory_space<semaphore_mem>>)
      %dma_start3A_375 = arith.constant 8 : i32
      %dma_start3A_376 = arith.constant 0 : i32
      %dma_start3A_377 = tpu.memref_slice %arg7[%dma_start3A_375, %dma_start3A_376] : memref<16x128xi32, #tpu.memory_space<vmem>> -> memref<1x128xi32, #tpu.memory_space<vmem>>
      %dma_start3A_378 = tpu.memref_squeeze %dma_start3A_377 : memref<1x128xi32, #tpu.memory_space<vmem>> -> memref<128xi32, #tpu.memory_space<vmem>>
      %dma_start3A_379 = arith.constant 0 : i32
      %dma_start3A_380 = arith.constant 0 : i32
      %dma_start3A_381 = tpu.memref_slice %arg11[%dma_start3A_379, %dma_start3A_380] : memref<10240x128xf32, #tpu.memory_space<vmem_shared>> -> memref<10240x128xf32, #tpu.memory_space<vmem_shared>>
      tpu.enqueue_indirect_dma source(%arg8 : memref<128x128xf32, #tpu.memory_space<vmem>>) target(%dma_start3A_381 : memref<10240x128xf32, #tpu.memory_space<vmem_shared>>) offsets(%dma_start3A_378 : memref<128xi32, #tpu.memory_space<vmem>>) semaphore(%arg14 : memref<!tpu.dma_semaphore, #tpu.memory_space<semaphore_mem>>) {add = true}
      %dma_wait3A_382 = arith.constant 9 : i32
      %dma_wait3A_383 = arith.constant 0 : i32
      %dma_wait3A_384 = tpu.memref_slice %arg6[%dma_wait3A_382, %dma_wait3A_383] : memref<16x128xi32, #tpu.memory_space<vmem>> -> memref<1x128xi32, #tpu.memory_space<vmem>>
      %dma_wait3A_385 = tpu.memref_squeeze %dma_wait3A_384 : memref<1x128xi32, #tpu.memory_space<vmem>> -> memref<128xi32, #tpu.memory_space<vmem>>
      %dma_wait3A_386 = arith.constant 0 : i32
      %dma_wait3A_387 = arith.constant 0 : i32
      %dma_wait3A_388 = tpu.memref_slice %arg4[%dma_wait3A_386, %dma_wait3A_387] : memref<40008x128xf32, #tpu.memory_space<hbm>> -> memref<40008x128xf32, #tpu.memory_space<hbm>>
      tpu.wait_indirect_dma semaphore(%arg13 : memref<!tpu.dma_semaphore, #tpu.memory_space<semaphore_mem>>) src(%dma_wait3A_388 : memref<40008x128xf32, #tpu.memory_space<hbm>>) dst(%arg9 : memref<128x128xf32, #tpu.memory_space<vmem>>)
      %dma_wait3A_389 = arith.constant 8 : i32
      %dma_wait3A_390 = arith.constant 0 : i32
      %dma_wait3A_391 = tpu.memref_slice %arg7[%dma_wait3A_389, %dma_wait3A_390] : memref<16x128xi32, #tpu.memory_space<vmem>> -> memref<1x128xi32, #tpu.memory_space<vmem>>
      %dma_wait3A_392 = tpu.memref_squeeze %dma_wait3A_391 : memref<1x128xi32, #tpu.memory_space<vmem>> -> memref<128xi32, #tpu.memory_space<vmem>>
      %dma_wait3A_393 = arith.constant 0 : i32
      %dma_wait3A_394 = arith.constant 0 : i32
      %dma_wait3A_395 = tpu.memref_slice %arg11[%dma_wait3A_393, %dma_wait3A_394] : memref<10240x128xf32, #tpu.memory_space<vmem_shared>> -> memref<10240x128xf32, #tpu.memory_space<vmem_shared>>
      tpu.wait_indirect_dma semaphore(%arg14 : memref<!tpu.dma_semaphore, #tpu.memory_space<semaphore_mem>>) src(%arg8 : memref<128x128xf32, #tpu.memory_space<vmem>>) dst(%dma_wait3A_395 : memref<10240x128xf32, #tpu.memory_space<vmem_shared>>)
      %dma_start3A_396 = arith.constant 10 : i32
      %dma_start3A_397 = arith.constant 0 : i32
      %dma_start3A_398 = tpu.memref_slice %arg6[%dma_start3A_396, %dma_start3A_397] : memref<16x128xi32, #tpu.memory_space<vmem>> -> memref<1x128xi32, #tpu.memory_space<vmem>>
      %dma_start3A_399 = tpu.memref_squeeze %dma_start3A_398 : memref<1x128xi32, #tpu.memory_space<vmem>> -> memref<128xi32, #tpu.memory_space<vmem>>
      %dma_start3A_400 = arith.constant 0 : i32
      %dma_start3A_401 = arith.constant 0 : i32
      %dma_start3A_402 = tpu.memref_slice %arg4[%dma_start3A_400, %dma_start3A_401] : memref<40008x128xf32, #tpu.memory_space<hbm>> -> memref<40008x128xf32, #tpu.memory_space<hbm>>
      tpu.enqueue_indirect_dma source(%dma_start3A_402 : memref<40008x128xf32, #tpu.memory_space<hbm>>) target(%arg8 : memref<128x128xf32, #tpu.memory_space<vmem>>) offsets(%dma_start3A_399 : memref<128xi32, #tpu.memory_space<vmem>>) semaphore(%arg12 : memref<!tpu.dma_semaphore, #tpu.memory_space<semaphore_mem>>)
      %dma_start3A_403 = arith.constant 9 : i32
      %dma_start3A_404 = arith.constant 0 : i32
      %dma_start3A_405 = tpu.memref_slice %arg7[%dma_start3A_403, %dma_start3A_404] : memref<16x128xi32, #tpu.memory_space<vmem>> -> memref<1x128xi32, #tpu.memory_space<vmem>>
      %dma_start3A_406 = tpu.memref_squeeze %dma_start3A_405 : memref<1x128xi32, #tpu.memory_space<vmem>> -> memref<128xi32, #tpu.memory_space<vmem>>
      %dma_start3A_407 = arith.constant 0 : i32
      %dma_start3A_408 = arith.constant 0 : i32
      %dma_start3A_409 = tpu.memref_slice %arg11[%dma_start3A_407, %dma_start3A_408] : memref<10240x128xf32, #tpu.memory_space<vmem_shared>> -> memref<10240x128xf32, #tpu.memory_space<vmem_shared>>
      tpu.enqueue_indirect_dma source(%arg9 : memref<128x128xf32, #tpu.memory_space<vmem>>) target(%dma_start3A_409 : memref<10240x128xf32, #tpu.memory_space<vmem_shared>>) offsets(%dma_start3A_406 : memref<128xi32, #tpu.memory_space<vmem>>) semaphore(%arg15 : memref<!tpu.dma_semaphore, #tpu.memory_space<semaphore_mem>>) {add = true}
      %dma_wait3A_410 = arith.constant 10 : i32
      %dma_wait3A_411 = arith.constant 0 : i32
      %dma_wait3A_412 = tpu.memref_slice %arg6[%dma_wait3A_410, %dma_wait3A_411] : memref<16x128xi32, #tpu.memory_space<vmem>> -> memref<1x128xi32, #tpu.memory_space<vmem>>
      %dma_wait3A_413 = tpu.memref_squeeze %dma_wait3A_412 : memref<1x128xi32, #tpu.memory_space<vmem>> -> memref<128xi32, #tpu.memory_space<vmem>>
      %dma_wait3A_414 = arith.constant 0 : i32
      %dma_wait3A_415 = arith.constant 0 : i32
      %dma_wait3A_416 = tpu.memref_slice %arg4[%dma_wait3A_414, %dma_wait3A_415] : memref<40008x128xf32, #tpu.memory_space<hbm>> -> memref<40008x128xf32, #tpu.memory_space<hbm>>
      tpu.wait_indirect_dma semaphore(%arg12 : memref<!tpu.dma_semaphore, #tpu.memory_space<semaphore_mem>>) src(%dma_wait3A_416 : memref<40008x128xf32, #tpu.memory_space<hbm>>) dst(%arg8 : memref<128x128xf32, #tpu.memory_space<vmem>>)
      %dma_wait3A_417 = arith.constant 9 : i32
      %dma_wait3A_418 = arith.constant 0 : i32
      %dma_wait3A_419 = tpu.memref_slice %arg7[%dma_wait3A_417, %dma_wait3A_418] : memref<16x128xi32, #tpu.memory_space<vmem>> -> memref<1x128xi32, #tpu.memory_space<vmem>>
      %dma_wait3A_420 = tpu.memref_squeeze %dma_wait3A_419 : memref<1x128xi32, #tpu.memory_space<vmem>> -> memref<128xi32, #tpu.memory_space<vmem>>
      %dma_wait3A_421 = arith.constant 0 : i32
      %dma_wait3A_422 = arith.constant 0 : i32
      %dma_wait3A_423 = tpu.memref_slice %arg11[%dma_wait3A_421, %dma_wait3A_422] : memref<10240x128xf32, #tpu.memory_space<vmem_shared>> -> memref<10240x128xf32, #tpu.memory_space<vmem_shared>>
      tpu.wait_indirect_dma semaphore(%arg15 : memref<!tpu.dma_semaphore, #tpu.memory_space<semaphore_mem>>) src(%arg9 : memref<128x128xf32, #tpu.memory_space<vmem>>) dst(%dma_wait3A_423 : memref<10240x128xf32, #tpu.memory_space<vmem_shared>>)
      %dma_start3A_424 = arith.constant 11 : i32
      %dma_start3A_425 = arith.constant 0 : i32
      %dma_start3A_426 = tpu.memref_slice %arg6[%dma_start3A_424, %dma_start3A_425] : memref<16x128xi32, #tpu.memory_space<vmem>> -> memref<1x128xi32, #tpu.memory_space<vmem>>
      %dma_start3A_427 = tpu.memref_squeeze %dma_start3A_426 : memref<1x128xi32, #tpu.memory_space<vmem>> -> memref<128xi32, #tpu.memory_space<vmem>>
      %dma_start3A_428 = arith.constant 0 : i32
      %dma_start3A_429 = arith.constant 0 : i32
      %dma_start3A_430 = tpu.memref_slice %arg4[%dma_start3A_428, %dma_start3A_429] : memref<40008x128xf32, #tpu.memory_space<hbm>> -> memref<40008x128xf32, #tpu.memory_space<hbm>>
      tpu.enqueue_indirect_dma source(%dma_start3A_430 : memref<40008x128xf32, #tpu.memory_space<hbm>>) target(%arg9 : memref<128x128xf32, #tpu.memory_space<vmem>>) offsets(%dma_start3A_427 : memref<128xi32, #tpu.memory_space<vmem>>) semaphore(%arg13 : memref<!tpu.dma_semaphore, #tpu.memory_space<semaphore_mem>>)
      %dma_start3A_431 = arith.constant 10 : i32
      %dma_start3A_432 = arith.constant 0 : i32
      %dma_start3A_433 = tpu.memref_slice %arg7[%dma_start3A_431, %dma_start3A_432] : memref<16x128xi32, #tpu.memory_space<vmem>> -> memref<1x128xi32, #tpu.memory_space<vmem>>
      %dma_start3A_434 = tpu.memref_squeeze %dma_start3A_433 : memref<1x128xi32, #tpu.memory_space<vmem>> -> memref<128xi32, #tpu.memory_space<vmem>>
      %dma_start3A_435 = arith.constant 0 : i32
      %dma_start3A_436 = arith.constant 0 : i32
      %dma_start3A_437 = tpu.memref_slice %arg11[%dma_start3A_435, %dma_start3A_436] : memref<10240x128xf32, #tpu.memory_space<vmem_shared>> -> memref<10240x128xf32, #tpu.memory_space<vmem_shared>>
      tpu.enqueue_indirect_dma source(%arg8 : memref<128x128xf32, #tpu.memory_space<vmem>>) target(%dma_start3A_437 : memref<10240x128xf32, #tpu.memory_space<vmem_shared>>) offsets(%dma_start3A_434 : memref<128xi32, #tpu.memory_space<vmem>>) semaphore(%arg14 : memref<!tpu.dma_semaphore, #tpu.memory_space<semaphore_mem>>) {add = true}
      %dma_wait3A_438 = arith.constant 11 : i32
      %dma_wait3A_439 = arith.constant 0 : i32
      %dma_wait3A_440 = tpu.memref_slice %arg6[%dma_wait3A_438, %dma_wait3A_439] : memref<16x128xi32, #tpu.memory_space<vmem>> -> memref<1x128xi32, #tpu.memory_space<vmem>>
      %dma_wait3A_441 = tpu.memref_squeeze %dma_wait3A_440 : memref<1x128xi32, #tpu.memory_space<vmem>> -> memref<128xi32, #tpu.memory_space<vmem>>
      %dma_wait3A_442 = arith.constant 0 : i32
      %dma_wait3A_443 = arith.constant 0 : i32
      %dma_wait3A_444 = tpu.memref_slice %arg4[%dma_wait3A_442, %dma_wait3A_443] : memref<40008x128xf32, #tpu.memory_space<hbm>> -> memref<40008x128xf32, #tpu.memory_space<hbm>>
      tpu.wait_indirect_dma semaphore(%arg13 : memref<!tpu.dma_semaphore, #tpu.memory_space<semaphore_mem>>) src(%dma_wait3A_444 : memref<40008x128xf32, #tpu.memory_space<hbm>>) dst(%arg9 : memref<128x128xf32, #tpu.memory_space<vmem>>)
      %dma_wait3A_445 = arith.constant 10 : i32
      %dma_wait3A_446 = arith.constant 0 : i32
      %dma_wait3A_447 = tpu.memref_slice %arg7[%dma_wait3A_445, %dma_wait3A_446] : memref<16x128xi32, #tpu.memory_space<vmem>> -> memref<1x128xi32, #tpu.memory_space<vmem>>
      %dma_wait3A_448 = tpu.memref_squeeze %dma_wait3A_447 : memref<1x128xi32, #tpu.memory_space<vmem>> -> memref<128xi32, #tpu.memory_space<vmem>>
      %dma_wait3A_449 = arith.constant 0 : i32
      %dma_wait3A_450 = arith.constant 0 : i32
      %dma_wait3A_451 = tpu.memref_slice %arg11[%dma_wait3A_449, %dma_wait3A_450] : memref<10240x128xf32, #tpu.memory_space<vmem_shared>> -> memref<10240x128xf32, #tpu.memory_space<vmem_shared>>
      tpu.wait_indirect_dma semaphore(%arg14 : memref<!tpu.dma_semaphore, #tpu.memory_space<semaphore_mem>>) src(%arg8 : memref<128x128xf32, #tpu.memory_space<vmem>>) dst(%dma_wait3A_451 : memref<10240x128xf32, #tpu.memory_space<vmem_shared>>)
      %dma_start3A_452 = arith.constant 12 : i32
      %dma_start3A_453 = arith.constant 0 : i32
      %dma_start3A_454 = tpu.memref_slice %arg6[%dma_start3A_452, %dma_start3A_453] : memref<16x128xi32, #tpu.memory_space<vmem>> -> memref<1x128xi32, #tpu.memory_space<vmem>>
      %dma_start3A_455 = tpu.memref_squeeze %dma_start3A_454 : memref<1x128xi32, #tpu.memory_space<vmem>> -> memref<128xi32, #tpu.memory_space<vmem>>
      %dma_start3A_456 = arith.constant 0 : i32
      %dma_start3A_457 = arith.constant 0 : i32
      %dma_start3A_458 = tpu.memref_slice %arg4[%dma_start3A_456, %dma_start3A_457] : memref<40008x128xf32, #tpu.memory_space<hbm>> -> memref<40008x128xf32, #tpu.memory_space<hbm>>
      tpu.enqueue_indirect_dma source(%dma_start3A_458 : memref<40008x128xf32, #tpu.memory_space<hbm>>) target(%arg8 : memref<128x128xf32, #tpu.memory_space<vmem>>) offsets(%dma_start3A_455 : memref<128xi32, #tpu.memory_space<vmem>>) semaphore(%arg12 : memref<!tpu.dma_semaphore, #tpu.memory_space<semaphore_mem>>)
      %dma_start3A_459 = arith.constant 11 : i32
      %dma_start3A_460 = arith.constant 0 : i32
      %dma_start3A_461 = tpu.memref_slice %arg7[%dma_start3A_459, %dma_start3A_460] : memref<16x128xi32, #tpu.memory_space<vmem>> -> memref<1x128xi32, #tpu.memory_space<vmem>>
      %dma_start3A_462 = tpu.memref_squeeze %dma_start3A_461 : memref<1x128xi32, #tpu.memory_space<vmem>> -> memref<128xi32, #tpu.memory_space<vmem>>
      %dma_start3A_463 = arith.constant 0 : i32
      %dma_start3A_464 = arith.constant 0 : i32
      %dma_start3A_465 = tpu.memref_slice %arg11[%dma_start3A_463, %dma_start3A_464] : memref<10240x128xf32, #tpu.memory_space<vmem_shared>> -> memref<10240x128xf32, #tpu.memory_space<vmem_shared>>
      tpu.enqueue_indirect_dma source(%arg9 : memref<128x128xf32, #tpu.memory_space<vmem>>) target(%dma_start3A_465 : memref<10240x128xf32, #tpu.memory_space<vmem_shared>>) offsets(%dma_start3A_462 : memref<128xi32, #tpu.memory_space<vmem>>) semaphore(%arg15 : memref<!tpu.dma_semaphore, #tpu.memory_space<semaphore_mem>>) {add = true}
      %dma_wait3A_466 = arith.constant 12 : i32
      %dma_wait3A_467 = arith.constant 0 : i32
      %dma_wait3A_468 = tpu.memref_slice %arg6[%dma_wait3A_466, %dma_wait3A_467] : memref<16x128xi32, #tpu.memory_space<vmem>> -> memref<1x128xi32, #tpu.memory_space<vmem>>
      %dma_wait3A_469 = tpu.memref_squeeze %dma_wait3A_468 : memref<1x128xi32, #tpu.memory_space<vmem>> -> memref<128xi32, #tpu.memory_space<vmem>>
      %dma_wait3A_470 = arith.constant 0 : i32
      %dma_wait3A_471 = arith.constant 0 : i32
      %dma_wait3A_472 = tpu.memref_slice %arg4[%dma_wait3A_470, %dma_wait3A_471] : memref<40008x128xf32, #tpu.memory_space<hbm>> -> memref<40008x128xf32, #tpu.memory_space<hbm>>
      tpu.wait_indirect_dma semaphore(%arg12 : memref<!tpu.dma_semaphore, #tpu.memory_space<semaphore_mem>>) src(%dma_wait3A_472 : memref<40008x128xf32, #tpu.memory_space<hbm>>) dst(%arg8 : memref<128x128xf32, #tpu.memory_space<vmem>>)
      %dma_wait3A_473 = arith.constant 11 : i32
      %dma_wait3A_474 = arith.constant 0 : i32
      %dma_wait3A_475 = tpu.memref_slice %arg7[%dma_wait3A_473, %dma_wait3A_474] : memref<16x128xi32, #tpu.memory_space<vmem>> -> memref<1x128xi32, #tpu.memory_space<vmem>>
      %dma_wait3A_476 = tpu.memref_squeeze %dma_wait3A_475 : memref<1x128xi32, #tpu.memory_space<vmem>> -> memref<128xi32, #tpu.memory_space<vmem>>
      %dma_wait3A_477 = arith.constant 0 : i32
      %dma_wait3A_478 = arith.constant 0 : i32
      %dma_wait3A_479 = tpu.memref_slice %arg11[%dma_wait3A_477, %dma_wait3A_478] : memref<10240x128xf32, #tpu.memory_space<vmem_shared>> -> memref<10240x128xf32, #tpu.memory_space<vmem_shared>>
      tpu.wait_indirect_dma semaphore(%arg15 : memref<!tpu.dma_semaphore, #tpu.memory_space<semaphore_mem>>) src(%arg9 : memref<128x128xf32, #tpu.memory_space<vmem>>) dst(%dma_wait3A_479 : memref<10240x128xf32, #tpu.memory_space<vmem_shared>>)
      %dma_start3A_480 = arith.constant 13 : i32
      %dma_start3A_481 = arith.constant 0 : i32
      %dma_start3A_482 = tpu.memref_slice %arg6[%dma_start3A_480, %dma_start3A_481] : memref<16x128xi32, #tpu.memory_space<vmem>> -> memref<1x128xi32, #tpu.memory_space<vmem>>
      %dma_start3A_483 = tpu.memref_squeeze %dma_start3A_482 : memref<1x128xi32, #tpu.memory_space<vmem>> -> memref<128xi32, #tpu.memory_space<vmem>>
      %dma_start3A_484 = arith.constant 0 : i32
      %dma_start3A_485 = arith.constant 0 : i32
      %dma_start3A_486 = tpu.memref_slice %arg4[%dma_start3A_484, %dma_start3A_485] : memref<40008x128xf32, #tpu.memory_space<hbm>> -> memref<40008x128xf32, #tpu.memory_space<hbm>>
      tpu.enqueue_indirect_dma source(%dma_start3A_486 : memref<40008x128xf32, #tpu.memory_space<hbm>>) target(%arg9 : memref<128x128xf32, #tpu.memory_space<vmem>>) offsets(%dma_start3A_483 : memref<128xi32, #tpu.memory_space<vmem>>) semaphore(%arg13 : memref<!tpu.dma_semaphore, #tpu.memory_space<semaphore_mem>>)
      %dma_start3A_487 = arith.constant 12 : i32
      %dma_start3A_488 = arith.constant 0 : i32
      %dma_start3A_489 = tpu.memref_slice %arg7[%dma_start3A_487, %dma_start3A_488] : memref<16x128xi32, #tpu.memory_space<vmem>> -> memref<1x128xi32, #tpu.memory_space<vmem>>
      %dma_start3A_490 = tpu.memref_squeeze %dma_start3A_489 : memref<1x128xi32, #tpu.memory_space<vmem>> -> memref<128xi32, #tpu.memory_space<vmem>>
      %dma_start3A_491 = arith.constant 0 : i32
      %dma_start3A_492 = arith.constant 0 : i32
      %dma_start3A_493 = tpu.memref_slice %arg11[%dma_start3A_491, %dma_start3A_492] : memref<10240x128xf32, #tpu.memory_space<vmem_shared>> -> memref<10240x128xf32, #tpu.memory_space<vmem_shared>>
      tpu.enqueue_indirect_dma source(%arg8 : memref<128x128xf32, #tpu.memory_space<vmem>>) target(%dma_start3A_493 : memref<10240x128xf32, #tpu.memory_space<vmem_shared>>) offsets(%dma_start3A_490 : memref<128xi32, #tpu.memory_space<vmem>>) semaphore(%arg14 : memref<!tpu.dma_semaphore, #tpu.memory_space<semaphore_mem>>) {add = true}
      %dma_wait3A_494 = arith.constant 13 : i32
      %dma_wait3A_495 = arith.constant 0 : i32
      %dma_wait3A_496 = tpu.memref_slice %arg6[%dma_wait3A_494, %dma_wait3A_495] : memref<16x128xi32, #tpu.memory_space<vmem>> -> memref<1x128xi32, #tpu.memory_space<vmem>>
      %dma_wait3A_497 = tpu.memref_squeeze %dma_wait3A_496 : memref<1x128xi32, #tpu.memory_space<vmem>> -> memref<128xi32, #tpu.memory_space<vmem>>
      %dma_wait3A_498 = arith.constant 0 : i32
      %dma_wait3A_499 = arith.constant 0 : i32
      %dma_wait3A_500 = tpu.memref_slice %arg4[%dma_wait3A_498, %dma_wait3A_499] : memref<40008x128xf32, #tpu.memory_space<hbm>> -> memref<40008x128xf32, #tpu.memory_space<hbm>>
      tpu.wait_indirect_dma semaphore(%arg13 : memref<!tpu.dma_semaphore, #tpu.memory_space<semaphore_mem>>) src(%dma_wait3A_500 : memref<40008x128xf32, #tpu.memory_space<hbm>>) dst(%arg9 : memref<128x128xf32, #tpu.memory_space<vmem>>)
      %dma_wait3A_501 = arith.constant 12 : i32
      %dma_wait3A_502 = arith.constant 0 : i32
      %dma_wait3A_503 = tpu.memref_slice %arg7[%dma_wait3A_501, %dma_wait3A_502] : memref<16x128xi32, #tpu.memory_space<vmem>> -> memref<1x128xi32, #tpu.memory_space<vmem>>
      %dma_wait3A_504 = tpu.memref_squeeze %dma_wait3A_503 : memref<1x128xi32, #tpu.memory_space<vmem>> -> memref<128xi32, #tpu.memory_space<vmem>>
      %dma_wait3A_505 = arith.constant 0 : i32
      %dma_wait3A_506 = arith.constant 0 : i32
      %dma_wait3A_507 = tpu.memref_slice %arg11[%dma_wait3A_505, %dma_wait3A_506] : memref<10240x128xf32, #tpu.memory_space<vmem_shared>> -> memref<10240x128xf32, #tpu.memory_space<vmem_shared>>
      tpu.wait_indirect_dma semaphore(%arg14 : memref<!tpu.dma_semaphore, #tpu.memory_space<semaphore_mem>>) src(%arg8 : memref<128x128xf32, #tpu.memory_space<vmem>>) dst(%dma_wait3A_507 : memref<10240x128xf32, #tpu.memory_space<vmem_shared>>)
      %dma_start3A_508 = arith.constant 14 : i32
      %dma_start3A_509 = arith.constant 0 : i32
      %dma_start3A_510 = tpu.memref_slice %arg6[%dma_start3A_508, %dma_start3A_509] : memref<16x128xi32, #tpu.memory_space<vmem>> -> memref<1x128xi32, #tpu.memory_space<vmem>>
      %dma_start3A_511 = tpu.memref_squeeze %dma_start3A_510 : memref<1x128xi32, #tpu.memory_space<vmem>> -> memref<128xi32, #tpu.memory_space<vmem>>
      %dma_start3A_512 = arith.constant 0 : i32
      %dma_start3A_513 = arith.constant 0 : i32
      %dma_start3A_514 = tpu.memref_slice %arg4[%dma_start3A_512, %dma_start3A_513] : memref<40008x128xf32, #tpu.memory_space<hbm>> -> memref<40008x128xf32, #tpu.memory_space<hbm>>
      tpu.enqueue_indirect_dma source(%dma_start3A_514 : memref<40008x128xf32, #tpu.memory_space<hbm>>) target(%arg8 : memref<128x128xf32, #tpu.memory_space<vmem>>) offsets(%dma_start3A_511 : memref<128xi32, #tpu.memory_space<vmem>>) semaphore(%arg12 : memref<!tpu.dma_semaphore, #tpu.memory_space<semaphore_mem>>)
      %dma_start3A_515 = arith.constant 13 : i32
      %dma_start3A_516 = arith.constant 0 : i32
      %dma_start3A_517 = tpu.memref_slice %arg7[%dma_start3A_515, %dma_start3A_516] : memref<16x128xi32, #tpu.memory_space<vmem>> -> memref<1x128xi32, #tpu.memory_space<vmem>>
      %dma_start3A_518 = tpu.memref_squeeze %dma_start3A_517 : memref<1x128xi32, #tpu.memory_space<vmem>> -> memref<128xi32, #tpu.memory_space<vmem>>
      %dma_start3A_519 = arith.constant 0 : i32
      %dma_start3A_520 = arith.constant 0 : i32
      %dma_start3A_521 = tpu.memref_slice %arg11[%dma_start3A_519, %dma_start3A_520] : memref<10240x128xf32, #tpu.memory_space<vmem_shared>> -> memref<10240x128xf32, #tpu.memory_space<vmem_shared>>
      tpu.enqueue_indirect_dma source(%arg9 : memref<128x128xf32, #tpu.memory_space<vmem>>) target(%dma_start3A_521 : memref<10240x128xf32, #tpu.memory_space<vmem_shared>>) offsets(%dma_start3A_518 : memref<128xi32, #tpu.memory_space<vmem>>) semaphore(%arg15 : memref<!tpu.dma_semaphore, #tpu.memory_space<semaphore_mem>>) {add = true}
      %dma_wait3A_522 = arith.constant 14 : i32
      %dma_wait3A_523 = arith.constant 0 : i32
      %dma_wait3A_524 = tpu.memref_slice %arg6[%dma_wait3A_522, %dma_wait3A_523] : memref<16x128xi32, #tpu.memory_space<vmem>> -> memref<1x128xi32, #tpu.memory_space<vmem>>
      %dma_wait3A_525 = tpu.memref_squeeze %dma_wait3A_524 : memref<1x128xi32, #tpu.memory_space<vmem>> -> memref<128xi32, #tpu.memory_space<vmem>>
      %dma_wait3A_526 = arith.constant 0 : i32
      %dma_wait3A_527 = arith.constant 0 : i32
      %dma_wait3A_528 = tpu.memref_slice %arg4[%dma_wait3A_526, %dma_wait3A_527] : memref<40008x128xf32, #tpu.memory_space<hbm>> -> memref<40008x128xf32, #tpu.memory_space<hbm>>
      tpu.wait_indirect_dma semaphore(%arg12 : memref<!tpu.dma_semaphore, #tpu.memory_space<semaphore_mem>>) src(%dma_wait3A_528 : memref<40008x128xf32, #tpu.memory_space<hbm>>) dst(%arg8 : memref<128x128xf32, #tpu.memory_space<vmem>>)
      %dma_wait3A_529 = arith.constant 13 : i32
      %dma_wait3A_530 = arith.constant 0 : i32
      %dma_wait3A_531 = tpu.memref_slice %arg7[%dma_wait3A_529, %dma_wait3A_530] : memref<16x128xi32, #tpu.memory_space<vmem>> -> memref<1x128xi32, #tpu.memory_space<vmem>>
      %dma_wait3A_532 = tpu.memref_squeeze %dma_wait3A_531 : memref<1x128xi32, #tpu.memory_space<vmem>> -> memref<128xi32, #tpu.memory_space<vmem>>
      %dma_wait3A_533 = arith.constant 0 : i32
      %dma_wait3A_534 = arith.constant 0 : i32
      %dma_wait3A_535 = tpu.memref_slice %arg11[%dma_wait3A_533, %dma_wait3A_534] : memref<10240x128xf32, #tpu.memory_space<vmem_shared>> -> memref<10240x128xf32, #tpu.memory_space<vmem_shared>>
      tpu.wait_indirect_dma semaphore(%arg15 : memref<!tpu.dma_semaphore, #tpu.memory_space<semaphore_mem>>) src(%arg9 : memref<128x128xf32, #tpu.memory_space<vmem>>) dst(%dma_wait3A_535 : memref<10240x128xf32, #tpu.memory_space<vmem_shared>>)
      %dma_start3A_536 = arith.constant 15 : i32
      %dma_start3A_537 = arith.constant 0 : i32
      %dma_start3A_538 = tpu.memref_slice %arg6[%dma_start3A_536, %dma_start3A_537] : memref<16x128xi32, #tpu.memory_space<vmem>> -> memref<1x128xi32, #tpu.memory_space<vmem>>
      %dma_start3A_539 = tpu.memref_squeeze %dma_start3A_538 : memref<1x128xi32, #tpu.memory_space<vmem>> -> memref<128xi32, #tpu.memory_space<vmem>>
      %dma_start3A_540 = arith.constant 0 : i32
      %dma_start3A_541 = arith.constant 0 : i32
      %dma_start3A_542 = tpu.memref_slice %arg4[%dma_start3A_540, %dma_start3A_541] : memref<40008x128xf32, #tpu.memory_space<hbm>> -> memref<40008x128xf32, #tpu.memory_space<hbm>>
      tpu.enqueue_indirect_dma source(%dma_start3A_542 : memref<40008x128xf32, #tpu.memory_space<hbm>>) target(%arg9 : memref<128x128xf32, #tpu.memory_space<vmem>>) offsets(%dma_start3A_539 : memref<128xi32, #tpu.memory_space<vmem>>) semaphore(%arg13 : memref<!tpu.dma_semaphore, #tpu.memory_space<semaphore_mem>>)
      %dma_start3A_543 = arith.constant 14 : i32
      %dma_start3A_544 = arith.constant 0 : i32
      %dma_start3A_545 = tpu.memref_slice %arg7[%dma_start3A_543, %dma_start3A_544] : memref<16x128xi32, #tpu.memory_space<vmem>> -> memref<1x128xi32, #tpu.memory_space<vmem>>
      %dma_start3A_546 = tpu.memref_squeeze %dma_start3A_545 : memref<1x128xi32, #tpu.memory_space<vmem>> -> memref<128xi32, #tpu.memory_space<vmem>>
      %dma_start3A_547 = arith.constant 0 : i32
      %dma_start3A_548 = arith.constant 0 : i32
      %dma_start3A_549 = tpu.memref_slice %arg11[%dma_start3A_547, %dma_start3A_548] : memref<10240x128xf32, #tpu.memory_space<vmem_shared>> -> memref<10240x128xf32, #tpu.memory_space<vmem_shared>>
      tpu.enqueue_indirect_dma source(%arg8 : memref<128x128xf32, #tpu.memory_space<vmem>>) target(%dma_start3A_549 : memref<10240x128xf32, #tpu.memory_space<vmem_shared>>) offsets(%dma_start3A_546 : memref<128xi32, #tpu.memory_space<vmem>>) semaphore(%arg14 : memref<!tpu.dma_semaphore, #tpu.memory_space<semaphore_mem>>) {add = true}
      %dma_wait3A_550 = arith.constant 15 : i32
      %dma_wait3A_551 = arith.constant 0 : i32
      %dma_wait3A_552 = tpu.memref_slice %arg6[%dma_wait3A_550, %dma_wait3A_551] : memref<16x128xi32, #tpu.memory_space<vmem>> -> memref<1x128xi32, #tpu.memory_space<vmem>>
      %dma_wait3A_553 = tpu.memref_squeeze %dma_wait3A_552 : memref<1x128xi32, #tpu.memory_space<vmem>> -> memref<128xi32, #tpu.memory_space<vmem>>
      %dma_wait3A_554 = arith.constant 0 : i32
      %dma_wait3A_555 = arith.constant 0 : i32
      %dma_wait3A_556 = tpu.memref_slice %arg4[%dma_wait3A_554, %dma_wait3A_555] : memref<40008x128xf32, #tpu.memory_space<hbm>> -> memref<40008x128xf32, #tpu.memory_space<hbm>>
      tpu.wait_indirect_dma semaphore(%arg13 : memref<!tpu.dma_semaphore, #tpu.memory_space<semaphore_mem>>) src(%dma_wait3A_556 : memref<40008x128xf32, #tpu.memory_space<hbm>>) dst(%arg9 : memref<128x128xf32, #tpu.memory_space<vmem>>)
      %dma_start3A_557 = arith.constant 15 : i32
      %dma_start3A_558 = arith.constant 0 : i32
      %dma_start3A_559 = tpu.memref_slice %arg7[%dma_start3A_557, %dma_start3A_558] : memref<16x128xi32, #tpu.memory_space<vmem>> -> memref<1x128xi32, #tpu.memory_space<vmem>>
      %dma_start3A_560 = tpu.memref_squeeze %dma_start3A_559 : memref<1x128xi32, #tpu.memory_space<vmem>> -> memref<128xi32, #tpu.memory_space<vmem>>
      %dma_start3A_561 = arith.constant 0 : i32
      %dma_start3A_562 = arith.constant 0 : i32
      %dma_start3A_563 = tpu.memref_slice %arg11[%dma_start3A_561, %dma_start3A_562] : memref<10240x128xf32, #tpu.memory_space<vmem_shared>> -> memref<10240x128xf32, #tpu.memory_space<vmem_shared>>
      tpu.enqueue_indirect_dma source(%arg9 : memref<128x128xf32, #tpu.memory_space<vmem>>) target(%dma_start3A_563 : memref<10240x128xf32, #tpu.memory_space<vmem_shared>>) offsets(%dma_start3A_560 : memref<128xi32, #tpu.memory_space<vmem>>) semaphore(%arg15 : memref<!tpu.dma_semaphore, #tpu.memory_space<semaphore_mem>>) {add = true}
      %dma_wait3A_564 = arith.constant 14 : i32
      %dma_wait3A_565 = arith.constant 0 : i32
      %dma_wait3A_566 = tpu.memref_slice %arg7[%dma_wait3A_564, %dma_wait3A_565] : memref<16x128xi32, #tpu.memory_space<vmem>> -> memref<1x128xi32, #tpu.memory_space<vmem>>
      %dma_wait3A_567 = tpu.memref_squeeze %dma_wait3A_566 : memref<1x128xi32, #tpu.memory_space<vmem>> -> memref<128xi32, #tpu.memory_space<vmem>>
      %dma_wait3A_568 = arith.constant 0 : i32
      %dma_wait3A_569 = arith.constant 0 : i32
      %dma_wait3A_570 = tpu.memref_slice %arg11[%dma_wait3A_568, %dma_wait3A_569] : memref<10240x128xf32, #tpu.memory_space<vmem_shared>> -> memref<10240x128xf32, #tpu.memory_space<vmem_shared>>
      tpu.wait_indirect_dma semaphore(%arg14 : memref<!tpu.dma_semaphore, #tpu.memory_space<semaphore_mem>>) src(%arg8 : memref<128x128xf32, #tpu.memory_space<vmem>>) dst(%dma_wait3A_570 : memref<10240x128xf32, #tpu.memory_space<vmem_shared>>)
      %dma_wait3A_571 = arith.constant 15 : i32
      %dma_wait3A_572 = arith.constant 0 : i32
      %dma_wait3A_573 = tpu.memref_slice %arg7[%dma_wait3A_571, %dma_wait3A_572] : memref<16x128xi32, #tpu.memory_space<vmem>> -> memref<1x128xi32, #tpu.memory_space<vmem>>
      %dma_wait3A_574 = tpu.memref_squeeze %dma_wait3A_573 : memref<1x128xi32, #tpu.memory_space<vmem>> -> memref<128xi32, #tpu.memory_space<vmem>>
      %dma_wait3A_575 = arith.constant 0 : i32
      %dma_wait3A_576 = arith.constant 0 : i32
      %dma_wait3A_577 = tpu.memref_slice %arg11[%dma_wait3A_575, %dma_wait3A_576] : memref<10240x128xf32, #tpu.memory_space<vmem_shared>> -> memref<10240x128xf32, #tpu.memory_space<vmem_shared>>
      tpu.wait_indirect_dma semaphore(%arg15 : memref<!tpu.dma_semaphore, #tpu.memory_space<semaphore_mem>>) src(%arg9 : memref<128x128xf32, #tpu.memory_space<vmem>>) dst(%dma_wait3A_577 : memref<10240x128xf32, #tpu.memory_space<vmem_shared>>)
    }
    %scan3A_108 = arith.constant 10 : i32
    %barrier3A_109 = arith.constant 0 : index
    tpu.barrier barrier_id(%barrier3A_109)
    %mul3A_110 = arith.constant 640 : i32
    %mul3A_111 = arith.muli %arg1, %mul3A_110 : i32
    %mul3A_112 = arith.constant 10240 : i32
    %mul3A_113 = arith.muli %add3A_61, %mul3A_112 : i32
    %mul3A_114 = arith.constant 640 : i32
    %mul3A_115 = arith.muli %arg1, %mul3A_114 : i32
    %add3A_116 = arith.addi %mul3A_113, %mul3A_115 : i32
    "tpu.region"() ({
      %run_scoped3A = tpu.sem_alloc : memref<!tpu.dma_semaphore, #tpu.memory_space<semaphore_mem>>
      %dma_start3A = arith.constant 0 : i32
      %dma_start3A_118 = tpu.memref_slice %arg5[%add3A_116, %dma_start3A] : memref<40960x128xf32, #tpu.memory_space<hbm>> -> memref<640x128xf32, #tpu.memory_space<hbm>>
      %dma_start3A_119 = arith.constant 0 : i32
      %dma_start3A_120 = tpu.memref_slice %arg11[%mul3A_111, %dma_start3A_119] : memref<10240x128xf32, #tpu.memory_space<vmem_shared>> -> memref<640x128xf32, #tpu.memory_space<vmem_shared>>
      tpu.enqueue_dma source(%dma_start3A_120 : memref<640x128xf32, #tpu.memory_space<vmem_shared>>) target(%dma_start3A_118 : memref<640x128xf32, #tpu.memory_space<hbm>>) target_semaphore(%run_scoped3A : memref<!tpu.dma_semaphore, #tpu.memory_space<semaphore_mem>>)
      %dma_wait3A = arith.constant 0 : i32
      %dma_wait3A_121 = tpu.memref_slice %arg5[%add3A_116, %dma_wait3A] : memref<40960x128xf32, #tpu.memory_space<hbm>> -> memref<640x128xf32, #tpu.memory_space<hbm>>
      %dma_wait3A_122 = arith.constant 0 : i32
      %dma_wait3A_123 = tpu.memref_slice %arg11[%mul3A_111, %dma_wait3A_122] : memref<10240x128xf32, #tpu.memory_space<vmem_shared>> -> memref<640x128xf32, #tpu.memory_space<vmem_shared>>
      tpu.wait_dma2 semaphore(%run_scoped3A : memref<!tpu.dma_semaphore, #tpu.memory_space<semaphore_mem>>) src(%dma_wait3A_123 : memref<640x128xf32, #tpu.memory_space<vmem_shared>>) dst(%dma_wait3A_121 : memref<640x128xf32, #tpu.memory_space<hbm>>)
      tpu.yield
    }) : () -> ()
    %barrier3A_117 = arith.constant 0 : index
    tpu.barrier barrier_id(%barrier3A_117)
    return
  }
}

module attributes {stable_mosaic.version = 14 : i64} {
  func.func @_tc_body(%arg0: i32, %arg1: memref<1000x128xf32, #tpu.memory_space<vmem>>, %arg2: memref<1000x128xf32, #tpu.memory_space<vmem>>, %arg3: memref<1000x128xf32, #tpu.memory_space<vmem>>, %arg4: memref<1000x128xf32, #tpu.memory_space<vmem>>, %arg5: memref<1000x128xf32, #tpu.memory_space<vmem>>, %arg6: memref<128x512xf32, #tpu.memory_space<vmem>>, %arg7: memref<128x512xf32, #tpu.memory_space<vmem>>, %arg8: memref<128x512xf32, #tpu.memory_space<vmem>>, %arg9: memref<128x512xf32, #tpu.memory_space<vmem>>, %arg10: memref<1x512xf32, #tpu.memory_space<vmem>>, %arg11: memref<1x512xf32, #tpu.memory_space<vmem>>, %arg12: memref<1000x128xf32, #tpu.memory_space<vmem>>, %arg13: memref<1000x128xf32, #tpu.memory_space<vmem>>, %arg14: memref<1000x128xf32, #tpu.memory_space<vmem>>, %arg15: memref<1000x128xf32, #tpu.memory_space<vmem>>) attributes {dimension_semantics = [#tpu.dimension_semantics<arbitrary>], iteration_bounds = array<i64: 10>, scalar_prefetch = 0 : i64, scratch_operands = 0 : i64, tpu.core_type = #tpu.core_type<tc>, window_params = [{transform_indices = @transform_0, window_bounds = array<i64: 1000, 128>}, {transform_indices = @transform_1, window_bounds = array<i64: 1000, 128>}, {transform_indices = @transform_2, window_bounds = array<i64: 1000, 128>}, {transform_indices = @transform_3, window_bounds = array<i64: 1000, 128>}, {transform_indices = @transform_4, window_bounds = array<i64: 1000, 128>}, {pipeline_mode = #tpu.pipeline_mode<synchronous>, transform_indices = @transform_5, window_bounds = array<i64: 128, 512>}, {pipeline_mode = #tpu.pipeline_mode<synchronous>, transform_indices = @transform_6, window_bounds = array<i64: 128, 512>}, {pipeline_mode = #tpu.pipeline_mode<synchronous>, transform_indices = @transform_7, window_bounds = array<i64: 128, 512>}, {pipeline_mode = #tpu.pipeline_mode<synchronous>, transform_indices = @transform_8, window_bounds = array<i64: 128, 512>}, {pipeline_mode = #tpu.pipeline_mode<synchronous>, transform_indices = @transform_9, window_bounds = array<i64: 1, 512>}, {pipeline_mode = #tpu.pipeline_mode<synchronous>, transform_indices = @transform_10, window_bounds = array<i64: 1, 512>}, {transform_indices = @transform_11, window_bounds = array<i64: 1000, 128>}, {transform_indices = @transform_12, window_bounds = array<i64: 1000, 128>}, {transform_indices = @transform_13, window_bounds = array<i64: 1000, 128>}, {transform_indices = @transform_14, window_bounds = array<i64: 1000, 128>}]} {
    %get3A = arith.constant 0 : index
    %get3A_0 = arith.constant 0 : index
    %get3A_1 = vector.load %arg1[%get3A, %get3A_0] : memref<1000x128xf32, #tpu.memory_space<vmem>>, vector<1000x128xf32>
    %get3A_2 = arith.constant 0 : index
    %get3A_3 = arith.constant 0 : index
    %get3A_4 = vector.load %arg6[%get3A_2, %get3A_3] : memref<128x512xf32, #tpu.memory_space<vmem>>, vector<128x512xf32>
    %dot_general3A = arith.constant dense<0.000000e+00> : vector<1000x512xf32>
    %dot_general3A_5 = tpu.matmul %get3A_1, %get3A_4, %dot_general3A {dimension_numbers = #tpu.dot_dimension_numbers<[1], [0], [0], [1], [0, 0, 1, 1], [], []>, transpose_lhs_hint = false} : vector<1000x128xf32>, vector<128x512xf32>, vector<1000x512xf32> -> vector<1000x512xf32>
    %get3A_6 = arith.constant 0 : index
    %get3A_7 = arith.constant 0 : index
    %get3A_8 = vector.load %arg2[%get3A_6, %get3A_7] : memref<1000x128xf32, #tpu.memory_space<vmem>>, vector<1000x128xf32>
    %get3A_9 = arith.constant 0 : index
    %get3A_10 = arith.constant 0 : index
    %get3A_11 = vector.load %arg7[%get3A_9, %get3A_10] : memref<128x512xf32, #tpu.memory_space<vmem>>, vector<128x512xf32>
    %dot_general3A_12 = arith.constant dense<0.000000e+00> : vector<1000x512xf32>
    %dot_general3A_13 = tpu.matmul %get3A_8, %get3A_11, %dot_general3A_12 {dimension_numbers = #tpu.dot_dimension_numbers<[1], [0], [0], [1], [0, 0, 1, 1], [], []>, transpose_lhs_hint = false} : vector<1000x128xf32>, vector<128x512xf32>, vector<1000x512xf32> -> vector<1000x512xf32>
    %add3A = arith.addf %dot_general3A_5, %dot_general3A_13 : vector<1000x512xf32>
    %get3A_14 = arith.constant 0 : index
    %get3A_15 = arith.constant 0 : index
    %get3A_16 = vector.load %arg10[%get3A_14, %get3A_15] : memref<1x512xf32, #tpu.memory_space<vmem>>, vector<1x512xf32>
    %add3A_17 = vector.broadcast %get3A_16 : vector<1x512xf32> to vector<1000x512xf32>
    %add3A_18 = arith.addf %add3A, %add3A_17 : vector<1000x512xf32>
    %slice3A = vector.extract_strided_slice %add3A_18 {offsets = [0, 0], sizes = [1000, 128], strides = [1, 1]} : vector<1000x512xf32> to vector<1000x128xf32>
    %logistic3A = arith.negf %slice3A : vector<1000x128xf32>
    %logistic3A_19 = math.exp %logistic3A : vector<1000x128xf32>
    %logistic3A_20 = arith.constant 1.000000e+00 : f32
    %logistic3A_21 = vector.broadcast %logistic3A_20 : f32 to vector<1000x128xf32>
    %logistic3A_22 = arith.addf %logistic3A_21, %logistic3A_19 : vector<1000x128xf32>
    %logistic3A_23 = arith.divf %logistic3A_21, %logistic3A_22 : vector<1000x128xf32>
    %slice3A_24 = vector.extract_strided_slice %add3A_18 {offsets = [0, 128], sizes = [1000, 128], strides = [1, 1]} : vector<1000x512xf32> to vector<1000x128xf32>
    %logistic3A_25 = arith.negf %slice3A_24 : vector<1000x128xf32>
    %logistic3A_26 = math.exp %logistic3A_25 : vector<1000x128xf32>
    %logistic3A_27 = arith.constant 1.000000e+00 : f32
    %logistic3A_28 = vector.broadcast %logistic3A_27 : f32 to vector<1000x128xf32>
    %logistic3A_29 = arith.addf %logistic3A_28, %logistic3A_26 : vector<1000x128xf32>
    %logistic3A_30 = arith.divf %logistic3A_28, %logistic3A_29 : vector<1000x128xf32>
    %slice3A_31 = vector.extract_strided_slice %add3A_18 {offsets = [0, 256], sizes = [1000, 128], strides = [1, 1]} : vector<1000x512xf32> to vector<1000x128xf32>
    %tanh3A = math.tanh %slice3A_31 : vector<1000x128xf32>
    %slice3A_32 = vector.extract_strided_slice %add3A_18 {offsets = [0, 384], sizes = [1000, 128], strides = [1, 1]} : vector<1000x512xf32> to vector<1000x128xf32>
    %logistic3A_33 = arith.negf %slice3A_32 : vector<1000x128xf32>
    %logistic3A_34 = math.exp %logistic3A_33 : vector<1000x128xf32>
    %logistic3A_35 = arith.constant 1.000000e+00 : f32
    %logistic3A_36 = vector.broadcast %logistic3A_35 : f32 to vector<1000x128xf32>
    %logistic3A_37 = arith.addf %logistic3A_36, %logistic3A_34 : vector<1000x128xf32>
    %logistic3A_38 = arith.divf %logistic3A_36, %logistic3A_37 : vector<1000x128xf32>
    %mul3A = arith.mulf %logistic3A_23, %tanh3A : vector<1000x128xf32>
    %get3A_39 = arith.constant 0 : index
    %get3A_40 = arith.constant 0 : index
    %get3A_41 = vector.load %arg3[%get3A_39, %get3A_40] : memref<1000x128xf32, #tpu.memory_space<vmem>>, vector<1000x128xf32>
    %mul3A_42 = arith.mulf %logistic3A_38, %get3A_41 : vector<1000x128xf32>
    %add3A_43 = arith.addf %mul3A, %mul3A_42 : vector<1000x128xf32>
    %get3A_44 = arith.constant 0 : index
    %get3A_45 = arith.constant 0 : index
    %get3A_46 = vector.load %arg8[%get3A_44, %get3A_45] : memref<128x512xf32, #tpu.memory_space<vmem>>, vector<128x512xf32>
    %dot_general3A_47 = arith.constant dense<0.000000e+00> : vector<1000x512xf32>
    %dot_general3A_48 = tpu.matmul %add3A_43, %get3A_46, %dot_general3A_47 {dimension_numbers = #tpu.dot_dimension_numbers<[1], [0], [0], [1], [0, 0, 1, 1], [], []>, transpose_lhs_hint = false} : vector<1000x128xf32>, vector<128x512xf32>, vector<1000x512xf32> -> vector<1000x512xf32>
    %get3A_49 = arith.constant 0 : index
    %get3A_50 = arith.constant 0 : index
    %get3A_51 = vector.load %arg4[%get3A_49, %get3A_50] : memref<1000x128xf32, #tpu.memory_space<vmem>>, vector<1000x128xf32>
    %get3A_52 = arith.constant 0 : index
    %get3A_53 = arith.constant 0 : index
    %get3A_54 = vector.load %arg9[%get3A_52, %get3A_53] : memref<128x512xf32, #tpu.memory_space<vmem>>, vector<128x512xf32>
    %dot_general3A_55 = arith.constant dense<0.000000e+00> : vector<1000x512xf32>
    %dot_general3A_56 = tpu.matmul %get3A_51, %get3A_54, %dot_general3A_55 {dimension_numbers = #tpu.dot_dimension_numbers<[1], [0], [0], [1], [0, 0, 1, 1], [], []>, transpose_lhs_hint = false} : vector<1000x128xf32>, vector<128x512xf32>, vector<1000x512xf32> -> vector<1000x512xf32>
    %add3A_57 = arith.addf %dot_general3A_48, %dot_general3A_56 : vector<1000x512xf32>
    %get3A_58 = arith.constant 0 : index
    %get3A_59 = arith.constant 0 : index
    %get3A_60 = vector.load %arg11[%get3A_58, %get3A_59] : memref<1x512xf32, #tpu.memory_space<vmem>>, vector<1x512xf32>
    %add3A_61 = vector.broadcast %get3A_60 : vector<1x512xf32> to vector<1000x512xf32>
    %add3A_62 = arith.addf %add3A_57, %add3A_61 : vector<1000x512xf32>
    %slice3A_63 = vector.extract_strided_slice %add3A_62 {offsets = [0, 0], sizes = [1000, 128], strides = [1, 1]} : vector<1000x512xf32> to vector<1000x128xf32>
    %logistic3A_64 = arith.negf %slice3A_63 : vector<1000x128xf32>
    %logistic3A_65 = math.exp %logistic3A_64 : vector<1000x128xf32>
    %logistic3A_66 = arith.constant 1.000000e+00 : f32
    %logistic3A_67 = vector.broadcast %logistic3A_66 : f32 to vector<1000x128xf32>
    %logistic3A_68 = arith.addf %logistic3A_67, %logistic3A_65 : vector<1000x128xf32>
    %logistic3A_69 = arith.divf %logistic3A_67, %logistic3A_68 : vector<1000x128xf32>
    %slice3A_70 = vector.extract_strided_slice %add3A_62 {offsets = [0, 128], sizes = [1000, 128], strides = [1, 1]} : vector<1000x512xf32> to vector<1000x128xf32>
    %logistic3A_71 = arith.negf %slice3A_70 : vector<1000x128xf32>
    %logistic3A_72 = math.exp %logistic3A_71 : vector<1000x128xf32>
    %logistic3A_73 = arith.constant 1.000000e+00 : f32
    %logistic3A_74 = vector.broadcast %logistic3A_73 : f32 to vector<1000x128xf32>
    %logistic3A_75 = arith.addf %logistic3A_74, %logistic3A_72 : vector<1000x128xf32>
    %logistic3A_76 = arith.divf %logistic3A_74, %logistic3A_75 : vector<1000x128xf32>
    %slice3A_77 = vector.extract_strided_slice %add3A_62 {offsets = [0, 256], sizes = [1000, 128], strides = [1, 1]} : vector<1000x512xf32> to vector<1000x128xf32>
    %tanh3A_78 = math.tanh %slice3A_77 : vector<1000x128xf32>
    %slice3A_79 = vector.extract_strided_slice %add3A_62 {offsets = [0, 384], sizes = [1000, 128], strides = [1, 1]} : vector<1000x512xf32> to vector<1000x128xf32>
    %logistic3A_80 = arith.negf %slice3A_79 : vector<1000x128xf32>
    %logistic3A_81 = math.exp %logistic3A_80 : vector<1000x128xf32>
    %logistic3A_82 = arith.constant 1.000000e+00 : f32
    %logistic3A_83 = vector.broadcast %logistic3A_82 : f32 to vector<1000x128xf32>
    %logistic3A_84 = arith.addf %logistic3A_83, %logistic3A_81 : vector<1000x128xf32>
    %logistic3A_85 = arith.divf %logistic3A_83, %logistic3A_84 : vector<1000x128xf32>
    %mul3A_86 = arith.mulf %logistic3A_69, %tanh3A_78 : vector<1000x128xf32>
    %get3A_87 = arith.constant 0 : index
    %get3A_88 = arith.constant 0 : index
    %get3A_89 = vector.load %arg5[%get3A_87, %get3A_88] : memref<1000x128xf32, #tpu.memory_space<vmem>>, vector<1000x128xf32>
    %mul3A_90 = arith.mulf %logistic3A_85, %get3A_89 : vector<1000x128xf32>
    %add3A_91 = arith.addf %mul3A_86, %mul3A_90 : vector<1000x128xf32>
    %tanh3A_92 = math.tanh %add3A_43 : vector<1000x128xf32>
    %mul3A_93 = arith.mulf %logistic3A_30, %tanh3A_92 : vector<1000x128xf32>
    %swap3A = arith.constant 0 : index
    %swap3A_94 = arith.constant 0 : index
    %swap3A_95 = vector.load %arg12[%swap3A, %swap3A_94] : memref<1000x128xf32, #tpu.memory_space<vmem>>, vector<1000x128xf32>
    tpu.vector_store %arg12[%swap3A, %swap3A_94], %mul3A_93 {strides = array<i32>} : memref<1000x128xf32, #tpu.memory_space<vmem>>, vector<1000x128xf32>,
    %swap3A_96 = arith.constant 0 : index
    %swap3A_97 = arith.constant 0 : index
    %swap3A_98 = vector.load %arg13[%swap3A_96, %swap3A_97] : memref<1000x128xf32, #tpu.memory_space<vmem>>, vector<1000x128xf32>
    tpu.vector_store %arg13[%swap3A_96, %swap3A_97], %add3A_43 {strides = array<i32>} : memref<1000x128xf32, #tpu.memory_space<vmem>>, vector<1000x128xf32>,
    %tanh3A_99 = math.tanh %add3A_91 : vector<1000x128xf32>
    %mul3A_100 = arith.mulf %logistic3A_76, %tanh3A_99 : vector<1000x128xf32>
    %swap3A_101 = arith.constant 0 : index
    %swap3A_102 = arith.constant 0 : index
    %swap3A_103 = vector.load %arg14[%swap3A_101, %swap3A_102] : memref<1000x128xf32, #tpu.memory_space<vmem>>, vector<1000x128xf32>
    tpu.vector_store %arg14[%swap3A_101, %swap3A_102], %mul3A_100 {strides = array<i32>} : memref<1000x128xf32, #tpu.memory_space<vmem>>, vector<1000x128xf32>,
    %swap3A_104 = arith.constant 0 : index
    %swap3A_105 = arith.constant 0 : index
    %swap3A_106 = vector.load %arg15[%swap3A_104, %swap3A_105] : memref<1000x128xf32, #tpu.memory_space<vmem>>, vector<1000x128xf32>
    tpu.vector_store %arg15[%swap3A_104, %swap3A_105], %add3A_91 {strides = array<i32>} : memref<1000x128xf32, #tpu.memory_space<vmem>>, vector<1000x128xf32>,
    return
  }
  func.func @transform_0(%arg0: i32) -> (i32, i32) {
    %c0_i32 = arith.constant 0 : i32
    %c0_i32_0 = arith.constant 0 : i32
    return %arg0, %c0_i32 : i32, i32
  }
  func.func @transform_1(%arg0: i32) -> (i32, i32) {
    %c0_i32 = arith.constant 0 : i32
    %c0_i32_0 = arith.constant 0 : i32
    return %arg0, %c0_i32 : i32, i32
  }
  func.func @transform_2(%arg0: i32) -> (i32, i32) {
    %c0_i32 = arith.constant 0 : i32
    %c0_i32_0 = arith.constant 0 : i32
    return %arg0, %c0_i32 : i32, i32
  }
  func.func @transform_3(%arg0: i32) -> (i32, i32) {
    %c0_i32 = arith.constant 0 : i32
    %c0_i32_0 = arith.constant 0 : i32
    return %arg0, %c0_i32 : i32, i32
  }
  func.func @transform_4(%arg0: i32) -> (i32, i32) {
    %c0_i32 = arith.constant 0 : i32
    %c0_i32_0 = arith.constant 0 : i32
    return %arg0, %c0_i32 : i32, i32
  }
  func.func @transform_5(%arg0: i32) -> (i32, i32) {
    %c0_i32 = arith.constant 0 : i32
    %c0_i32_0 = arith.constant 0 : i32
    %c0_i32_1 = arith.constant 0 : i32
    return %c0_i32, %c0_i32_0 : i32, i32
  }
  func.func @transform_6(%arg0: i32) -> (i32, i32) {
    %c0_i32 = arith.constant 0 : i32
    %c0_i32_0 = arith.constant 0 : i32
    %c0_i32_1 = arith.constant 0 : i32
    return %c0_i32, %c0_i32_0 : i32, i32
  }
  func.func @transform_7(%arg0: i32) -> (i32, i32) {
    %c0_i32 = arith.constant 0 : i32
    %c0_i32_0 = arith.constant 0 : i32
    %c0_i32_1 = arith.constant 0 : i32
    return %c0_i32, %c0_i32_0 : i32, i32
  }
  func.func @transform_8(%arg0: i32) -> (i32, i32) {
    %c0_i32 = arith.constant 0 : i32
    %c0_i32_0 = arith.constant 0 : i32
    %c0_i32_1 = arith.constant 0 : i32
    return %c0_i32, %c0_i32_0 : i32, i32
  }
  func.func @transform_9(%arg0: i32) -> (i32, i32) {
    %c0_i32 = arith.constant 0 : i32
    %c0_i32_0 = arith.constant 0 : i32
    %c0_i32_1 = arith.constant 0 : i32
    return %c0_i32, %c0_i32_0 : i32, i32
  }
  func.func @transform_10(%arg0: i32) -> (i32, i32) {
    %c0_i32 = arith.constant 0 : i32
    %c0_i32_0 = arith.constant 0 : i32
    %c0_i32_1 = arith.constant 0 : i32
    return %c0_i32, %c0_i32_0 : i32, i32
  }
  func.func @transform_11(%arg0: i32) -> (i32, i32) {
    %c0_i32 = arith.constant 0 : i32
    %c0_i32_0 = arith.constant 0 : i32
    return %arg0, %c0_i32 : i32, i32
  }
  func.func @transform_12(%arg0: i32) -> (i32, i32) {
    %c0_i32 = arith.constant 0 : i32
    %c0_i32_0 = arith.constant 0 : i32
    return %arg0, %c0_i32 : i32, i32
  }
  func.func @transform_13(%arg0: i32) -> (i32, i32) {
    %c0_i32 = arith.constant 0 : i32
    %c0_i32_0 = arith.constant 0 : i32
    return %arg0, %c0_i32 : i32, i32
  }
  func.func @transform_14(%arg0: i32) -> (i32, i32) {
    %c0_i32 = arith.constant 0 : i32
    %c0_i32_0 = arith.constant 0 : i32
    return %arg0, %c0_i32 : i32, i32
  }
}

</mosaic_0001>

<sc_bundles>
// kernel: kernel.4.cloned.1.call-start
scs
__scs_entry_jumppad:
0x0: {  	(pc) =	sbr.rel $0x88, $3  }
0x1: {  	(tag) =	ssettag $0x0;
	lr =	simm.s32 $0x1  }
0x2: {  	[smem:$0x3F93] =	sst lr;
	_ =	strace $0xD0000000  }
0x3: {  	_ = 	snop  }
0x4: {  	_ = 	snop  }
0x5: {  	_ = 	snop  }
0x6: {  	_ = 	snop  }
0x7: {  	_ = 	snop  }
__scs_overlays_trampoline_lowered:
0x8: {  	[smem:$0x3FA2] =	sst s0  }
0x9: {  	[smem:$0x3FA3] =	sst s1  }
0xa: {  	[smem:$0x3FA4] =	sst s2  }
0xb: {  	[smem:$0x3FA5] =	sst s3  }
0xc: {  	[smem:$0x3FA6] =	sst s4  }
0xd: {  	[smem:$0x3FA7] =	sst s5  }
0xe: {  	[smem:$0x3FA8] =	sst s6  }
0xf: {  	[smem:$0x3FA9] =	sst s7  }
0x10: {  	[smem:$0x3FAA] =	sst s8  }
0x11: {  	[smem:$0x3FAB] =	sst s9;
	s0 =	simm.s32 @!p0 $0x0  }
0x12: {  	s1 =	sld [smem:$0x3F91];
	s0 =	simm.s32 @p0 $0x1  }
0x13: {  	[smem:$0x3FAC] =	sst s0;
	s0 =	simm.s32 @!p1 $0x0  }
0x14: {  	s2 =	sld [smem:$0x3F90];
	s0 =	simm.s32 @p1 $0x1  }
0x15: {  	[smem:$0x3FAD] =	sst s0;
	s0 =	simm.s32 @!p2 $0x0  }
0x16: {  	s3 =	sld [smem:$0x3FDB];
	s0 =	simm.s32 @p2 $0x1  }
0x17: {  	s4 =	simm.s32 $0x1BF5;
	[smem:$0x3FAF] =	sst s0  }
0x18: {  	s0 =	sld [smem:$0x3F92];
	_ =	swait.ge [sflag:s4], $0x0  }
0x19: {  	s7 =	sld [smem:$0x3F93]  }
0x1a: {  	s8 =	sadd.s32 $0xFFFFE003, lr  }
0x1b: {  	s9 =	sadd.s32 $0xFFFFFEF7, lr;
	s5 =	simm.s32 $0xFFFFFFFF;
	p2 =	slt.u32 s8, $0xFFFFF086  }
0x1c: {  	p1 =	slt.u32 s9, $0xF7A;
	s5 =	simm.s32 @!p2 $0x0  }
0x1d: {  	s5 =	simm.s32 @p1 $0x1;
	p0 =	seq.s32 s7, s2  }
0x1e: {  	s7 =	smul.u32 @!p0 $0xF7A, s2;
	p2 =	seq.s32 @!p0 s5, $0x0  }
0x1f: {  	s9 =	smul.u32 $0xF7A, s1;
	s8 =	simm.s32 @!p0 $0x1BF5;
	p2 =	por !p2, p0  }
0x20: {  	[sflag:s8] =	ssyncset.s32 @!p0 $0xFFFFF086;
	s6 =	sadd.s32 @!p0 s3, s7;
	s7 =	simm.s32 @!p0 $0x108  }
0x21: {  	s3 =	sadd.s32 s3, s9;
	s6 =	sadd.s32 @!p0 $0x88, s6;
	s7 =	simm.s32 @p2 $0x1082  }
0x22: {  	[simem:s7], [sflag:s8] =	dma.local @!p0 [hbm:s6], $0xF7A  }
0x23: {  	s9 =	sor.u32 $0xD0000000, s2;
	s6 =	simm.s32 $0x108;
	_ =	swait.ge @!p0 [sflag:s8], $0x0  }
0x24: {  	s3 =	sadd.s32 $0x88, s3;
	s6 =	simm.s32 @!p1 $0x1082;
	[sflag:s4] =	ssyncset.s32 $0xFFFFF086  }
0x25: {  	[simem:s6], [sflag:s4] =	dma.local [hbm:s3], $0xF7A  }
0x26: {  	[smem:$0x3F93] =	sst s1;
	(tag) =	ssettag s2;
	_ =	strace s9  }
0x27: {  	s1 =	sld [smem:$0x3FA3]  }
0x28: {  	s2 =	sld [smem:$0x3FA4]  }
0x29: {  	s4 =	sld [smem:$0x3FA6]  }
0x2a: {  	p0 =	seq.s32 s5, $0x0;
	s5 =	sld [smem:$0x3FA7]  }
0x2b: {  	s6 =	sld [smem:$0x3FA8]  }
0x2c: {  	s7 =	sld [smem:$0x3FA9]  }
0x2d: {  	s3 =	simm.s32 $0x108;
	s8 =	sld [smem:$0x3FAA]  }
0x2e: {  	s3 =	simm.s32 @!p0 $0x1082;
	s9 =	sld [smem:$0x3FAB]  }
0x2f: {  	lr =	sadd.s32 s0, s3;
	s0 =	sld [smem:$0x3FA2]  }
0x30: {  	s3 =	sld [smem:$0x3FA5]  }
0x31: {  	[smem:$0x3FAE] =	sst s10  }
0x32: {  	s10 =	sld [smem:$0x3FAC];
	_ =	sdelay $0x3  }
0x33: {  	p0 =	seq.s32 s10, $0x1;
	s10 =	sld [smem:$0x3FAE];
	_ =	sdelay $0x3  }
0x34: {  	[smem:$0x3FAE] =	sst s10  }
0x35: {  	s10 =	sld [smem:$0x3FAD];
	_ =	sdelay $0x3  }
0x36: {  	p1 =	seq.s32 s10, $0x1;
	s10 =	sld [smem:$0x3FAE];
	_ =	sdelay $0x3  }
0x37: {  	[smem:$0x3FAE] =	sst s10  }
0x38: {  	s10 =	sld [smem:$0x3FAF]  }
0x39: {  	_ = 	snop;
	(pc) =	sbr.ind lr, $3  }
0x3a: {  	_ = 	snop  }
0x3b: {  	_ = 	snop  }
0x3c: {  	p2 =	seq.s32 s10, $0x1;
	s10 =	sld [smem:$0x3FAE]  }
0x3d: {  	_ =	shalt  }
0x3e: {  	_ =	shalt  }
0x3f: {  	_ =	shalt  }
0x40: {  	_ =	shalt  }
0x41: {  	_ =	shalt  }
0x42: {  	_ =	shalt  }
0x43: {  	_ =	shalt  }
0x44: {  	_ =	shalt  }
0x45: {  	_ =	shalt  }
0x46: {  	_ =	shalt  }
0x47: {  	_ =	shalt  }
0x48: {  	_ =	shalt  }
0x49: {  	_ =	shalt  }
0x4a: {  	_ =	shalt  }
0x4b: {  	_ =	shalt  }
0x4c: {  	_ =	shalt  }
0x4d: {  	_ =	shalt  }
0x4e: {  	_ =	shalt  }
0x4f: {  	_ =	shalt  }
0x50: {  	_ =	shalt  }
0x51: {  	_ =	shalt  }
0x52: {  	_ =	shalt  }
0x53: {  	_ =	shalt  }
0x54: {  	_ =	shalt  }
0x55: {  	_ =	shalt  }
0x56: {  	_ =	shalt  }
0x57: {  	_ =	shalt  }
0x58: {  	_ =	shalt  }
0x59: {  	_ =	shalt  }
0x5a: {  	_ =	shalt  }
0x5b: {  	_ =	shalt  }
0x5c: {  	_ =	shalt  }
0x5d: {  	_ =	shalt  }
0x5e: {  	_ =	shalt  }
0x5f: {  	_ =	shalt  }
0x60: {  	_ =	shalt  }
0x61: {  	_ =	shalt  }
0x62: {  	_ =	shalt  }
0x63: {  	_ =	shalt  }
0x64: {  	_ =	shalt  }
0x65: {  	_ =	shalt  }
0x66: {  	_ =	shalt  }
0x67: {  	_ =	shalt  }
0x68: {  	_ =	shalt  }
0x69: {  	_ =	shalt  }
0x6a: {  	_ =	shalt  }
0x6b: {  	_ =	shalt  }
0x6c: {  	_ =	shalt  }
0x6d: {  	_ =	shalt  }
0x6e: {  	_ =	shalt  }
0x6f: {  	_ =	shalt  }
0x70: {  	_ =	shalt  }
0x71: {  	_ =	shalt  }
0x72: {  	_ =	shalt  }
0x73: {  	_ =	shalt  }
0x74: {  	_ =	shalt  }
0x75: {  	_ =	shalt  }
0x76: {  	_ =	shalt  }
0x77: {  	_ =	shalt  }
0x78: {  	_ =	shalt  }
0x79: {  	_ =	shalt  }
0x7a: {  	_ =	shalt  }
0x7b: {  	_ =	shalt  }
0x7c: {  	_ =	shalt  }
0x7d: {  	_ =	shalt  }
0x7e: {  	_ =	shalt  }
0x7f: {  	_ =	shalt  }
0x80: {  	_ =	shalt  }
0x81: {  	_ =	shalt  }
0x82: {  	_ =	shalt  }
0x83: {  	_ =	shalt  }
0x84: {  	_ =	shalt  }
0x85: {  	_ =	shalt  }
0x86: {  	_ =	shalt  }
0x87: {  	_ =	shalt  }
.Lfunc_end0:
.L_simem_size_0:
called_computation_lowered:
.L_overlay_start_0:
0x88: {  	s2 =	sld [smem:$0x3FD9]  }
0x89: {  	s3 =	sld [smem:$0x3FFE];
	_ =	sdelay $0x1  }
0x8a: {  	s1 =	srdreg.scid  }
0x8b: {  	s0 =	sand.u32 $0x1, s1  }
0x8c: {  	s17 =	sshll.u32 s0, $0xA;
	s2 =	sadd.s32 s3, s2  }
0x8d: {  	s2 =	sadd.s32 s2, s17  }
0x8e: {  	[smem:$0x3FBA] =	sst s2  }
0x8f: {  	_ = 	snop  }
0x90: {  	s2 =	sld [smem:$0x3FD0];
	(tm) =	ssettm $0x1  }
0x91: {  	s18 =	sld [smem:$0x3FFB];
	_ =	sdelay $0x3  }
0x92: {  	_ =	strace s18  }
0x93: {  	s3 =	sld [smem:$0x3FFC];
	_ =	sdelay $0x3  }
0x94: {  	_ =	strace s3  }
0x95: {  	s3 =	sld [smem:$0x3FFD];
	_ =	sdelay $0x3  }
0x96: {  	_ =	strace s3  }
0x97: {  	_ =	strace $0x8FFFFFFF  }
0x98: {  	s19 =	sld [smem:$0x3FDB];
	_ =	sdelay $0x1  }
0x99: {  	s4 =	simm.s32 $_scs_section_size  }
0x9a: {  	s5 =	simm.s32 $_size__tile_overlayer_lowered;
	s6 =	simm.s32 $_tile_overlayer_lowered  }
0x9b: {  	s22 =	simm.s32 $0x1BFF;
	s21 =	sshll.u32 s6, $0x1;
	s3 =	sadd.s32 s4, s19  }
0x9c: {  	s7 =	simm.s32 $0x0;
	s20 =	sshll.u32 s5, $0x1;
	s5 =	sadd.s32 s21, s3  }
0x9d: {  	[timem:s7], [sflag:s22] =	dma.local [hbm:s5], s20  }
0x9e: {  	_ =	swait.ge [sflag:s22], s20  }
0x9f: {  	s4 =	ssub.s32 $0x0, s20;
	[sflag:s22] =	ssyncset.done $0x0  }
0xa0: {  	[sflag:s22] =	ssyncadd.s32 s4;
	_ =	sdelay $0x1  }
0xa1: {  	s23 =	simm.s32 $0x1B8B  }
0xa2: {  	_ =	swait.ge [sflag:s23], $0x1  }
0xa3: {  	[sflag:s23] =	ssyncset.done $0x0  }
0xa4: {  	s25 =	simm.s32 $0x1B8E;
	s24 =	sld [smem:$0x3FFE];
	[sflag:s23] =	ssyncadd.s32 $0xFFFFFFFF  }
0xa5: {  	s26 =	simm.s32 $execute0_lowered;
	[smem:$0x3FD2] =	sst s25  }
0xa6: {  	s5 =	sshll.u32 s26, $0x1;
	_ =	strace $0x80000046;
	[dreg:$0x1] =	wrdreg $0xFFFFFFFF  }
0xa7: {  	s28 =	simm.s32 $_size_execute0_lowered;
	s3 =	sadd.s32 s3, s5;
	[dreg:$0x0] =	wrdreg $0x0  }
0xa8: {  	s5 =	sshll.u32 s28, $0x1;
	[dreg:$0x2] =	wrdreg s3  }
0xa9: {  	[dreg:$0x3] =	wrdreg s5  }
0xaa: {  	[dreg:$0x4] =	wrdreg $0xC0  }
0xab: {  	_ =	task [dreg:s7], $0x5FFFF  }
0xac: {  	[dreg:$0x1] =	wrdreg $0xFFFFFFFF  }
0xad: {  	[dreg:$0x0] =	wrdreg $0x60  }
0xae: {  	[dreg:$0x2] =	wrdreg s2  }
0xaf: {  	[dreg:$0x3] =	wrdreg s24  }
0xb0: {  	[dreg:$0x4] =	wrdreg $0xB0000  }
0xb1: {  	[dreg:$0x5] =	wrdreg $0x9  }
0xb2: {  	_ =	task.clear_ibuf [dreg:s7], $0x6FFFF;
	_ =	strace $0x90000046  }
0xb3: {  	s29 =	simm.s32 $0x9;
	_ =	strace $0x80000048  }
0xb4: {  	_ =	swait.ge [sflag:s29], $0x1  }
0xb5: {  	[sflag:s29] =	ssyncadd.s32 $0xFFFFFFFF  }
0xb6: {  	_ =	strace $0x90000048  }
0xb7: {  	_ =	sfence  }
0xb8: {  	s30 =	sld [smem:$0x0];
	_ =	sdelay $0x2  }
0xb9: {  	s31 =	sshll.u32 s1, $0xD;
	s1 =	sshrl.u32 s1, $0x2  }
0xba: {  	s3 =	sand.u32 $0x4000, s31;
	s1 =	sadd.s32 s1, s30  }
0xbb: {  	s0 =	sor.u32 s3, s0;
	s1 =	sshll.u32 s1, $0x11  }
0xbc: {  	s0 =	sor.u32 s1, s0  }
0xbd: {  	s0 =	sadd.s32 $0x8F2B, s0  }
0xbe: {  	[sflag:s0] =	ssyncadd.remote.s32 $0x1  }
0xbf: {  	_ =	sfence.sel $0xFFFF  }
0xc0: {  	[dreg:$0x0] =	wrdreg $0xFFFFFFFF;
	(pc) =	sbr.abs _section_cstart, $3  }
0xc1: {  	[dreg:$0x1] =	wrdreg $0xFFFFFFFF  }
0xc2: {  	_ =	task.clear_ibuf [dreg:s7], $0x2FFFF;
	_ =	strace $0x9FFFFFFF  }
0xc3: {  	(tm) =	ssettm $0x7FFFFFFF  }
tec
execute0_lowered:
.L_overlay_start_1:
0x0: {  	(tag) =	ssettag $0x1  }
0x1: {  	s0 =	rddreg [dreg:$0x0]  }
0x2: {  	s1 =	rddreg [dreg:$0x1]  }
0x3: {  	s2 =	rddreg [dreg:$0x2]  }
0x4: {  	s11 =	stileid.u32;
	s3 =	simm.s32 $0x0;
	s4 =	srdreg.scid  }
0x5: {  	s28 =	simm.s32 $0x2;
	s29 =	simm.s32 $0x3;
	s5 =	smul.u32 $0xA00, s11  }
0x6: {  	s30 =	simm.s32 $0x900;
	s31 =	simm.s32 $0xB80;
	s7 =	smul.u32 $0x50000, s11  }
0x7: {  	[smem:$0x7FF] =	sst s3;
	s6 =	sand.u32 $0x1, s4;
	s26 =	smul.u32 $0x280, s11  }
0x8: {  	s4 =	sadd.s32 $0xD200, s1;
	_ =	strace $0x80000047;
	s17 =	smul.u32 $0x2800, s6  }
0x9: {  	s9 =	ssub.s32 $0x2, s6;
	s18 =	sor.u32 $0x2, s6;
	s6 =	smul.u32 $0xA000, s6  }
0xa: {  	s8 =	sadd.s32 s5, s1;
	s10 =	sshrl.u32 s9, $0x1;
	s7 =	sshrl.u32 s7, $0x2  }
0xb: {  	s1 =	sadd.s32 $0xA9800, s1;
	s11 =	smul.u32 $0x2800, s18;
	s13 =	sadd.s32 s7, s2  }
0xc: {  	s18 =	simm.s32 $0xA00;
	s14 =	sadd.s32 $0x2000, s13;
	[dreg:$0x6] =	wrdreg s13  }
0xd: {  	s9 =	ssub.s32 s9, s10;
	s15 =	sadd.s32 $0x4000, s13;
	[dreg:$0x7] =	wrdreg s14  }
0xe: {  	s10 =	sadd.s32 s26, s17;
	s16 =	sadd.s32 $0x6000, s13;
	[dreg:$0x8] =	wrdreg s15  }
0xf: {  	s0 =	sadd.s32 s6, s0;
	s12 =	sadd.s32 $0x8000, s13;
	[dreg:$0x9] =	wrdreg s16  }
0x10: {  	s17 =	simm.s32 $0x280;
	s19 =	sadd.s32 $0xA000, s13;
	[dreg:$0xa] =	wrdreg s12  }
0x11: {  	s6 =	simm.s32 $0x300;
	s20 =	sadd.s32 $0xC000, s13;
	[dreg:$0xb] =	wrdreg s19  }
0x12: {  	s21 =	sadd.s32 $0xE000, s13;
	s22 =	sadd.s32 $0x10000, s13;
	[dreg:$0xc] =	wrdreg s20  }
0x13: {  	s23 =	sadd.s32 $0x12000, s13;
	s10 =	sshll.u32 s10, $0x4;
	[dreg:$0xd] =	wrdreg s21  }
0x14: {  	s7 =	sadd.s32 s26, s11;
	s0 =	sadd.s32 s5, s0;
	[dreg:$0xe] =	wrdreg s22  }
0x15: {  	s26 =	smax.u32 s9, $0x1;
	s13 =	simm.s32 $0x100;
	[dreg:$0xf] =	wrdreg s23  }
0x16: {  	s9 =	simm.s32 $0xB00;
	s11 =	simm.s32 $0x0;
	[dreg:$0x12] =	wrdreg s26  }
0x17: {  	s24 =	sadd.s32 s1, s10;
	s25 =	sshll.u32 s7, $0x4;
	[dreg:$0x5] =	wrdreg s0  }
0x18: {  	s0 =	sadd.s32 $0x14000, s0;
	s19 =	sadd.s32 $0x3200, s8;
	s21 =	simm.s32 $0x5  }
0x19: {  	s22 =	simm.s32 $0x800;
	s23 =	simm.s32 $0x80;
	s26 =	simm.s32 $0x5000  }
0x1a: {  	s16 =	simm.s32 $0x880;
	s20 =	simm.s32 $0x180;
	s15 =	simm.s32 $0x980  }
0x1b: {  	s7 =	simm.s32 $0xA80;
	s8 =	simm.s32 $0x380;
	s10 =	simm.s32 $0x400  }
0x1c: {  	s14 =	simm.s32 $0xC00;
	[dreg:$0x10] =	wrdreg s24;
	s1 =	sadd.s32 s1, s25  }
0x1d: {  	[dreg:$0x4] =	wrdreg s0;
	s24 =	simm.s32 $0x1000;
	s25 =	simm.s32 $0x1  }
0x1e: {  	v0 =	vimm.f32 $0.0e+00;
	s0 =	simm.s32 $0x4;
	[dreg:$0x11] =	wrdreg s1;
	s1 =	simm.s32 $0x200  }
.LBB2_1:
0x1f: {  	[dreg:$0x13] =	wrdreg s11;
	s11 =	simm.s32 $0x0;
	s12 =	simm.s32 $0x200  }
.LBB2_2:
0x20: {  	p0 =	sne.s32 s12, $0x7E00;
	[tilespmem:s11+$0x9070] =	vst v0  }
0x21: {  	[tilespmem:s11+$0x9000] =	vst v0  }
0x22: {  	[tilespmem:s11+$0x9010] =	vst v0  }
.Ltmp0:
0x23: {  	[tilespmem:s11+$0x9020] =	vst v0;
	(pc) =	sbr.rel @p0 .LBB2_2-.Ltmp0, $4  }
0x24: {  	[tilespmem:s11+$0x9030] =	vst v0  }
0x25: {  	[tilespmem:s11+$0x9040] =	vst v0  }
0x26: {  	[tilespmem:s11+$0x9050] =	vst v0  }
0x27: {  	[tilespmem:s11+$0x9060] =	vst v0;
	s11 =	sshra.s32 s12, $0x2;
	s12 =	sadd.s32 $0x200, s12  }
0x28: {  	[tilespmem:s11+$0x9070] =	vst v0  }
0x29: {  	[tilespmem:s11+$0x9000] =	vst v0  }
0x2a: {  	[tilespmem:s11+$0x9010] =	vst v0  }
0x2b: {  	[tilespmem:s11+$0x9020] =	vst v0  }
0x2c: {  	[tilespmem:s11+$0x9030] =	vst v0  }
0x2d: {  	[tilespmem:s11+$0x9040] =	vst v0  }
0x2e: {  	[tilespmem:s11+$0x9050] =	vst v0  }
0x2f: {  	[tilespmem:s11+$0x9060] =	vst v0;
	s5 =	rddreg [dreg:$0x6];
	s11 =	simm.s32 $0x9000  }
0x30: {  	[spmem:s5] =	stream.linear.scatter [tilespmem:s11], [sflag:$0x5], $0x2000, $0x38;
	[tilespmem:$0x1F000] =	vst v63  }
0x31: {  	_ =	swait.ge [sflag:s21], $0x2000  }
0x32: {  	[sflag:s21] =	ssyncset.done $0x0  }
0x33: {  	s12 =	rddreg [dreg:$0x7];
	[sflag:s21] =	ssyncadd.s32 $0xFFFFE000  }
0x34: {  	[spmem:s12] =	stream.linear.scatter [tilespmem:s11], [sflag:$0x5], $0x2000, $0x38;
	[tilespmem:$0x1F000] =	vst v63  }
0x35: {  	_ =	swait.ge [sflag:s21], $0x2000  }
0x36: {  	[sflag:s21] =	ssyncset.done $0x0  }
0x37: {  	s12 =	rddreg [dreg:$0x8];
	[sflag:s21] =	ssyncadd.s32 $0xFFFFE000  }
0x38: {  	[spmem:s12] =	stream.linear.scatter [tilespmem:s11], [sflag:$0x5], $0x2000, $0x38;
	[tilespmem:$0x1F000] =	vst v63  }
0x39: {  	_ =	swait.ge [sflag:s21], $0x2000  }
0x3a: {  	[sflag:s21] =	ssyncset.done $0x0  }
0x3b: {  	s12 =	rddreg [dreg:$0x9];
	[sflag:s21] =	ssyncadd.s32 $0xFFFFE000  }
0x3c: {  	[spmem:s12] =	stream.linear.scatter [tilespmem:s11], [sflag:$0x5], $0x2000, $0x38;
	[tilespmem:$0x1F000] =	vst v63  }
0x3d: {  	_ =	swait.ge [sflag:s21], $0x2000  }
0x3e: {  	[sflag:s21] =	ssyncset.done $0x0  }
0x3f: {  	s12 =	rddreg [dreg:$0xa];
	[sflag:s21] =	ssyncadd.s32 $0xFFFFE000  }
0x40: {  	[spmem:s12] =	stream.linear.scatter [tilespmem:s11], [sflag:$0x5], $0x2000, $0x38;
	[tilespmem:$0x1F000] =	vst v63  }
0x41: {  	_ =	swait.ge [sflag:s21], $0x2000  }
0x42: {  	[sflag:s21] =	ssyncset.done $0x0  }
0x43: {  	s12 =	rddreg [dreg:$0xb];
	[sflag:s21] =	ssyncadd.s32 $0xFFFFE000  }
0x44: {  	[spmem:s12] =	stream.linear.scatter [tilespmem:s11], [sflag:$0x5], $0x2000, $0x38;
	[tilespmem:$0x1F000] =	vst v63  }
0x45: {  	_ =	swait.ge [sflag:s21], $0x2000  }
0x46: {  	[sflag:s21] =	ssyncset.done $0x0  }
0x47: {  	s12 =	rddreg [dreg:$0xc];
	[sflag:s21] =	ssyncadd.s32 $0xFFFFE000  }
0x48: {  	[spmem:s12] =	stream.linear.scatter [tilespmem:s11], [sflag:$0x5], $0x2000, $0x38;
	[tilespmem:$0x1F000] =	vst v63  }
0x49: {  	_ =	swait.ge [sflag:s21], $0x2000  }
0x4a: {  	[sflag:s21] =	ssyncset.done $0x0  }
0x4b: {  	s12 =	rddreg [dreg:$0xd];
	[sflag:s21] =	ssyncadd.s32 $0xFFFFE000  }
0x4c: {  	[spmem:s12] =	stream.linear.scatter [tilespmem:s11], [sflag:$0x5], $0x2000, $0x38;
	[tilespmem:$0x1F000] =	vst v63  }
0x4d: {  	_ =	swait.ge [sflag:s21], $0x2000  }
0x4e: {  	[sflag:s21] =	ssyncset.done $0x0  }
0x4f: {  	s12 =	rddreg [dreg:$0xe];
	[sflag:s21] =	ssyncadd.s32 $0xFFFFE000  }
0x50: {  	[spmem:s12] =	stream.linear.scatter [tilespmem:s11], [sflag:$0x5], $0x2000, $0x38;
	[tilespmem:$0x1F000] =	vst v63  }
0x51: {  	_ =	swait.ge [sflag:s21], $0x2000  }
0x52: {  	[sflag:s21] =	ssyncset.done $0x0  }
0x53: {  	s12 =	rddreg [dreg:$0xf];
	[sflag:s21] =	ssyncadd.s32 $0xFFFFE000  }
0x54: {  	[spmem:s12] =	stream.linear.scatter [tilespmem:s11], [sflag:$0x5], $0x2000, $0x38;
	[tilespmem:$0x1F000] =	vst v63  }
0x55: {  	_ =	swait.ge [sflag:s21], $0x2000  }
0x56: {  	[sflag:s21] =	ssyncset.done $0x0  }
0x57: {  	[sflag:s21] =	ssyncadd.s32 $0xFFFFE000  }
0x58: {  	[bflag:$0x0] =	sbarrier.arrive $0xFFFF  }
0x59: {  	s5 =	rddreg [dreg:$0x5]  }
0x5a: {  	s12 =	sadd.s32 $0x0, s5  }
0x5b: {  	[tilespmem:s3], [sflag:$0x5] =	stream.linear.gather [hbm4b:s12+s3], $0x800, $0x38;
	[tilespmem:$0x1F000] =	vst v63  }
0x5c: {  	_ =	swait.ge [sflag:s21], $0x800  }
0x5d: {  	[sflag:s21] =	ssyncset.done $0x0  }
0x5e: {  	s12 =	sadd.s32 $0x0, s19;
	[sflag:s21] =	ssyncadd.s32 $0xFFFFF800  }
0x5f: {  	[tilespmem:s22], [sflag:$0x5] =	stream.linear.gather [hbm4b:s12+s3], $0x800, $0x38;
	[tilespmem:$0x1F000] =	vst v63  }
0x60: {  	_ =	swait.ge [sflag:s21], $0x800  }
0x61: {  	[sflag:s21] =	ssyncset.done $0x0  }
0x62: {  	[sflag:s21] =	ssyncadd.s32 $0xFFFFF800  }
0x63: {  	[tilespmem:s24], [sflag:$0x1] =	stream.indirect.gather [hbm4b:s4+s23], $0x80, s3, s23, $0xb8;
	[tilespmem:$0x1F000] =	vst v63  }
0x64: {  	_ =	swait.ge [sflag:s25], $0x4000  }
0x65: {  	[sflag:s25] =	ssyncset.done $0x0  }
0x66: {  	[sflag:s25] =	ssyncadd.s32 $0xFFFFC000  }
0x67: {  	[tilespmem:s26], [sflag:$0x2] =	stream.indirect.gather [hbm4b:s4+s23], $0x80, s23, s23, $0xb8;
	[tilespmem:$0x1F000] =	vst v63  }
0x68: {  	_ = 	snop  }
0x69: {  	[spmem:s2] =	stream.indirect.scatter.add.f32 [tilespmem:s24], [sflag:$0x3], $0x80, s22, s23, $0xb8;
	[tilespmem:$0x1F000] =	vst v63  }
0x6a: {  	_ =	swait.ge [sflag:s28], $0x4000  }
0x6b: {  	[sflag:s28] =	ssyncset.done $0x0  }
0x6c: {  	[sflag:s28] =	ssyncadd.s32 $0xFFFFC000  }
0x6d: {  	_ =	swait.ge [sflag:s29], $0x4000  }
0x6e: {  	[sflag:s29] =	ssyncset.done $0x0  }
0x6f: {  	[sflag:s29] =	ssyncadd.s32 $0xFFFFC000  }
0x70: {  	[tilespmem:s24], [sflag:$0x1] =	stream.indirect.gather [hbm4b:s4+s23], $0x80, s13, s23, $0xb8;
	[tilespmem:$0x1F000] =	vst v63  }
0x71: {  	_ = 	snop  }
0x72: {  	[spmem:s2] =	stream.indirect.scatter.add.f32 [tilespmem:s26], [sflag:$0x4], $0x80, s16, s23, $0xb8;
	[tilespmem:$0x1F000] =	vst v63  }
0x73: {  	_ =	swait.ge [sflag:s25], $0x4000  }
0x74: {  	[sflag:s25] =	ssyncset.done $0x0  }
0x75: {  	[sflag:s25] =	ssyncadd.s32 $0xFFFFC000  }
0x76: {  	_ =	swait.ge [sflag:s0], $0x4000  }
0x77: {  	[sflag:s0] =	ssyncset.done $0x0  }
0x78: {  	[sflag:s0] =	ssyncadd.s32 $0xFFFFC000  }
0x79: {  	[tilespmem:s26], [sflag:$0x2] =	stream.indirect.gather [hbm4b:s4+s23], $0x80, s20, s23, $0xb8;
	[tilespmem:$0x1F000] =	vst v63  }
0x7a: {  	_ = 	snop  }
0x7b: {  	[spmem:s2] =	stream.indirect.scatter.add.f32 [tilespmem:s24], [sflag:$0x3], $0x80, s30, s23, $0xb8;
	[tilespmem:$0x1F000] =	vst v63  }
0x7c: {  	_ =	swait.ge [sflag:s28], $0x4000  }
0x7d: {  	[sflag:s28] =	ssyncset.done $0x0  }
0x7e: {  	[sflag:s28] =	ssyncadd.s32 $0xFFFFC000  }
0x7f: {  	_ =	swait.ge [sflag:s29], $0x4000  }
0x80: {  	[sflag:s29] =	ssyncset.done $0x0  }
0x81: {  	[sflag:s29] =	ssyncadd.s32 $0xFFFFC000  }
0x82: {  	[tilespmem:s24], [sflag:$0x1] =	stream.indirect.gather [hbm4b:s4+s23], $0x80, s1, s23, $0xb8;
	[tilespmem:$0x1F000] =	vst v63  }
0x83: {  	_ = 	snop  }
0x84: {  	[spmem:s2] =	stream.indirect.scatter.add.f32 [tilespmem:s26], [sflag:$0x4], $0x80, s15, s23, $0xb8;
	[tilespmem:$0x1F000] =	vst v63  }
0x85: {  	_ =	swait.ge [sflag:s25], $0x4000  }
0x86: {  	[sflag:s25] =	ssyncset.done $0x0  }
0x87: {  	[sflag:s25] =	ssyncadd.s32 $0xFFFFC000  }
0x88: {  	_ =	swait.ge [sflag:s0], $0x4000  }
0x89: {  	[sflag:s0] =	ssyncset.done $0x0  }
0x8a: {  	[sflag:s0] =	ssyncadd.s32 $0xFFFFC000  }
0x8b: {  	[tilespmem:s26], [sflag:$0x2] =	stream.indirect.gather [hbm4b:s4+s23], $0x80, s17, s23, $0xb8;
	[tilespmem:$0x1F000] =	vst v63  }
0x8c: {  	_ = 	snop  }
0x8d: {  	[spmem:s2] =	stream.indirect.scatter.add.f32 [tilespmem:s24], [sflag:$0x3], $0x80, s18, s23, $0xb8;
	[tilespmem:$0x1F000] =	vst v63  }
0x8e: {  	_ =	swait.ge [sflag:s28], $0x4000  }
0x8f: {  	[sflag:s28] =	ssyncset.done $0x0  }
0x90: {  	[sflag:s28] =	ssyncadd.s32 $0xFFFFC000  }
0x91: {  	_ =	swait.ge [sflag:s29], $0x4000  }
0x92: {  	[sflag:s29] =	ssyncset.done $0x0  }
0x93: {  	[sflag:s29] =	ssyncadd.s32 $0xFFFFC000  }
0x94: {  	[tilespmem:s24], [sflag:$0x1] =	stream.indirect.gather [hbm4b:s4+s23], $0x80, s6, s23, $0xb8;
	[tilespmem:$0x1F000] =	vst v63  }
0x95: {  	_ = 	snop  }
0x96: {  	[spmem:s2] =	stream.indirect.scatter.add.f32 [tilespmem:s26], [sflag:$0x4], $0x80, s7, s23, $0xb8;
	[tilespmem:$0x1F000] =	vst v63  }
0x97: {  	_ =	swait.ge [sflag:s25], $0x4000  }
0x98: {  	[sflag:s25] =	ssyncset.done $0x0  }
0x99: {  	[sflag:s25] =	ssyncadd.s32 $0xFFFFC000  }
0x9a: {  	_ =	swait.ge [sflag:s0], $0x4000  }
0x9b: {  	[sflag:s0] =	ssyncset.done $0x0  }
0x9c: {  	[sflag:s0] =	ssyncadd.s32 $0xFFFFC000  }
0x9d: {  	[tilespmem:s26], [sflag:$0x2] =	stream.indirect.gather [hbm4b:s4+s23], $0x80, s8, s23, $0xb8;
	[tilespmem:$0x1F000] =	vst v63  }
0x9e: {  	_ = 	snop  }
0x9f: {  	[spmem:s2] =	stream.indirect.scatter.add.f32 [tilespmem:s24], [sflag:$0x3], $0x80, s9, s23, $0xb8;
	[tilespmem:$0x1F000] =	vst v63  }
0xa0: {  	_ =	swait.ge [sflag:s28], $0x4000  }
0xa1: {  	[sflag:s28] =	ssyncset.done $0x0  }
0xa2: {  	[sflag:s28] =	ssyncadd.s32 $0xFFFFC000  }
0xa3: {  	_ =	swait.ge [sflag:s29], $0x4000  }
0xa4: {  	[sflag:s29] =	ssyncset.done $0x0  }
0xa5: {  	[sflag:s29] =	ssyncadd.s32 $0xFFFFC000  }
0xa6: {  	[tilespmem:s24], [sflag:$0x1] =	stream.indirect.gather [hbm4b:s4+s23], $0x80, s10, s23, $0xb8;
	[tilespmem:$0x1F000] =	vst v63  }
0xa7: {  	_ = 	snop  }
0xa8: {  	[spmem:s2] =	stream.indirect.scatter.add.f32 [tilespmem:s26], [sflag:$0x4], $0x80, s31, s23, $0xb8;
	[tilespmem:$0x1F000] =	vst v63  }
0xa9: {  	_ =	swait.ge [sflag:s25], $0x4000  }
0xaa: {  	[sflag:s25] =	ssyncset.done $0x0  }
0xab: {  	[sflag:s25] =	ssyncadd.s32 $0xFFFFC000  }
0xac: {  	_ =	swait.ge [sflag:s0], $0x4000  }
0xad: {  	[sflag:s0] =	ssyncset.done $0x0  }
0xae: {  	s7 =	simm.s32 $0x480;
	[sflag:s0] =	ssyncadd.s32 $0xFFFFC000  }
0xaf: {  	[tilespmem:s26], [sflag:$0x2] =	stream.indirect.gather [hbm4b:s4+s23], $0x80, s7, s23, $0xb8;
	[tilespmem:$0x1F000] =	vst v63  }
0xb0: {  	_ = 	snop  }
0xb1: {  	[spmem:s2] =	stream.indirect.scatter.add.f32 [tilespmem:s24], [sflag:$0x3], $0x80, s14, s23, $0xb8;
	[tilespmem:$0x1F000] =	vst v63  }
0xb2: {  	_ =	swait.ge [sflag:s28], $0x4000  }
0xb3: {  	[sflag:s28] =	ssyncset.done $0x0  }
0xb4: {  	[sflag:s28] =	ssyncadd.s32 $0xFFFFC000  }
0xb5: {  	_ =	swait.ge [sflag:s29], $0x4000  }
0xb6: {  	[sflag:s29] =	ssyncset.done $0x0  }
0xb7: {  	s8 =	simm.s32 $0x500;
	[sflag:s29] =	ssyncadd.s32 $0xFFFFC000  }
0xb8: {  	[tilespmem:s24], [sflag:$0x1] =	stream.indirect.gather [hbm4b:s4+s23], $0x80, s8, s23, $0xb8;
	[tilespmem:$0x1F000] =	vst v63  }
0xb9: {  	s9 =	simm.s32 $0xC80  }
0xba: {  	[spmem:s2] =	stream.indirect.scatter.add.f32 [tilespmem:s26], [sflag:$0x4], $0x80, s9, s23, $0xb8;
	[tilespmem:$0x1F000] =	vst v63  }
0xbb: {  	_ =	swait.ge [sflag:s25], $0x4000  }
0xbc: {  	[sflag:s25] =	ssyncset.done $0x0  }
0xbd: {  	[sflag:s25] =	ssyncadd.s32 $0xFFFFC000  }
0xbe: {  	_ =	swait.ge [sflag:s0], $0x4000  }
0xbf: {  	[sflag:s0] =	ssyncset.done $0x0  }
0xc0: {  	s10 =	simm.s32 $0x580;
	[sflag:s0] =	ssyncadd.s32 $0xFFFFC000  }
0xc1: {  	[tilespmem:s26], [sflag:$0x2] =	stream.indirect.gather [hbm4b:s4+s23], $0x80, s10, s23, $0xb8;
	[tilespmem:$0x1F000] =	vst v63  }
0xc2: {  	s11 =	simm.s32 $0xD00  }
0xc3: {  	[spmem:s2] =	stream.indirect.scatter.add.f32 [tilespmem:s24], [sflag:$0x3], $0x80, s11, s23, $0xb8;
	[tilespmem:$0x1F000] =	vst v63  }
0xc4: {  	_ =	swait.ge [sflag:s28], $0x4000  }
0xc5: {  	[sflag:s28] =	ssyncset.done $0x0  }
0xc6: {  	[sflag:s28] =	ssyncadd.s32 $0xFFFFC000  }
0xc7: {  	_ =	swait.ge [sflag:s29], $0x4000  }
0xc8: {  	[sflag:s29] =	ssyncset.done $0x0  }
0xc9: {  	s12 =	simm.s32 $0x600;
	[sflag:s29] =	ssyncadd.s32 $0xFFFFC000  }
0xca: {  	[tilespmem:s24], [sflag:$0x1] =	stream.indirect.gather [hbm4b:s4+s23], $0x80, s12, s23, $0xb8;
	[tilespmem:$0x1F000] =	vst v63  }
0xcb: {  	s13 =	simm.s32 $0xD80  }
0xcc: {  	[spmem:s2] =	stream.indirect.scatter.add.f32 [tilespmem:s26], [sflag:$0x4], $0x80, s13, s23, $0xb8;
	[tilespmem:$0x1F000] =	vst v63  }
0xcd: {  	_ =	swait.ge [sflag:s25], $0x4000  }
0xce: {  	[sflag:s25] =	ssyncset.done $0x0  }
0xcf: {  	[sflag:s25] =	ssyncadd.s32 $0xFFFFC000  }
0xd0: {  	_ =	swait.ge [sflag:s0], $0x4000  }
0xd1: {  	[sflag:s0] =	ssyncset.done $0x0  }
0xd2: {  	s14 =	simm.s32 $0x680;
	[sflag:s0] =	ssyncadd.s32 $0xFFFFC000  }
0xd3: {  	[tilespmem:s26], [sflag:$0x2] =	stream.indirect.gather [hbm4b:s4+s23], $0x80, s14, s23, $0xb8;
	[tilespmem:$0x1F000] =	vst v63  }
0xd4: {  	s15 =	simm.s32 $0xE00  }
0xd5: {  	[spmem:s2] =	stream.indirect.scatter.add.f32 [tilespmem:s24], [sflag:$0x3], $0x80, s15, s23, $0xb8;
	[tilespmem:$0x1F000] =	vst v63  }
0xd6: {  	_ =	swait.ge [sflag:s28], $0x4000  }
0xd7: {  	[sflag:s28] =	ssyncset.done $0x0  }
0xd8: {  	[sflag:s28] =	ssyncadd.s32 $0xFFFFC000  }
0xd9: {  	_ =	swait.ge [sflag:s29], $0x4000  }
0xda: {  	[sflag:s29] =	ssyncset.done $0x0  }
0xdb: {  	s16 =	simm.s32 $0x700;
	[sflag:s29] =	ssyncadd.s32 $0xFFFFC000  }
0xdc: {  	[tilespmem:s24], [sflag:$0x1] =	stream.indirect.gather [hbm4b:s4+s23], $0x80, s16, s23, $0xb8;
	[tilespmem:$0x1F000] =	vst v63  }
0xdd: {  	s17 =	simm.s32 $0xE80  }
0xde: {  	[spmem:s2] =	stream.indirect.scatter.add.f32 [tilespmem:s26], [sflag:$0x4], $0x80, s17, s23, $0xb8;
	[tilespmem:$0x1F000] =	vst v63  }
0xdf: {  	_ =	swait.ge [sflag:s25], $0x4000  }
0xe0: {  	[sflag:s25] =	ssyncset.done $0x0  }
0xe1: {  	[sflag:s25] =	ssyncadd.s32 $0xFFFFC000  }
0xe2: {  	_ =	swait.ge [sflag:s0], $0x4000  }
0xe3: {  	[sflag:s0] =	ssyncset.done $0x0  }
0xe4: {  	s18 =	simm.s32 $0x780;
	[sflag:s0] =	ssyncadd.s32 $0xFFFFC000  }
0xe5: {  	[tilespmem:s26], [sflag:$0x2] =	stream.indirect.gather [hbm4b:s4+s23], $0x80, s18, s23, $0xb8;
	[tilespmem:$0x1F000] =	vst v63  }
0xe6: {  	s22 =	simm.s32 $0xF80;
	s20 =	simm.s32 $0xF00  }
0xe7: {  	[spmem:s2] =	stream.indirect.scatter.add.f32 [tilespmem:s24], [sflag:$0x3], $0x80, s20, s23, $0xb8;
	[tilespmem:$0x1F000] =	vst v63  }
0xe8: {  	s30 =	simm.s32 $0x800;
	s1 =	simm.s32 $0x280;
	_ =	swait.ge [sflag:s28], $0x4000  }
0xe9: {  	s6 =	simm.s32 $0x380;
	s31 =	simm.s32 $0x980;
	[sflag:s28] =	ssyncset.done $0x0  }
0xea: {  	s7 =	simm.s32 $0xB00;
	s8 =	simm.s32 $0x400;
	[sflag:s28] =	ssyncadd.s32 $0xFFFFC000  }
0xeb: {  	[spmem:s2] =	stream.indirect.scatter.add.f32 [tilespmem:s26], [sflag:$0x4], $0x80, s22, s23, $0xb8;
	[tilespmem:$0x1F000] =	vst v63  }
0xec: {  	s9 =	simm.s32 $0xB80;
	s10 =	simm.s32 $0xC00;
	_ =	swait.ge [sflag:s29], $0x4000  }
0xed: {  	s11 =	simm.s32 $0x100;
	s13 =	simm.s32 $0x200;
	[sflag:s29] =	ssyncset.done $0x0  }
0xee: {  	s15 =	simm.s32 $0xA00;
	s16 =	simm.s32 $0x900;
	[sflag:s29] =	ssyncadd.s32 $0xFFFFC000  }
0xef: {  	s17 =	simm.s32 $0x300;
	s18 =	simm.s32 $0xA80;
	_ =	swait.ge [sflag:s0], $0x4000  }
0xf0: {  	s20 =	simm.s32 $0x180;
	s22 =	simm.s32 $0x100;
	[sflag:s0] =	ssyncset.done $0x0  }
.LBB2_4:
0xf1: {  	s14 =	sadd.s32 s11, s5;
	[sflag:s0] =	ssyncadd.s32 $0xFFFFC000  }
0xf2: {  	[tilespmem:s3], [sflag:$0x5] =	stream.linear.gather [hbm4b:s14+s3], $0x800, $0x38;
	[tilespmem:$0x1F000] =	vst v63  }
0xf3: {  	_ =	swait.ge [sflag:s21], $0x800  }
0xf4: {  	s5 =	smov.u32 s13;
	s12 =	sadd.s32 $0x100, s13;
	[sflag:s21] =	ssyncset.done $0x0  }
0xf5: {  	p0 =	sne.s32 s13, $0x900;
	s13 =	sadd.s32 s11, s19;
	[sflag:s21] =	ssyncadd.s32 $0xFFFFF800  }
0xf6: {  	[tilespmem:s30], [sflag:$0x5] =	stream.linear.gather [hbm4b:s13+s3], $0x800, $0x38;
	[tilespmem:$0x1F000] =	vst v63  }
0xf7: {  	s11 =	smov.u32 s5;
	s5 =	rddreg [dreg:$0x5];
	_ =	swait.ge [sflag:s21], $0x800  }
0xf8: {  	[sflag:s21] =	ssyncset.done $0x0  }
0xf9: {  	[sflag:s21] =	ssyncadd.s32 $0xFFFFF800  }
0xfa: {  	[tilespmem:s24], [sflag:$0x1] =	stream.indirect.gather [hbm4b:s4+s23], $0x80, s3, s23, $0xb8;
	[tilespmem:$0x1F000] =	vst v63  }
0xfb: {  	_ =	swait.ge [sflag:s25], $0x4000  }
0xfc: {  	[sflag:s25] =	ssyncset.done $0x0  }
0xfd: {  	[sflag:s25] =	ssyncadd.s32 $0xFFFFC000  }
0xfe: {  	[tilespmem:s26], [sflag:$0x2] =	stream.indirect.gather [hbm4b:s4+s23], $0x80, s23, s23, $0xb8;
	[tilespmem:$0x1F000] =	vst v63  }
0xff: {  	_ = 	snop  }
0x100: {  	[spmem:s2] =	stream.indirect.scatter.add.f32 [tilespmem:s24], [sflag:$0x3], $0x80, s30, s23, $0xb8;
	[tilespmem:$0x1F000] =	vst v63  }
0x101: {  	_ =	swait.ge [sflag:s28], $0x4000  }
0x102: {  	[sflag:s28] =	ssyncset.done $0x0  }
0x103: {  	[sflag:s28] =	ssyncadd.s32 $0xFFFFC000  }
0x104: {  	_ =	swait.ge [sflag:s29], $0x4000  }
0x105: {  	[sflag:s29] =	ssyncset.done $0x0  }
0x106: {  	[sflag:s29] =	ssyncadd.s32 $0xFFFFC000  }
0x107: {  	[tilespmem:s24], [sflag:$0x1] =	stream.indirect.gather [hbm4b:s4+s23], $0x80, s22, s23, $0xb8;
	[tilespmem:$0x1F000] =	vst v63  }
0x108: {  	s13 =	simm.s32 $0x880  }
0x109: {  	[spmem:s2] =	stream.indirect.scatter.add.f32 [tilespmem:s26], [sflag:$0x4], $0x80, s13, s23, $0xb8;
	[tilespmem:$0x1F000] =	vst v63  }
0x10a: {  	_ =	swait.ge [sflag:s25], $0x4000  }
0x10b: {  	[sflag:s25] =	ssyncset.done $0x0  }
0x10c: {  	[sflag:s25] =	ssyncadd.s32 $0xFFFFC000  }
0x10d: {  	_ =	swait.ge [sflag:s0], $0x4000  }
0x10e: {  	[sflag:s0] =	ssyncset.done $0x0  }
0x10f: {  	[sflag:s0] =	ssyncadd.s32 $0xFFFFC000  }
0x110: {  	[tilespmem:s26], [sflag:$0x2] =	stream.indirect.gather [hbm4b:s4+s23], $0x80, s20, s23, $0xb8;
	[tilespmem:$0x1F000] =	vst v63  }
0x111: {  	_ = 	snop  }
0x112: {  	[spmem:s2] =	stream.indirect.scatter.add.f32 [tilespmem:s24], [sflag:$0x3], $0x80, s16, s23, $0xb8;
	[tilespmem:$0x1F000] =	vst v63  }
0x113: {  	_ =	swait.ge [sflag:s28], $0x4000  }
0x114: {  	[sflag:s28] =	ssyncset.done $0x0  }
0x115: {  	[sflag:s28] =	ssyncadd.s32 $0xFFFFC000  }
0x116: {  	_ =	swait.ge [sflag:s29], $0x4000  }
0x117: {  	[sflag:s29] =	ssyncset.done $0x0  }
0x118: {  	s13 =	simm.s32 $0x200;
	[sflag:s29] =	ssyncadd.s32 $0xFFFFC000  }
0x119: {  	[tilespmem:s24], [sflag:$0x1] =	stream.indirect.gather [hbm4b:s4+s23], $0x80, s13, s23, $0xb8;
	[tilespmem:$0x1F000] =	vst v63  }
0x11a: {  	_ = 	snop  }
0x11b: {  	[spmem:s2] =	stream.indirect.scatter.add.f32 [tilespmem:s26], [sflag:$0x4], $0x80, s31, s23, $0xb8;
	[tilespmem:$0x1F000] =	vst v63  }
0x11c: {  	_ =	swait.ge [sflag:s25], $0x4000  }
0x11d: {  	[sflag:s25] =	ssyncset.done $0x0  }
0x11e: {  	[sflag:s25] =	ssyncadd.s32 $0xFFFFC000  }
0x11f: {  	_ =	swait.ge [sflag:s0], $0x4000  }
0x120: {  	[sflag:s0] =	ssyncset.done $0x0  }
0x121: {  	[sflag:s0] =	ssyncadd.s32 $0xFFFFC000  }
0x122: {  	[tilespmem:s26], [sflag:$0x2] =	stream.indirect.gather [hbm4b:s4+s23], $0x80, s1, s23, $0xb8;
	[tilespmem:$0x1F000] =	vst v63  }
0x123: {  	_ = 	snop  }
0x124: {  	[spmem:s2] =	stream.indirect.scatter.add.f32 [tilespmem:s24], [sflag:$0x3], $0x80, s15, s23, $0xb8;
	[tilespmem:$0x1F000] =	vst v63  }
0x125: {  	_ =	swait.ge [sflag:s28], $0x4000  }
0x126: {  	[sflag:s28] =	ssyncset.done $0x0  }
0x127: {  	[sflag:s28] =	ssyncadd.s32 $0xFFFFC000  }
0x128: {  	_ =	swait.ge [sflag:s29], $0x4000  }
0x129: {  	[sflag:s29] =	ssyncset.done $0x0  }
0x12a: {  	[sflag:s29] =	ssyncadd.s32 $0xFFFFC000  }
0x12b: {  	[tilespmem:s24], [sflag:$0x1] =	stream.indirect.gather [hbm4b:s4+s23], $0x80, s17, s23, $0xb8;
	[tilespmem:$0x1F000] =	vst v63  }
0x12c: {  	_ = 	snop  }
0x12d: {  	[spmem:s2] =	stream.indirect.scatter.add.f32 [tilespmem:s26], [sflag:$0x4], $0x80, s18, s23, $0xb8;
	[tilespmem:$0x1F000] =	vst v63  }
0x12e: {  	_ =	swait.ge [sflag:s25], $0x4000  }
0x12f: {  	[sflag:s25] =	ssyncset.done $0x0  }
0x130: {  	[sflag:s25] =	ssyncadd.s32 $0xFFFFC000  }
0x131: {  	_ =	swait.ge [sflag:s0], $0x4000  }
0x132: {  	[sflag:s0] =	ssyncset.done $0x0  }
0x133: {  	[sflag:s0] =	ssyncadd.s32 $0xFFFFC000  }
0x134: {  	[tilespmem:s26], [sflag:$0x2] =	stream.indirect.gather [hbm4b:s4+s23], $0x80, s6, s23, $0xb8;
	[tilespmem:$0x1F000] =	vst v63  }
0x135: {  	_ = 	snop  }
0x136: {  	[spmem:s2] =	stream.indirect.scatter.add.f32 [tilespmem:s24], [sflag:$0x3], $0x80, s7, s23, $0xb8;
	[tilespmem:$0x1F000] =	vst v63  }
0x137: {  	_ =	swait.ge [sflag:s28], $0x4000  }
0x138: {  	[sflag:s28] =	ssyncset.done $0x0  }
0x139: {  	[sflag:s28] =	ssyncadd.s32 $0xFFFFC000  }
0x13a: {  	_ =	swait.ge [sflag:s29], $0x4000  }
0x13b: {  	[sflag:s29] =	ssyncset.done $0x0  }
0x13c: {  	[sflag:s29] =	ssyncadd.s32 $0xFFFFC000  }
0x13d: {  	[tilespmem:s24], [sflag:$0x1] =	stream.indirect.gather [hbm4b:s4+s23], $0x80, s8, s23, $0xb8;
	[tilespmem:$0x1F000] =	vst v63  }
0x13e: {  	_ = 	snop  }
0x13f: {  	[spmem:s2] =	stream.indirect.scatter.add.f32 [tilespmem:s26], [sflag:$0x4], $0x80, s9, s23, $0xb8;
	[tilespmem:$0x1F000] =	vst v63  }
0x140: {  	_ =	swait.ge [sflag:s25], $0x4000  }
0x141: {  	[sflag:s25] =	ssyncset.done $0x0  }
0x142: {  	[sflag:s25] =	ssyncadd.s32 $0xFFFFC000  }
0x143: {  	_ =	swait.ge [sflag:s0], $0x4000  }
0x144: {  	[sflag:s0] =	ssyncset.done $0x0  }
0x145: {  	s14 =	simm.s32 $0x480;
	[sflag:s0] =	ssyncadd.s32 $0xFFFFC000  }
0x146: {  	[tilespmem:s26], [sflag:$0x2] =	stream.indirect.gather [hbm4b:s4+s23], $0x80, s14, s23, $0xb8;
	[tilespmem:$0x1F000] =	vst v63  }
0x147: {  	_ = 	snop  }
0x148: {  	[spmem:s2] =	stream.indirect.scatter.add.f32 [tilespmem:s24], [sflag:$0x3], $0x80, s10, s23, $0xb8;
	[tilespmem:$0x1F000] =	vst v63  }
0x149: {  	_ =	swait.ge [sflag:s28], $0x4000  }
0x14a: {  	[sflag:s28] =	ssyncset.done $0x0  }
0x14b: {  	[sflag:s28] =	ssyncadd.s32 $0xFFFFC000  }
0x14c: {  	_ =	swait.ge [sflag:s29], $0x4000  }
0x14d: {  	[sflag:s29] =	ssyncset.done $0x0  }
0x14e: {  	s13 =	simm.s32 $0x500;
	[sflag:s29] =	ssyncadd.s32 $0xFFFFC000  }
0x14f: {  	[tilespmem:s24], [sflag:$0x1] =	stream.indirect.gather [hbm4b:s4+s23], $0x80, s13, s23, $0xb8;
	[tilespmem:$0x1F000] =	vst v63  }
0x150: {  	s13 =	simm.s32 $0xC80  }
0x151: {  	[spmem:s2] =	stream.indirect.scatter.add.f32 [tilespmem:s26], [sflag:$0x4], $0x80, s13, s23, $0xb8;
	[tilespmem:$0x1F000] =	vst v63  }
0x152: {  	_ =	swait.ge [sflag:s25], $0x4000  }
0x153: {  	[sflag:s25] =	ssyncset.done $0x0  }
0x154: {  	[sflag:s25] =	ssyncadd.s32 $0xFFFFC000  }
0x155: {  	_ =	swait.ge [sflag:s0], $0x4000  }
0x156: {  	[sflag:s0] =	ssyncset.done $0x0  }
0x157: {  	s13 =	simm.s32 $0x580;
	[sflag:s0] =	ssyncadd.s32 $0xFFFFC000  }
0x158: {  	[tilespmem:s26], [sflag:$0x2] =	stream.indirect.gather [hbm4b:s4+s23], $0x80, s13, s23, $0xb8;
	[tilespmem:$0x1F000] =	vst v63  }
0x159: {  	s13 =	simm.s32 $0xD00  }
0x15a: {  	[spmem:s2] =	stream.indirect.scatter.add.f32 [tilespmem:s24], [sflag:$0x3], $0x80, s13, s23, $0xb8;
	[tilespmem:$0x1F000] =	vst v63  }
0x15b: {  	_ =	swait.ge [sflag:s28], $0x4000  }
0x15c: {  	[sflag:s28] =	ssyncset.done $0x0  }
0x15d: {  	[sflag:s28] =	ssyncadd.s32 $0xFFFFC000  }
0x15e: {  	_ =	swait.ge [sflag:s29], $0x4000  }
0x15f: {  	[sflag:s29] =	ssyncset.done $0x0  }
0x160: {  	s13 =	simm.s32 $0x600;
	[sflag:s29] =	ssyncadd.s32 $0xFFFFC000  }
0x161: {  	[tilespmem:s24], [sflag:$0x1] =	stream.indirect.gather [hbm4b:s4+s23], $0x80, s13, s23, $0xb8;
	[tilespmem:$0x1F000] =	vst v63  }
0x162: {  	s13 =	simm.s32 $0xD80  }
0x163: {  	[spmem:s2] =	stream.indirect.scatter.add.f32 [tilespmem:s26], [sflag:$0x4], $0x80, s13, s23, $0xb8;
	[tilespmem:$0x1F000] =	vst v63  }
0x164: {  	_ =	swait.ge [sflag:s25], $0x4000  }
0x165: {  	[sflag:s25] =	ssyncset.done $0x0  }
0x166: {  	[sflag:s25] =	ssyncadd.s32 $0xFFFFC000  }
0x167: {  	_ =	swait.ge [sflag:s0], $0x4000  }
0x168: {  	[sflag:s0] =	ssyncset.done $0x0  }
0x169: {  	s13 =	simm.s32 $0x680;
	[sflag:s0] =	ssyncadd.s32 $0xFFFFC000  }
0x16a: {  	[tilespmem:s26], [sflag:$0x2] =	stream.indirect.gather [hbm4b:s4+s23], $0x80, s13, s23, $0xb8;
	[tilespmem:$0x1F000] =	vst v63  }
0x16b: {  	s13 =	simm.s32 $0xE00  }
0x16c: {  	[spmem:s2] =	stream.indirect.scatter.add.f32 [tilespmem:s24], [sflag:$0x3], $0x80, s13, s23, $0xb8;
	[tilespmem:$0x1F000] =	vst v63  }
0x16d: {  	_ =	swait.ge [sflag:s28], $0x4000  }
0x16e: {  	[sflag:s28] =	ssyncset.done $0x0  }
0x16f: {  	[sflag:s28] =	ssyncadd.s32 $0xFFFFC000  }
0x170: {  	_ =	swait.ge [sflag:s29], $0x4000  }
0x171: {  	[sflag:s29] =	ssyncset.done $0x0  }
0x172: {  	s13 =	simm.s32 $0x700;
	[sflag:s29] =	ssyncadd.s32 $0xFFFFC000  }
0x173: {  	[tilespmem:s24], [sflag:$0x1] =	stream.indirect.gather [hbm4b:s4+s23], $0x80, s13, s23, $0xb8;
	[tilespmem:$0x1F000] =	vst v63  }
0x174: {  	s13 =	simm.s32 $0xE80  }
0x175: {  	[spmem:s2] =	stream.indirect.scatter.add.f32 [tilespmem:s26], [sflag:$0x4], $0x80, s13, s23, $0xb8;
	[tilespmem:$0x1F000] =	vst v63  }
0x176: {  	_ =	swait.ge [sflag:s25], $0x4000  }
0x177: {  	[sflag:s25] =	ssyncset.done $0x0  }
0x178: {  	[sflag:s25] =	ssyncadd.s32 $0xFFFFC000  }
0x179: {  	_ =	swait.ge [sflag:s0], $0x4000  }
0x17a: {  	[sflag:s0] =	ssyncset.done $0x0  }
0x17b: {  	s13 =	simm.s32 $0x780;
	[sflag:s0] =	ssyncadd.s32 $0xFFFFC000  }
0x17c: {  	[tilespmem:s26], [sflag:$0x2] =	stream.indirect.gather [hbm4b:s4+s23], $0x80, s13, s23, $0xb8;
	[tilespmem:$0x1F000] =	vst v63  }
0x17d: {  	s13 =	simm.s32 $0xF00  }
0x17e: {  	[spmem:s2] =	stream.indirect.scatter.add.f32 [tilespmem:s24], [sflag:$0x3], $0x80, s13, s23, $0xb8;
	[tilespmem:$0x1F000] =	vst v63  }
0x17f: {  	_ =	swait.ge [sflag:s28], $0x4000  }
0x180: {  	[sflag:s28] =	ssyncset.done $0x0  }
0x181: {  	s13 =	simm.s32 $0xF80;
	[sflag:s28] =	ssyncadd.s32 $0xFFFFC000  }
0x182: {  	[spmem:s2] =	stream.indirect.scatter.add.f32 [tilespmem:s26], [sflag:$0x4], $0x80, s13, s23, $0xb8;
	[tilespmem:$0x1F000] =	vst v63  }
.Ltmp1:
0x183: {  	_ =	swait.ge [sflag:s29], $0x4000;
	(pc) =	sbr.rel @p0 .LBB2_4-.Ltmp1, $4  }
0x184: {  	[sflag:s29] =	ssyncset.done $0x0  }
0x185: {  	[sflag:s29] =	ssyncadd.s32 $0xFFFFC000  }
0x186: {  	_ =	swait.ge [sflag:s0], $0x4000  }
0x187: {  	s13 =	smov.u32 s12;
	[sflag:s0] =	ssyncset.done $0x0  }
0x188: {  	s5 =	sadd.s32 s11, s5;
	[sflag:s0] =	ssyncadd.s32 $0xFFFFC000  }
0x189: {  	[tilespmem:s3], [sflag:$0x5] =	stream.linear.gather [hbm4b:s5+s3], $0x800, $0x38;
	[tilespmem:$0x1F000] =	vst v63  }
0x18a: {  	_ =	swait.ge [sflag:s21], $0x800  }
0x18b: {  	[sflag:s21] =	ssyncset.done $0x0  }
0x18c: {  	s1 =	sadd.s32 s11, s19;
	[sflag:s21] =	ssyncadd.s32 $0xFFFFF800  }
0x18d: {  	[tilespmem:s30], [sflag:$0x5] =	stream.linear.gather [hbm4b:s1+s3], $0x800, $0x38;
	[tilespmem:$0x1F000] =	vst v63  }
0x18e: {  	_ =	swait.ge [sflag:s21], $0x800  }
0x18f: {  	[sflag:s21] =	ssyncset.done $0x0  }
0x190: {  	[sflag:s21] =	ssyncadd.s32 $0xFFFFF800  }
0x191: {  	[tilespmem:s24], [sflag:$0x1] =	stream.indirect.gather [hbm4b:s4+s23], $0x80, s3, s23, $0xb8;
	[tilespmem:$0x1F000] =	vst v63  }
0x192: {  	_ =	swait.ge [sflag:s25], $0x4000  }
0x193: {  	[sflag:s25] =	ssyncset.done $0x0  }
0x194: {  	[sflag:s25] =	ssyncadd.s32 $0xFFFFC000  }
0x195: {  	[tilespmem:s26], [sflag:$0x2] =	stream.indirect.gather [hbm4b:s4+s23], $0x80, s23, s23, $0xb8;
	[tilespmem:$0x1F000] =	vst v63  }
0x196: {  	_ = 	snop  }
0x197: {  	[spmem:s2] =	stream.indirect.scatter.add.f32 [tilespmem:s24], [sflag:$0x3], $0x80, s30, s23, $0xb8;
	[tilespmem:$0x1F000] =	vst v63  }
0x198: {  	_ =	swait.ge [sflag:s28], $0x4000  }
0x199: {  	[sflag:s28] =	ssyncset.done $0x0  }
0x19a: {  	[sflag:s28] =	ssyncadd.s32 $0xFFFFC000  }
0x19b: {  	_ =	swait.ge [sflag:s29], $0x4000  }
0x19c: {  	[sflag:s29] =	ssyncset.done $0x0  }
0x19d: {  	s1 =	simm.s32 $0x100;
	[sflag:s29] =	ssyncadd.s32 $0xFFFFC000  }
0x19e: {  	[tilespmem:s24], [sflag:$0x1] =	stream.indirect.gather [hbm4b:s4+s23], $0x80, s1, s23, $0xb8;
	[tilespmem:$0x1F000] =	vst v63  }
0x19f: {  	s5 =	simm.s32 $0x880  }
0x1a0: {  	[spmem:s2] =	stream.indirect.scatter.add.f32 [tilespmem:s26], [sflag:$0x4], $0x80, s5, s23, $0xb8;
	[tilespmem:$0x1F000] =	vst v63  }
0x1a1: {  	_ =	swait.ge [sflag:s25], $0x4000  }
0x1a2: {  	[sflag:s25] =	ssyncset.done $0x0  }
0x1a3: {  	[sflag:s25] =	ssyncadd.s32 $0xFFFFC000  }
0x1a4: {  	_ =	swait.ge [sflag:s0], $0x4000  }
0x1a5: {  	[sflag:s0] =	ssyncset.done $0x0  }
0x1a6: {  	s6 =	simm.s32 $0x180;
	[sflag:s0] =	ssyncadd.s32 $0xFFFFC000  }
0x1a7: {  	[tilespmem:s26], [sflag:$0x2] =	stream.indirect.gather [hbm4b:s4+s23], $0x80, s6, s23, $0xb8;
	[tilespmem:$0x1F000] =	vst v63  }
0x1a8: {  	s7 =	simm.s32 $0x900  }
0x1a9: {  	[spmem:s2] =	stream.indirect.scatter.add.f32 [tilespmem:s24], [sflag:$0x3], $0x80, s7, s23, $0xb8;
	[tilespmem:$0x1F000] =	vst v63  }
0x1aa: {  	_ =	swait.ge [sflag:s28], $0x4000  }
0x1ab: {  	[sflag:s28] =	ssyncset.done $0x0  }
0x1ac: {  	[sflag:s28] =	ssyncadd.s32 $0xFFFFC000  }
0x1ad: {  	_ =	swait.ge [sflag:s29], $0x4000  }
0x1ae: {  	[sflag:s29] =	ssyncset.done $0x0  }
0x1af: {  	s22 =	simm.s32 $0x200;
	[sflag:s29] =	ssyncadd.s32 $0xFFFFC000  }
0x1b0: {  	[tilespmem:s24], [sflag:$0x1] =	stream.indirect.gather [hbm4b:s4+s23], $0x80, s22, s23, $0xb8;
	[tilespmem:$0x1F000] =	vst v63  }
0x1b1: {  	s31 =	simm.s32 $0x980  }
0x1b2: {  	[spmem:s2] =	stream.indirect.scatter.add.f32 [tilespmem:s26], [sflag:$0x4], $0x80, s31, s23, $0xb8;
	[tilespmem:$0x1F000] =	vst v63  }
0x1b3: {  	_ =	swait.ge [sflag:s25], $0x4000  }
0x1b4: {  	[sflag:s25] =	ssyncset.done $0x0  }
0x1b5: {  	[sflag:s25] =	ssyncadd.s32 $0xFFFFC000  }
0x1b6: {  	_ =	swait.ge [sflag:s0], $0x4000  }
0x1b7: {  	[sflag:s0] =	ssyncset.done $0x0  }
0x1b8: {  	s8 =	simm.s32 $0x280;
	[sflag:s0] =	ssyncadd.s32 $0xFFFFC000  }
0x1b9: {  	[tilespmem:s26], [sflag:$0x2] =	stream.indirect.gather [hbm4b:s4+s23], $0x80, s8, s23, $0xb8;
	[tilespmem:$0x1F000] =	vst v63  }
0x1ba: {  	s20 =	simm.s32 $0xA00  }
0x1bb: {  	[spmem:s2] =	stream.indirect.scatter.add.f32 [tilespmem:s24], [sflag:$0x3], $0x80, s20, s23, $0xb8;
	[tilespmem:$0x1F000] =	vst v63  }
0x1bc: {  	_ =	swait.ge [sflag:s28], $0x4000  }
0x1bd: {  	[sflag:s28] =	ssyncset.done $0x0  }
0x1be: {  	[sflag:s28] =	ssyncadd.s32 $0xFFFFC000  }
0x1bf: {  	_ =	swait.ge [sflag:s29], $0x4000  }
0x1c0: {  	[sflag:s29] =	ssyncset.done $0x0  }
0x1c1: {  	s18 =	simm.s32 $0x300;
	[sflag:s29] =	ssyncadd.s32 $0xFFFFC000  }
0x1c2: {  	[tilespmem:s24], [sflag:$0x1] =	stream.indirect.gather [hbm4b:s4+s23], $0x80, s18, s23, $0xb8;
	[tilespmem:$0x1F000] =	vst v63  }
0x1c3: {  	s17 =	simm.s32 $0xA80  }
0x1c4: {  	[spmem:s2] =	stream.indirect.scatter.add.f32 [tilespmem:s26], [sflag:$0x4], $0x80, s17, s23, $0xb8;
	[tilespmem:$0x1F000] =	vst v63  }
0x1c5: {  	_ =	swait.ge [sflag:s25], $0x4000  }
0x1c6: {  	[sflag:s25] =	ssyncset.done $0x0  }
0x1c7: {  	[sflag:s25] =	ssyncadd.s32 $0xFFFFC000  }
0x1c8: {  	_ =	swait.ge [sflag:s0], $0x4000  }
0x1c9: {  	[sflag:s0] =	ssyncset.done $0x0  }
0x1ca: {  	s16 =	simm.s32 $0x380;
	[sflag:s0] =	ssyncadd.s32 $0xFFFFC000  }
0x1cb: {  	[tilespmem:s26], [sflag:$0x2] =	stream.indirect.gather [hbm4b:s4+s23], $0x80, s16, s23, $0xb8;
	[tilespmem:$0x1F000] =	vst v63  }
0x1cc: {  	s15 =	simm.s32 $0xB00  }
0x1cd: {  	[spmem:s2] =	stream.indirect.scatter.add.f32 [tilespmem:s24], [sflag:$0x3], $0x80, s15, s23, $0xb8;
	[tilespmem:$0x1F000] =	vst v63  }
0x1ce: {  	_ =	swait.ge [sflag:s28], $0x4000  }
0x1cf: {  	[sflag:s28] =	ssyncset.done $0x0  }
0x1d0: {  	[sflag:s28] =	ssyncadd.s32 $0xFFFFC000  }
0x1d1: {  	_ =	swait.ge [sflag:s29], $0x4000  }
0x1d2: {  	[sflag:s29] =	ssyncset.done $0x0  }
0x1d3: {  	s9 =	simm.s32 $0x400;
	[sflag:s29] =	ssyncadd.s32 $0xFFFFC000  }
0x1d4: {  	[tilespmem:s24], [sflag:$0x1] =	stream.indirect.gather [hbm4b:s4+s23], $0x80, s9, s23, $0xb8;
	[tilespmem:$0x1F000] =	vst v63  }
0x1d5: {  	s13 =	simm.s32 $0xB80  }
0x1d6: {  	[spmem:s2] =	stream.indirect.scatter.add.f32 [tilespmem:s26], [sflag:$0x4], $0x80, s13, s23, $0xb8;
	[tilespmem:$0x1F000] =	vst v63  }
0x1d7: {  	_ =	swait.ge [sflag:s25], $0x4000  }
0x1d8: {  	[sflag:s25] =	ssyncset.done $0x0  }
0x1d9: {  	[sflag:s25] =	ssyncadd.s32 $0xFFFFC000  }
0x1da: {  	_ =	swait.ge [sflag:s0], $0x4000  }
0x1db: {  	[sflag:s0] =	ssyncset.done $0x0  }
0x1dc: {  	[sflag:s0] =	ssyncadd.s32 $0xFFFFC000  }
0x1dd: {  	[tilespmem:s26], [sflag:$0x2] =	stream.indirect.gather [hbm4b:s4+s23], $0x80, s14, s23, $0xb8;
	[tilespmem:$0x1F000] =	vst v63  }
0x1de: {  	s10 =	simm.s32 $0xC00  }
0x1df: {  	[spmem:s2] =	stream.indirect.scatter.add.f32 [tilespmem:s24], [sflag:$0x3], $0x80, s10, s23, $0xb8;
	[tilespmem:$0x1F000] =	vst v63  }
0x1e0: {  	_ =	swait.ge [sflag:s28], $0x4000  }
0x1e1: {  	[sflag:s28] =	ssyncset.done $0x0  }
0x1e2: {  	[sflag:s28] =	ssyncadd.s32 $0xFFFFC000  }
0x1e3: {  	_ =	swait.ge [sflag:s29], $0x4000  }
0x1e4: {  	[sflag:s29] =	ssyncset.done $0x0  }
0x1e5: {  	s10 =	simm.s32 $0x500;
	[sflag:s29] =	ssyncadd.s32 $0xFFFFC000  }
0x1e6: {  	[tilespmem:s24], [sflag:$0x1] =	stream.indirect.gather [hbm4b:s4+s23], $0x80, s10, s23, $0xb8;
	[tilespmem:$0x1F000] =	vst v63  }
0x1e7: {  	s9 =	simm.s32 $0xC80  }
0x1e8: {  	[spmem:s2] =	stream.indirect.scatter.add.f32 [tilespmem:s26], [sflag:$0x4], $0x80, s9, s23, $0xb8;
	[tilespmem:$0x1F000] =	vst v63  }
0x1e9: {  	_ =	swait.ge [sflag:s25], $0x4000  }
0x1ea: {  	[sflag:s25] =	ssyncset.done $0x0  }
0x1eb: {  	[sflag:s25] =	ssyncadd.s32 $0xFFFFC000  }
0x1ec: {  	_ =	swait.ge [sflag:s0], $0x4000  }
0x1ed: {  	[sflag:s0] =	ssyncset.done $0x0  }
0x1ee: {  	s8 =	simm.s32 $0x580;
	[sflag:s0] =	ssyncadd.s32 $0xFFFFC000  }
0x1ef: {  	[tilespmem:s26], [sflag:$0x2] =	stream.indirect.gather [hbm4b:s4+s23], $0x80, s8, s23, $0xb8;
	[tilespmem:$0x1F000] =	vst v63  }
0x1f0: {  	s7 =	simm.s32 $0xD00  }
0x1f1: {  	[spmem:s2] =	stream.indirect.scatter.add.f32 [tilespmem:s24], [sflag:$0x3], $0x80, s7, s23, $0xb8;
	[tilespmem:$0x1F000] =	vst v63  }
0x1f2: {  	_ =	swait.ge [sflag:s28], $0x4000  }
0x1f3: {  	[sflag:s28] =	ssyncset.done $0x0  }
0x1f4: {  	[sflag:s28] =	ssyncadd.s32 $0xFFFFC000  }
0x1f5: {  	_ =	swait.ge [sflag:s29], $0x4000  }
0x1f6: {  	[sflag:s29] =	ssyncset.done $0x0  }
0x1f7: {  	s6 =	simm.s32 $0x600;
	[sflag:s29] =	ssyncadd.s32 $0xFFFFC000  }
0x1f8: {  	[tilespmem:s24], [sflag:$0x1] =	stream.indirect.gather [hbm4b:s4+s23], $0x80, s6, s23, $0xb8;
	[tilespmem:$0x1F000] =	vst v63  }
0x1f9: {  	s12 =	simm.s32 $0xD80  }
0x1fa: {  	[spmem:s2] =	stream.indirect.scatter.add.f32 [tilespmem:s26], [sflag:$0x4], $0x80, s12, s23, $0xb8;
	[tilespmem:$0x1F000] =	vst v63  }
0x1fb: {  	_ =	swait.ge [sflag:s25], $0x4000  }
0x1fc: {  	[sflag:s25] =	ssyncset.done $0x0  }
0x1fd: {  	[sflag:s25] =	ssyncadd.s32 $0xFFFFC000  }
0x1fe: {  	_ =	swait.ge [sflag:s0], $0x4000  }
0x1ff: {  	[sflag:s0] =	ssyncset.done $0x0  }
0x200: {  	s11 =	simm.s32 $0x680;
	[sflag:s0] =	ssyncadd.s32 $0xFFFFC000  }
0x201: {  	[tilespmem:s26], [sflag:$0x2] =	stream.indirect.gather [hbm4b:s4+s23], $0x80, s11, s23, $0xb8;
	[tilespmem:$0x1F000] =	vst v63  }
0x202: {  	s14 =	simm.s32 $0xE00  }
0x203: {  	[spmem:s2] =	stream.indirect.scatter.add.f32 [tilespmem:s24], [sflag:$0x3], $0x80, s14, s23, $0xb8;
	[tilespmem:$0x1F000] =	vst v63  }
0x204: {  	_ =	swait.ge [sflag:s28], $0x4000  }
0x205: {  	[sflag:s28] =	ssyncset.done $0x0  }
0x206: {  	[sflag:s28] =	ssyncadd.s32 $0xFFFFC000  }
0x207: {  	_ =	swait.ge [sflag:s29], $0x4000  }
0x208: {  	[sflag:s29] =	ssyncset.done $0x0  }
0x209: {  	s5 =	simm.s32 $0x700;
	[sflag:s29] =	ssyncadd.s32 $0xFFFFC000  }
0x20a: {  	[tilespmem:s24], [sflag:$0x1] =	stream.indirect.gather [hbm4b:s4+s23], $0x80, s5, s23, $0xb8;
	[tilespmem:$0x1F000] =	vst v63  }
0x20b: {  	s11 =	simm.s32 $0xE80  }
0x20c: {  	[spmem:s2] =	stream.indirect.scatter.add.f32 [tilespmem:s26], [sflag:$0x4], $0x80, s11, s23, $0xb8;
	[tilespmem:$0x1F000] =	vst v63  }
0x20d: {  	_ =	swait.ge [sflag:s25], $0x4000  }
0x20e: {  	[sflag:s25] =	ssyncset.done $0x0  }
0x20f: {  	[sflag:s25] =	ssyncadd.s32 $0xFFFFC000  }
0x210: {  	_ =	swait.ge [sflag:s0], $0x4000  }
0x211: {  	[sflag:s0] =	ssyncset.done $0x0  }
0x212: {  	s14 =	simm.s32 $0x780;
	[sflag:s0] =	ssyncadd.s32 $0xFFFFC000  }
0x213: {  	[tilespmem:s26], [sflag:$0x2] =	stream.indirect.gather [hbm4b:s4+s23], $0x80, s14, s23, $0xb8;
	[tilespmem:$0x1F000] =	vst v63  }
0x214: {  	s5 =	simm.s32 $0xF00  }
0x215: {  	[spmem:s2] =	stream.indirect.scatter.add.f32 [tilespmem:s24], [sflag:$0x3], $0x80, s5, s23, $0xb8;
	[tilespmem:$0x1F000] =	vst v63  }
0x216: {  	_ =	swait.ge [sflag:s28], $0x4000  }
0x217: {  	[sflag:s28] =	ssyncset.done $0x0  }
0x218: {  	s11 =	simm.s32 $0xF80;
	[sflag:s28] =	ssyncadd.s32 $0xFFFFC000  }
0x219: {  	[spmem:s2] =	stream.indirect.scatter.add.f32 [tilespmem:s26], [sflag:$0x4], $0x80, s11, s23, $0xb8;
	[tilespmem:$0x1F000] =	vst v63  }
0x21a: {  	_ =	swait.ge [sflag:s29], $0x4000  }
0x21b: {  	[sflag:s29] =	ssyncset.done $0x0  }
0x21c: {  	[sflag:s29] =	ssyncadd.s32 $0xFFFFC000  }
0x21d: {  	_ =	swait.ge [sflag:s0], $0x4000  }
0x21e: {  	[sflag:s0] =	ssyncset.done $0x0  }
0x21f: {  	[sflag:s0] =	ssyncadd.s32 $0xFFFFC000  }
0x220: {  	s14 =	stileid.u32;
	[bflag:$0x0] =	sbarrier.arrive $0xFFFF  }
0x221: {  	s5 =	sshll.u32 s14, $0x6;
	s14 =	rddreg [dreg:$0x6]  }
0x222: {  	s11 =	sor.u32 $0x1C05, s5;
	s5 =	rddreg [dreg:$0x10]  }
0x223: {  	[dreg:$0x14] =	wrdreg s11;
	s1 =	sshrl.u32 s14, $0x3  }
0x224: {  	[dreg:$0x15] =	wrdreg s1  }
0x225: {  	[hbm:s5], [sflag:s11] =	dma.local [spmem:s1], $0x2800  }
0x226: {  	_ =	swait.ge [sflag:s21], $0x2800  }
0x227: {  	[sflag:s21] =	ssyncset.done $0x0  }
0x228: {  	[sflag:s21] =	ssyncadd.s32 $0xFFFFD800  }
0x229: {  	s11 =	simm.s32 $0x9000;
	[bflag:$0x0] =	sbarrier.arrive $0xFFFF  }
0x22a: {  	[spmem:s14] =	stream.linear.scatter [tilespmem:s11], [sflag:$0x5], $0x2000, $0x38;
	[tilespmem:$0x1F000] =	vst v63  }
0x22b: {  	_ =	swait.ge [sflag:s21], $0x2000  }
0x22c: {  	[sflag:s21] =	ssyncset.done $0x0  }
0x22d: {  	s1 =	rddreg [dreg:$0x7];
	[sflag:s21] =	ssyncadd.s32 $0xFFFFE000  }
0x22e: {  	[spmem:s1] =	stream.linear.scatter [tilespmem:s11], [sflag:$0x5], $0x2000, $0x38;
	[tilespmem:$0x1F000] =	vst v63  }
0x22f: {  	_ =	swait.ge [sflag:s21], $0x2000  }
0x230: {  	[sflag:s21] =	ssyncset.done $0x0  }
0x231: {  	s14 =	rddreg [dreg:$0x8];
	[sflag:s21] =	ssyncadd.s32 $0xFFFFE000  }
0x232: {  	[spmem:s14] =	stream.linear.scatter [tilespmem:s11], [sflag:$0x5], $0x2000, $0x38;
	[tilespmem:$0x1F000] =	vst v63  }
0x233: {  	_ =	swait.ge [sflag:s21], $0x2000  }
0x234: {  	[sflag:s21] =	ssyncset.done $0x0  }
0x235: {  	s1 =	rddreg [dreg:$0x9];
	[sflag:s21] =	ssyncadd.s32 $0xFFFFE000  }
0x236: {  	[spmem:s1] =	stream.linear.scatter [tilespmem:s11], [sflag:$0x5], $0x2000, $0x38;
	[tilespmem:$0x1F000] =	vst v63  }
0x237: {  	_ =	swait.ge [sflag:s21], $0x2000  }
0x238: {  	[sflag:s21] =	ssyncset.done $0x0  }
0x239: {  	s14 =	rddreg [dreg:$0xa];
	[sflag:s21] =	ssyncadd.s32 $0xFFFFE000  }
0x23a: {  	[spmem:s14] =	stream.linear.scatter [tilespmem:s11], [sflag:$0x5], $0x2000, $0x38;
	[tilespmem:$0x1F000] =	vst v63  }
0x23b: {  	_ =	swait.ge [sflag:s21], $0x2000  }
0x23c: {  	[sflag:s21] =	ssyncset.done $0x0  }
0x23d: {  	s1 =	rddreg [dreg:$0xb];
	[sflag:s21] =	ssyncadd.s32 $0xFFFFE000  }
0x23e: {  	[spmem:s1] =	stream.linear.scatter [tilespmem:s11], [sflag:$0x5], $0x2000, $0x38;
	[tilespmem:$0x1F000] =	vst v63  }
0x23f: {  	_ =	swait.ge [sflag:s21], $0x2000  }
0x240: {  	[sflag:s21] =	ssyncset.done $0x0  }
0x241: {  	s14 =	rddreg [dreg:$0xc];
	[sflag:s21] =	ssyncadd.s32 $0xFFFFE000  }
0x242: {  	[spmem:s14] =	stream.linear.scatter [tilespmem:s11], [sflag:$0x5], $0x2000, $0x38;
	[tilespmem:$0x1F000] =	vst v63  }
0x243: {  	_ =	swait.ge [sflag:s21], $0x2000  }
0x244: {  	[sflag:s21] =	ssyncset.done $0x0  }
0x245: {  	s1 =	rddreg [dreg:$0xd];
	[sflag:s21] =	ssyncadd.s32 $0xFFFFE000  }
0x246: {  	[spmem:s1] =	stream.linear.scatter [tilespmem:s11], [sflag:$0x5], $0x2000, $0x38;
	[tilespmem:$0x1F000] =	vst v63  }
0x247: {  	_ =	swait.ge [sflag:s21], $0x2000  }
0x248: {  	[sflag:s21] =	ssyncset.done $0x0  }
0x249: {  	s14 =	rddreg [dreg:$0xe];
	[sflag:s21] =	ssyncadd.s32 $0xFFFFE000  }
0x24a: {  	[spmem:s14] =	stream.linear.scatter [tilespmem:s11], [sflag:$0x5], $0x2000, $0x38;
	[tilespmem:$0x1F000] =	vst v63  }
0x24b: {  	_ =	swait.ge [sflag:s21], $0x2000  }
0x24c: {  	[sflag:s21] =	ssyncset.done $0x0  }
0x24d: {  	s1 =	rddreg [dreg:$0xf];
	[sflag:s21] =	ssyncadd.s32 $0xFFFFE000  }
0x24e: {  	[spmem:s1] =	stream.linear.scatter [tilespmem:s11], [sflag:$0x5], $0x2000, $0x38;
	[tilespmem:$0x1F000] =	vst v63  }
0x24f: {  	_ =	swait.ge [sflag:s21], $0x2000  }
0x250: {  	[sflag:s21] =	ssyncset.done $0x0  }
0x251: {  	[sflag:s21] =	ssyncadd.s32 $0xFFFFE000  }
0x252: {  	[bflag:$0x0] =	sbarrier.arrive $0xFFFF  }
0x253: {  	s14 =	rddreg [dreg:$0x4]  }
0x254: {  	s5 =	sadd.s32 $0x0, s14  }
0x255: {  	[tilespmem:s3], [sflag:$0x5] =	stream.linear.gather [hbm4b:s5+s3], $0x800, $0x38;
	[tilespmem:$0x1F000] =	vst v63  }
0x256: {  	_ =	swait.ge [sflag:s21], $0x800  }
0x257: {  	[sflag:s21] =	ssyncset.done $0x0  }
0x258: {  	s1 =	sadd.s32 $0x0, s19;
	[sflag:s21] =	ssyncadd.s32 $0xFFFFF800  }
0x259: {  	[tilespmem:s30], [sflag:$0x5] =	stream.linear.gather [hbm4b:s1+s3], $0x800, $0x38;
	[tilespmem:$0x1F000] =	vst v63  }
0x25a: {  	_ =	swait.ge [sflag:s21], $0x800  }
0x25b: {  	[sflag:s21] =	ssyncset.done $0x0  }
0x25c: {  	[sflag:s21] =	ssyncadd.s32 $0xFFFFF800  }
0x25d: {  	[tilespmem:s24], [sflag:$0x1] =	stream.indirect.gather [hbm4b:s4+s23], $0x80, s3, s23, $0xb8;
	[tilespmem:$0x1F000] =	vst v63  }
0x25e: {  	_ =	swait.ge [sflag:s25], $0x4000  }
0x25f: {  	[sflag:s25] =	ssyncset.done $0x0  }
0x260: {  	[sflag:s25] =	ssyncadd.s32 $0xFFFFC000  }
0x261: {  	[tilespmem:s26], [sflag:$0x2] =	stream.indirect.gather [hbm4b:s4+s23], $0x80, s23, s23, $0xb8;
	[tilespmem:$0x1F000] =	vst v63  }
0x262: {  	_ = 	snop  }
0x263: {  	[spmem:s2] =	stream.indirect.scatter.add.f32 [tilespmem:s24], [sflag:$0x3], $0x80, s30, s23, $0xb8;
	[tilespmem:$0x1F000] =	vst v63  }
0x264: {  	_ =	swait.ge [sflag:s28], $0x4000  }
0x265: {  	[sflag:s28] =	ssyncset.done $0x0  }
0x266: {  	[sflag:s28] =	ssyncadd.s32 $0xFFFFC000  }
0x267: {  	_ =	swait.ge [sflag:s29], $0x4000  }
0x268: {  	[sflag:s29] =	ssyncset.done $0x0  }
0x269: {  	s5 =	simm.s32 $0x100;
	[sflag:s29] =	ssyncadd.s32 $0xFFFFC000  }
0x26a: {  	[tilespmem:s24], [sflag:$0x1] =	stream.indirect.gather [hbm4b:s4+s23], $0x80, s5, s23, $0xb8;
	[tilespmem:$0x1F000] =	vst v63  }
0x26b: {  	s11 =	simm.s32 $0x880  }
0x26c: {  	[spmem:s2] =	stream.indirect.scatter.add.f32 [tilespmem:s26], [sflag:$0x4], $0x80, s11, s23, $0xb8;
	[tilespmem:$0x1F000] =	vst v63  }
0x26d: {  	_ =	swait.ge [sflag:s25], $0x4000  }
0x26e: {  	[sflag:s25] =	ssyncset.done $0x0  }
0x26f: {  	[sflag:s25] =	ssyncadd.s32 $0xFFFFC000  }
0x270: {  	_ =	swait.ge [sflag:s0], $0x4000  }
0x271: {  	[sflag:s0] =	ssyncset.done $0x0  }
0x272: {  	s14 =	simm.s32 $0x180;
	[sflag:s0] =	ssyncadd.s32 $0xFFFFC000  }
0x273: {  	[tilespmem:s26], [sflag:$0x2] =	stream.indirect.gather [hbm4b:s4+s23], $0x80, s14, s23, $0xb8;
	[tilespmem:$0x1F000] =	vst v63  }
0x274: {  	s5 =	simm.s32 $0x900  }
0x275: {  	[spmem:s2] =	stream.indirect.scatter.add.f32 [tilespmem:s24], [sflag:$0x3], $0x80, s5, s23, $0xb8;
	[tilespmem:$0x1F000] =	vst v63  }
0x276: {  	_ =	swait.ge [sflag:s28], $0x4000  }
0x277: {  	[sflag:s28] =	ssyncset.done $0x0  }
0x278: {  	[sflag:s28] =	ssyncadd.s32 $0xFFFFC000  }
0x279: {  	_ =	swait.ge [sflag:s29], $0x4000  }
0x27a: {  	[sflag:s29] =	ssyncset.done $0x0  }
0x27b: {  	[sflag:s29] =	ssyncadd.s32 $0xFFFFC000  }
0x27c: {  	[tilespmem:s24], [sflag:$0x1] =	stream.indirect.gather [hbm4b:s4+s23], $0x80, s22, s23, $0xb8;
	[tilespmem:$0x1F000] =	vst v63  }
0x27d: {  	_ = 	snop  }
0x27e: {  	[spmem:s2] =	stream.indirect.scatter.add.f32 [tilespmem:s26], [sflag:$0x4], $0x80, s31, s23, $0xb8;
	[tilespmem:$0x1F000] =	vst v63  }
0x27f: {  	_ =	swait.ge [sflag:s25], $0x4000  }
0x280: {  	[sflag:s25] =	ssyncset.done $0x0  }
0x281: {  	[sflag:s25] =	ssyncadd.s32 $0xFFFFC000  }
0x282: {  	_ =	swait.ge [sflag:s0], $0x4000  }
0x283: {  	[sflag:s0] =	ssyncset.done $0x0  }
0x284: {  	s11 =	simm.s32 $0x280;
	[sflag:s0] =	ssyncadd.s32 $0xFFFFC000  }
0x285: {  	[tilespmem:s26], [sflag:$0x2] =	stream.indirect.gather [hbm4b:s4+s23], $0x80, s11, s23, $0xb8;
	[tilespmem:$0x1F000] =	vst v63  }
0x286: {  	_ = 	snop  }
0x287: {  	[spmem:s2] =	stream.indirect.scatter.add.f32 [tilespmem:s24], [sflag:$0x3], $0x80, s20, s23, $0xb8;
	[tilespmem:$0x1F000] =	vst v63  }
0x288: {  	_ =	swait.ge [sflag:s28], $0x4000  }
0x289: {  	[sflag:s28] =	ssyncset.done $0x0  }
0x28a: {  	[sflag:s28] =	ssyncadd.s32 $0xFFFFC000  }
0x28b: {  	_ =	swait.ge [sflag:s29], $0x4000  }
0x28c: {  	[sflag:s29] =	ssyncset.done $0x0  }
0x28d: {  	[sflag:s29] =	ssyncadd.s32 $0xFFFFC000  }
0x28e: {  	[tilespmem:s24], [sflag:$0x1] =	stream.indirect.gather [hbm4b:s4+s23], $0x80, s18, s23, $0xb8;
	[tilespmem:$0x1F000] =	vst v63  }
0x28f: {  	_ = 	snop  }
0x290: {  	[spmem:s2] =	stream.indirect.scatter.add.f32 [tilespmem:s26], [sflag:$0x4], $0x80, s17, s23, $0xb8;
	[tilespmem:$0x1F000] =	vst v63  }
0x291: {  	_ =	swait.ge [sflag:s25], $0x4000  }
0x292: {  	[sflag:s25] =	ssyncset.done $0x0  }
0x293: {  	[sflag:s25] =	ssyncadd.s32 $0xFFFFC000  }
0x294: {  	_ =	swait.ge [sflag:s0], $0x4000  }
0x295: {  	[sflag:s0] =	ssyncset.done $0x0  }
0x296: {  	[sflag:s0] =	ssyncadd.s32 $0xFFFFC000  }
0x297: {  	[tilespmem:s26], [sflag:$0x2] =	stream.indirect.gather [hbm4b:s4+s23], $0x80, s16, s23, $0xb8;
	[tilespmem:$0x1F000] =	vst v63  }
0x298: {  	_ = 	snop  }
0x299: {  	[spmem:s2] =	stream.indirect.scatter.add.f32 [tilespmem:s24], [sflag:$0x3], $0x80, s15, s23, $0xb8;
	[tilespmem:$0x1F000] =	vst v63  }
0x29a: {  	_ =	swait.ge [sflag:s28], $0x4000  }
0x29b: {  	[sflag:s28] =	ssyncset.done $0x0  }
0x29c: {  	[sflag:s28] =	ssyncadd.s32 $0xFFFFC000  }
0x29d: {  	_ =	swait.ge [sflag:s29], $0x4000  }
0x29e: {  	[sflag:s29] =	ssyncset.done $0x0  }
0x29f: {  	s14 =	simm.s32 $0x400;
	[sflag:s29] =	ssyncadd.s32 $0xFFFFC000  }
0x2a0: {  	[tilespmem:s24], [sflag:$0x1] =	stream.indirect.gather [hbm4b:s4+s23], $0x80, s14, s23, $0xb8;
	[tilespmem:$0x1F000] =	vst v63  }
0x2a1: {  	_ = 	snop  }
0x2a2: {  	[spmem:s2] =	stream.indirect.scatter.add.f32 [tilespmem:s26], [sflag:$0x4], $0x80, s13, s23, $0xb8;
	[tilespmem:$0x1F000] =	vst v63  }
0x2a3: {  	_ =	swait.ge [sflag:s25], $0x4000  }
0x2a4: {  	[sflag:s25] =	ssyncset.done $0x0  }
0x2a5: {  	[sflag:s25] =	ssyncadd.s32 $0xFFFFC000  }
0x2a6: {  	_ =	swait.ge [sflag:s0], $0x4000  }
0x2a7: {  	[sflag:s0] =	ssyncset.done $0x0  }
0x2a8: {  	s22 =	simm.s32 $0x480;
	[sflag:s0] =	ssyncadd.s32 $0xFFFFC000  }
0x2a9: {  	[tilespmem:s26], [sflag:$0x2] =	stream.indirect.gather [hbm4b:s4+s23], $0x80, s22, s23, $0xb8;
	[tilespmem:$0x1F000] =	vst v63  }
0x2aa: {  	s11 =	simm.s32 $0xC00  }
0x2ab: {  	[spmem:s2] =	stream.indirect.scatter.add.f32 [tilespmem:s24], [sflag:$0x3], $0x80, s11, s23, $0xb8;
	[tilespmem:$0x1F000] =	vst v63  }
0x2ac: {  	_ =	swait.ge [sflag:s28], $0x4000  }
0x2ad: {  	[sflag:s28] =	ssyncset.done $0x0  }
0x2ae: {  	[sflag:s28] =	ssyncadd.s32 $0xFFFFC000  }
0x2af: {  	_ =	swait.ge [sflag:s29], $0x4000  }
0x2b0: {  	[sflag:s29] =	ssyncset.done $0x0  }
0x2b1: {  	[sflag:s29] =	ssyncadd.s32 $0xFFFFC000  }
0x2b2: {  	[tilespmem:s24], [sflag:$0x1] =	stream.indirect.gather [hbm4b:s4+s23], $0x80, s10, s23, $0xb8;
	[tilespmem:$0x1F000] =	vst v63  }
0x2b3: {  	_ = 	snop  }
0x2b4: {  	[spmem:s2] =	stream.indirect.scatter.add.f32 [tilespmem:s26], [sflag:$0x4], $0x80, s9, s23, $0xb8;
	[tilespmem:$0x1F000] =	vst v63  }
0x2b5: {  	_ =	swait.ge [sflag:s25], $0x4000  }
0x2b6: {  	[sflag:s25] =	ssyncset.done $0x0  }
0x2b7: {  	[sflag:s25] =	ssyncadd.s32 $0xFFFFC000  }
0x2b8: {  	_ =	swait.ge [sflag:s0], $0x4000  }
0x2b9: {  	[sflag:s0] =	ssyncset.done $0x0  }
0x2ba: {  	[sflag:s0] =	ssyncadd.s32 $0xFFFFC000  }
0x2bb: {  	[tilespmem:s26], [sflag:$0x2] =	stream.indirect.gather [hbm4b:s4+s23], $0x80, s8, s23, $0xb8;
	[tilespmem:$0x1F000] =	vst v63  }
0x2bc: {  	_ = 	snop  }
0x2bd: {  	[spmem:s2] =	stream.indirect.scatter.add.f32 [tilespmem:s24], [sflag:$0x3], $0x80, s7, s23, $0xb8;
	[tilespmem:$0x1F000] =	vst v63  }
0x2be: {  	_ =	swait.ge [sflag:s28], $0x4000  }
0x2bf: {  	[sflag:s28] =	ssyncset.done $0x0  }
0x2c0: {  	[sflag:s28] =	ssyncadd.s32 $0xFFFFC000  }
0x2c1: {  	_ =	swait.ge [sflag:s29], $0x4000  }
0x2c2: {  	[sflag:s29] =	ssyncset.done $0x0  }
0x2c3: {  	[sflag:s29] =	ssyncadd.s32 $0xFFFFC000  }
0x2c4: {  	[tilespmem:s24], [sflag:$0x1] =	stream.indirect.gather [hbm4b:s4+s23], $0x80, s6, s23, $0xb8;
	[tilespmem:$0x1F000] =	vst v63  }
0x2c5: {  	_ = 	snop  }
0x2c6: {  	[spmem:s2] =	stream.indirect.scatter.add.f32 [tilespmem:s26], [sflag:$0x4], $0x80, s12, s23, $0xb8;
	[tilespmem:$0x1F000] =	vst v63  }
0x2c7: {  	_ =	swait.ge [sflag:s25], $0x4000  }
0x2c8: {  	[sflag:s25] =	ssyncset.done $0x0  }
0x2c9: {  	[sflag:s25] =	ssyncadd.s32 $0xFFFFC000  }
0x2ca: {  	_ =	swait.ge [sflag:s0], $0x4000  }
0x2cb: {  	[sflag:s0] =	ssyncset.done $0x0  }
0x2cc: {  	s12 =	simm.s32 $0x680;
	[sflag:s0] =	ssyncadd.s32 $0xFFFFC000  }
0x2cd: {  	[tilespmem:s26], [sflag:$0x2] =	stream.indirect.gather [hbm4b:s4+s23], $0x80, s12, s23, $0xb8;
	[tilespmem:$0x1F000] =	vst v63  }
0x2ce: {  	s13 =	simm.s32 $0xE00  }
0x2cf: {  	[spmem:s2] =	stream.indirect.scatter.add.f32 [tilespmem:s24], [sflag:$0x3], $0x80, s13, s23, $0xb8;
	[tilespmem:$0x1F000] =	vst v63  }
0x2d0: {  	_ =	swait.ge [sflag:s28], $0x4000  }
0x2d1: {  	[sflag:s28] =	ssyncset.done $0x0  }
0x2d2: {  	[sflag:s28] =	ssyncadd.s32 $0xFFFFC000  }
0x2d3: {  	_ =	swait.ge [sflag:s29], $0x4000  }
0x2d4: {  	[sflag:s29] =	ssyncset.done $0x0  }
0x2d5: {  	s22 =	simm.s32 $0x700;
	[sflag:s29] =	ssyncadd.s32 $0xFFFFC000  }
0x2d6: {  	[tilespmem:s24], [sflag:$0x1] =	stream.indirect.gather [hbm4b:s4+s23], $0x80, s22, s23, $0xb8;
	[tilespmem:$0x1F000] =	vst v63  }
0x2d7: {  	s11 =	simm.s32 $0xE80  }
0x2d8: {  	[spmem:s2] =	stream.indirect.scatter.add.f32 [tilespmem:s26], [sflag:$0x4], $0x80, s11, s23, $0xb8;
	[tilespmem:$0x1F000] =	vst v63  }
0x2d9: {  	_ =	swait.ge [sflag:s25], $0x4000  }
0x2da: {  	[sflag:s25] =	ssyncset.done $0x0  }
0x2db: {  	[sflag:s25] =	ssyncadd.s32 $0xFFFFC000  }
0x2dc: {  	_ =	swait.ge [sflag:s0], $0x4000  }
0x2dd: {  	[sflag:s0] =	ssyncset.done $0x0  }
0x2de: {  	s1 =	simm.s32 $0xB80;
	s12 =	simm.s32 $0x780;
	[sflag:s0] =	ssyncadd.s32 $0xFFFFC000  }
0x2df: {  	[tilespmem:s26], [sflag:$0x2] =	stream.indirect.gather [hbm4b:s4+s23], $0x80, s12, s23, $0xb8;
	[tilespmem:$0x1F000] =	vst v63  }
0x2e0: {  	s30 =	simm.s32 $0xA00;
	s31 =	simm.s32 $0x280;
	s13 =	simm.s32 $0xF00  }
0x2e1: {  	[spmem:s2] =	stream.indirect.scatter.add.f32 [tilespmem:s24], [sflag:$0x3], $0x80, s13, s23, $0xb8;
	[tilespmem:$0x1F000] =	vst v63  }
0x2e2: {  	s20 =	simm.s32 $0x300;
	s18 =	simm.s32 $0xA80;
	_ =	swait.ge [sflag:s28], $0x4000  }
0x2e3: {  	s17 =	simm.s32 $0x380;
	s16 =	simm.s32 $0xB00;
	[sflag:s28] =	ssyncset.done $0x0  }
0x2e4: {  	s15 =	simm.s32 $0x400;
	s22 =	simm.s32 $0xF80;
	[sflag:s28] =	ssyncadd.s32 $0xFFFFC000  }
0x2e5: {  	[spmem:s2] =	stream.indirect.scatter.add.f32 [tilespmem:s26], [sflag:$0x4], $0x80, s22, s23, $0xb8;
	[tilespmem:$0x1F000] =	vst v63  }
0x2e6: {  	s14 =	simm.s32 $0x500;
	s10 =	simm.s32 $0xC80;
	_ =	swait.ge [sflag:s29], $0x4000  }
0x2e7: {  	s9 =	simm.s32 $0x580;
	s8 =	simm.s32 $0xD00;
	[sflag:s29] =	ssyncset.done $0x0  }
0x2e8: {  	s7 =	simm.s32 $0x600;
	s6 =	simm.s32 $0xD80;
	[sflag:s29] =	ssyncadd.s32 $0xFFFFC000  }
0x2e9: {  	s11 =	simm.s32 $0x100;
	s12 =	simm.s32 $0x200;
	_ =	swait.ge [sflag:s0], $0x4000  }
0x2ea: {  	s22 =	simm.s32 $0x800;
	s13 =	rddreg [dreg:$0x4];
	[sflag:s0] =	ssyncset.done $0x0  }
.LBB2_6:
0x2eb: {  	[sflag:s0] =	ssyncadd.s32 $0xFFFFC000;
	s13 =	sadd.s32 s11, s13  }
0x2ec: {  	[tilespmem:s3], [sflag:$0x5] =	stream.linear.gather [hbm4b:s13+s3], $0x800, $0x38;
	[tilespmem:$0x1F000] =	vst v63  }
0x2ed: {  	_ =	swait.ge [sflag:s21], $0x800  }
0x2ee: {  	[sflag:s21] =	ssyncset.done $0x0  }
0x2ef: {  	s13 =	sadd.s32 s11, s19;
	[sflag:s21] =	ssyncadd.s32 $0xFFFFF800  }
0x2f0: {  	[tilespmem:s22], [sflag:$0x5] =	stream.linear.gather [hbm4b:s13+s3], $0x800, $0x38;
	[tilespmem:$0x1F000] =	vst v63  }
0x2f1: {  	_ =	swait.ge [sflag:s21], $0x800  }
0x2f2: {  	[sflag:s21] =	ssyncset.done $0x0  }
0x2f3: {  	[sflag:s21] =	ssyncadd.s32 $0xFFFFF800  }
0x2f4: {  	[tilespmem:s24], [sflag:$0x1] =	stream.indirect.gather [hbm4b:s4+s23], $0x80, s3, s23, $0xb8;
	[tilespmem:$0x1F000] =	vst v63  }
0x2f5: {  	_ =	swait.ge [sflag:s25], $0x4000  }
0x2f6: {  	[sflag:s25] =	ssyncset.done $0x0  }
0x2f7: {  	[sflag:s25] =	ssyncadd.s32 $0xFFFFC000  }
0x2f8: {  	[tilespmem:s26], [sflag:$0x2] =	stream.indirect.gather [hbm4b:s4+s23], $0x80, s23, s23, $0xb8;
	[tilespmem:$0x1F000] =	vst v63  }
0x2f9: {  	_ = 	snop  }
0x2fa: {  	[spmem:s2] =	stream.indirect.scatter.add.f32 [tilespmem:s24], [sflag:$0x3], $0x80, s22, s23, $0xb8;
	[tilespmem:$0x1F000] =	vst v63  }
0x2fb: {  	_ =	swait.ge [sflag:s28], $0x4000  }
0x2fc: {  	[sflag:s28] =	ssyncset.done $0x0  }
0x2fd: {  	[sflag:s28] =	ssyncadd.s32 $0xFFFFC000  }
0x2fe: {  	_ =	swait.ge [sflag:s29], $0x4000  }
0x2ff: {  	[sflag:s29] =	ssyncset.done $0x0  }
0x300: {  	s13 =	simm.s32 $0x100;
	[sflag:s29] =	ssyncadd.s32 $0xFFFFC000  }
0x301: {  	[tilespmem:s24], [sflag:$0x1] =	stream.indirect.gather [hbm4b:s4+s23], $0x80, s13, s23, $0xb8;
	[tilespmem:$0x1F000] =	vst v63  }
0x302: {  	s13 =	simm.s32 $0x880  }
0x303: {  	[spmem:s2] =	stream.indirect.scatter.add.f32 [tilespmem:s26], [sflag:$0x4], $0x80, s13, s23, $0xb8;
	[tilespmem:$0x1F000] =	vst v63  }
0x304: {  	_ =	swait.ge [sflag:s25], $0x4000  }
0x305: {  	[sflag:s25] =	ssyncset.done $0x0  }
0x306: {  	[sflag:s25] =	ssyncadd.s32 $0xFFFFC000  }
0x307: {  	_ =	swait.ge [sflag:s0], $0x4000  }
0x308: {  	[sflag:s0] =	ssyncset.done $0x0  }
0x309: {  	s13 =	simm.s32 $0x180;
	[sflag:s0] =	ssyncadd.s32 $0xFFFFC000  }
0x30a: {  	[tilespmem:s26], [sflag:$0x2] =	stream.indirect.gather [hbm4b:s4+s23], $0x80, s13, s23, $0xb8;
	[tilespmem:$0x1F000] =	vst v63  }
0x30b: {  	s13 =	simm.s32 $0x900  }
0x30c: {  	[spmem:s2] =	stream.indirect.scatter.add.f32 [tilespmem:s24], [sflag:$0x3], $0x80, s13, s23, $0xb8;
	[tilespmem:$0x1F000] =	vst v63  }
0x30d: {  	_ =	swait.ge [sflag:s28], $0x4000  }
0x30e: {  	[sflag:s28] =	ssyncset.done $0x0  }
0x30f: {  	[sflag:s28] =	ssyncadd.s32 $0xFFFFC000  }
0x310: {  	_ =	swait.ge [sflag:s29], $0x4000  }
0x311: {  	[sflag:s29] =	ssyncset.done $0x0  }
0x312: {  	s13 =	simm.s32 $0x200;
	[sflag:s29] =	ssyncadd.s32 $0xFFFFC000  }
0x313: {  	[tilespmem:s24], [sflag:$0x1] =	stream.indirect.gather [hbm4b:s4+s23], $0x80, s13, s23, $0xb8;
	[tilespmem:$0x1F000] =	vst v63  }
0x314: {  	s13 =	simm.s32 $0x980  }
0x315: {  	[spmem:s2] =	stream.indirect.scatter.add.f32 [tilespmem:s26], [sflag:$0x4], $0x80, s13, s23, $0xb8;
	[tilespmem:$0x1F000] =	vst v63  }
0x316: {  	_ =	swait.ge [sflag:s25], $0x4000  }
0x317: {  	[sflag:s25] =	ssyncset.done $0x0  }
0x318: {  	[sflag:s25] =	ssyncadd.s32 $0xFFFFC000  }
0x319: {  	_ =	swait.ge [sflag:s0], $0x4000  }
0x31a: {  	[sflag:s0] =	ssyncset.done $0x0  }
0x31b: {  	[sflag:s0] =	ssyncadd.s32 $0xFFFFC000  }
0x31c: {  	[tilespmem:s26], [sflag:$0x2] =	stream.indirect.gather [hbm4b:s4+s23], $0x80, s31, s23, $0xb8;
	[tilespmem:$0x1F000] =	vst v63  }
0x31d: {  	_ = 	snop  }
0x31e: {  	[spmem:s2] =	stream.indirect.scatter.add.f32 [tilespmem:s24], [sflag:$0x3], $0x80, s30, s23, $0xb8;
	[tilespmem:$0x1F000] =	vst v63  }
0x31f: {  	_ =	swait.ge [sflag:s28], $0x4000  }
0x320: {  	[sflag:s28] =	ssyncset.done $0x0  }
0x321: {  	[sflag:s28] =	ssyncadd.s32 $0xFFFFC000  }
0x322: {  	_ =	swait.ge [sflag:s29], $0x4000  }
0x323: {  	[sflag:s29] =	ssyncset.done $0x0  }
0x324: {  	[sflag:s29] =	ssyncadd.s32 $0xFFFFC000  }
0x325: {  	[tilespmem:s24], [sflag:$0x1] =	stream.indirect.gather [hbm4b:s4+s23], $0x80, s20, s23, $0xb8;
	[tilespmem:$0x1F000] =	vst v63  }
0x326: {  	_ = 	snop  }
0x327: {  	[spmem:s2] =	stream.indirect.scatter.add.f32 [tilespmem:s26], [sflag:$0x4], $0x80, s18, s23, $0xb8;
	[tilespmem:$0x1F000] =	vst v63  }
0x328: {  	_ =	swait.ge [sflag:s25], $0x4000  }
0x329: {  	[sflag:s25] =	ssyncset.done $0x0  }
0x32a: {  	[sflag:s25] =	ssyncadd.s32 $0xFFFFC000  }
0x32b: {  	_ =	swait.ge [sflag:s0], $0x4000  }
0x32c: {  	[sflag:s0] =	ssyncset.done $0x0  }
0x32d: {  	[sflag:s0] =	ssyncadd.s32 $0xFFFFC000  }
0x32e: {  	[tilespmem:s26], [sflag:$0x2] =	stream.indirect.gather [hbm4b:s4+s23], $0x80, s17, s23, $0xb8;
	[tilespmem:$0x1F000] =	vst v63  }
0x32f: {  	_ = 	snop  }
0x330: {  	[spmem:s2] =	stream.indirect.scatter.add.f32 [tilespmem:s24], [sflag:$0x3], $0x80, s16, s23, $0xb8;
	[tilespmem:$0x1F000] =	vst v63  }
0x331: {  	_ =	swait.ge [sflag:s28], $0x4000  }
0x332: {  	[sflag:s28] =	ssyncset.done $0x0  }
0x333: {  	[sflag:s28] =	ssyncadd.s32 $0xFFFFC000  }
0x334: {  	_ =	swait.ge [sflag:s29], $0x4000  }
0x335: {  	[sflag:s29] =	ssyncset.done $0x0  }
0x336: {  	[sflag:s29] =	ssyncadd.s32 $0xFFFFC000  }
0x337: {  	[tilespmem:s24], [sflag:$0x1] =	stream.indirect.gather [hbm4b:s4+s23], $0x80, s15, s23, $0xb8;
	[tilespmem:$0x1F000] =	vst v63  }
0x338: {  	_ = 	snop  }
0x339: {  	[spmem:s2] =	stream.indirect.scatter.add.f32 [tilespmem:s26], [sflag:$0x4], $0x80, s1, s23, $0xb8;
	[tilespmem:$0x1F000] =	vst v63  }
0x33a: {  	_ =	swait.ge [sflag:s25], $0x4000  }
0x33b: {  	[sflag:s25] =	ssyncset.done $0x0  }
0x33c: {  	[sflag:s25] =	ssyncadd.s32 $0xFFFFC000  }
0x33d: {  	_ =	swait.ge [sflag:s0], $0x4000  }
0x33e: {  	[sflag:s0] =	ssyncset.done $0x0  }
0x33f: {  	s13 =	simm.s32 $0x480;
	[sflag:s0] =	ssyncadd.s32 $0xFFFFC000  }
0x340: {  	[tilespmem:s26], [sflag:$0x2] =	stream.indirect.gather [hbm4b:s4+s23], $0x80, s13, s23, $0xb8;
	[tilespmem:$0x1F000] =	vst v63  }
0x341: {  	s13 =	simm.s32 $0xC00  }
0x342: {  	[spmem:s2] =	stream.indirect.scatter.add.f32 [tilespmem:s24], [sflag:$0x3], $0x80, s13, s23, $0xb8;
	[tilespmem:$0x1F000] =	vst v63  }
0x343: {  	_ =	swait.ge [sflag:s28], $0x4000  }
0x344: {  	[sflag:s28] =	ssyncset.done $0x0  }
0x345: {  	[sflag:s28] =	ssyncadd.s32 $0xFFFFC000  }
0x346: {  	_ =	swait.ge [sflag:s29], $0x4000  }
0x347: {  	[sflag:s29] =	ssyncset.done $0x0  }
0x348: {  	[sflag:s29] =	ssyncadd.s32 $0xFFFFC000  }
0x349: {  	[tilespmem:s24], [sflag:$0x1] =	stream.indirect.gather [hbm4b:s4+s23], $0x80, s14, s23, $0xb8;
	[tilespmem:$0x1F000] =	vst v63  }
0x34a: {  	_ = 	snop  }
0x34b: {  	[spmem:s2] =	stream.indirect.scatter.add.f32 [tilespmem:s26], [sflag:$0x4], $0x80, s10, s23, $0xb8;
	[tilespmem:$0x1F000] =	vst v63  }
0x34c: {  	_ =	swait.ge [sflag:s25], $0x4000  }
0x34d: {  	[sflag:s25] =	ssyncset.done $0x0  }
0x34e: {  	[sflag:s25] =	ssyncadd.s32 $0xFFFFC000  }
0x34f: {  	_ =	swait.ge [sflag:s0], $0x4000  }
0x350: {  	[sflag:s0] =	ssyncset.done $0x0  }
0x351: {  	[sflag:s0] =	ssyncadd.s32 $0xFFFFC000  }
0x352: {  	[tilespmem:s26], [sflag:$0x2] =	stream.indirect.gather [hbm4b:s4+s23], $0x80, s9, s23, $0xb8;
	[tilespmem:$0x1F000] =	vst v63  }
0x353: {  	_ = 	snop  }
0x354: {  	[spmem:s2] =	stream.indirect.scatter.add.f32 [tilespmem:s24], [sflag:$0x3], $0x80, s8, s23, $0xb8;
	[tilespmem:$0x1F000] =	vst v63  }
0x355: {  	_ =	swait.ge [sflag:s28], $0x4000  }
0x356: {  	[sflag:s28] =	ssyncset.done $0x0  }
0x357: {  	[sflag:s28] =	ssyncadd.s32 $0xFFFFC000  }
0x358: {  	_ =	swait.ge [sflag:s29], $0x4000  }
0x359: {  	[sflag:s29] =	ssyncset.done $0x0  }
0x35a: {  	[sflag:s29] =	ssyncadd.s32 $0xFFFFC000  }
0x35b: {  	[tilespmem:s24], [sflag:$0x1] =	stream.indirect.gather [hbm4b:s4+s23], $0x80, s7, s23, $0xb8;
	[tilespmem:$0x1F000] =	vst v63  }
0x35c: {  	_ = 	snop  }
0x35d: {  	[spmem:s2] =	stream.indirect.scatter.add.f32 [tilespmem:s26], [sflag:$0x4], $0x80, s6, s23, $0xb8;
	[tilespmem:$0x1F000] =	vst v63  }
0x35e: {  	_ =	swait.ge [sflag:s25], $0x4000  }
0x35f: {  	[sflag:s25] =	ssyncset.done $0x0  }
0x360: {  	[sflag:s25] =	ssyncadd.s32 $0xFFFFC000  }
0x361: {  	_ =	swait.ge [sflag:s0], $0x4000  }
0x362: {  	[sflag:s0] =	ssyncset.done $0x0  }
0x363: {  	s13 =	simm.s32 $0x680;
	[sflag:s0] =	ssyncadd.s32 $0xFFFFC000  }
0x364: {  	[tilespmem:s26], [sflag:$0x2] =	stream.indirect.gather [hbm4b:s4+s23], $0x80, s13, s23, $0xb8;
	[tilespmem:$0x1F000] =	vst v63  }
0x365: {  	s13 =	simm.s32 $0xE00  }
0x366: {  	[spmem:s2] =	stream.indirect.scatter.add.f32 [tilespmem:s24], [sflag:$0x3], $0x80, s13, s23, $0xb8;
	[tilespmem:$0x1F000] =	vst v63  }
0x367: {  	_ =	swait.ge [sflag:s28], $0x4000  }
0x368: {  	[sflag:s28] =	ssyncset.done $0x0  }
0x369: {  	[sflag:s28] =	ssyncadd.s32 $0xFFFFC000  }
0x36a: {  	_ =	swait.ge [sflag:s29], $0x4000  }
0x36b: {  	[sflag:s29] =	ssyncset.done $0x0  }
0x36c: {  	s13 =	simm.s32 $0x700;
	[sflag:s29] =	ssyncadd.s32 $0xFFFFC000  }
0x36d: {  	[tilespmem:s24], [sflag:$0x1] =	stream.indirect.gather [hbm4b:s4+s23], $0x80, s13, s23, $0xb8;
	[tilespmem:$0x1F000] =	vst v63  }
0x36e: {  	s13 =	simm.s32 $0xE80  }
0x36f: {  	[spmem:s2] =	stream.indirect.scatter.add.f32 [tilespmem:s26], [sflag:$0x4], $0x80, s13, s23, $0xb8;
	[tilespmem:$0x1F000] =	vst v63  }
0x370: {  	_ =	swait.ge [sflag:s25], $0x4000  }
0x371: {  	[sflag:s25] =	ssyncset.done $0x0  }
0x372: {  	[sflag:s25] =	ssyncadd.s32 $0xFFFFC000  }
0x373: {  	_ =	swait.ge [sflag:s0], $0x4000  }
0x374: {  	[sflag:s0] =	ssyncset.done $0x0  }
0x375: {  	s13 =	simm.s32 $0x780;
	[sflag:s0] =	ssyncadd.s32 $0xFFFFC000  }
0x376: {  	[tilespmem:s26], [sflag:$0x2] =	stream.indirect.gather [hbm4b:s4+s23], $0x80, s13, s23, $0xb8;
	[tilespmem:$0x1F000] =	vst v63  }
0x377: {  	s13 =	simm.s32 $0xF00  }
0x378: {  	[spmem:s2] =	stream.indirect.scatter.add.f32 [tilespmem:s24], [sflag:$0x3], $0x80, s13, s23, $0xb8;
	[tilespmem:$0x1F000] =	vst v63  }
0x379: {  	_ =	swait.ge [sflag:s28], $0x4000  }
0x37a: {  	[sflag:s28] =	ssyncset.done $0x0  }
0x37b: {  	p0 =	sne.s32 s12, $0x900;
	s13 =	simm.s32 $0xF80;
	[sflag:s28] =	ssyncadd.s32 $0xFFFFC000  }
0x37c: {  	[spmem:s2] =	stream.indirect.scatter.add.f32 [tilespmem:s26], [sflag:$0x4], $0x80, s13, s23, $0xb8;
	[tilespmem:$0x1F000] =	vst v63  }
.Ltmp2:
0x37d: {  	_ =	swait.ge [sflag:s29], $0x4000;
	(pc) =	sbr.rel @p0 .LBB2_6-.Ltmp2, $4  }
0x37e: {  	[sflag:s29] =	ssyncset.done $0x0  }
0x37f: {  	[sflag:s29] =	ssyncadd.s32 $0xFFFFC000  }
0x380: {  	s5 =	smov.u32 s12;
	s12 =	sadd.s32 $0x100, s12;
	_ =	swait.ge [sflag:s0], $0x4000  }
0x381: {  	s11 =	smov.u32 s5;
	s13 =	rddreg [dreg:$0x4];
	[sflag:s0] =	ssyncset.done $0x0  }
0x382: {  	[sflag:s0] =	ssyncadd.s32 $0xFFFFC000;
	s5 =	sadd.s32 s11, s13  }
0x383: {  	[tilespmem:s3], [sflag:$0x5] =	stream.linear.gather [hbm4b:s5+s3], $0x800, $0x38;
	[tilespmem:$0x1F000] =	vst v63  }
0x384: {  	_ =	swait.ge [sflag:s21], $0x800  }
0x385: {  	[sflag:s21] =	ssyncset.done $0x0  }
0x386: {  	s13 =	sadd.s32 s11, s19;
	[sflag:s21] =	ssyncadd.s32 $0xFFFFF800  }
0x387: {  	[tilespmem:s22], [sflag:$0x5] =	stream.linear.gather [hbm4b:s13+s3], $0x800, $0x38;
	[tilespmem:$0x1F000] =	vst v63  }
0x388: {  	_ =	swait.ge [sflag:s21], $0x800  }
0x389: {  	[sflag:s21] =	ssyncset.done $0x0  }
0x38a: {  	[sflag:s21] =	ssyncadd.s32 $0xFFFFF800  }
0x38b: {  	[tilespmem:s24], [sflag:$0x1] =	stream.indirect.gather [hbm4b:s4+s23], $0x80, s3, s23, $0xb8;
	[tilespmem:$0x1F000] =	vst v63  }
0x38c: {  	_ =	swait.ge [sflag:s25], $0x4000  }
0x38d: {  	[sflag:s25] =	ssyncset.done $0x0  }
0x38e: {  	[sflag:s25] =	ssyncadd.s32 $0xFFFFC000  }
0x38f: {  	[tilespmem:s26], [sflag:$0x2] =	stream.indirect.gather [hbm4b:s4+s23], $0x80, s23, s23, $0xb8;
	[tilespmem:$0x1F000] =	vst v63  }
0x390: {  	_ = 	snop  }
0x391: {  	[spmem:s2] =	stream.indirect.scatter.add.f32 [tilespmem:s24], [sflag:$0x3], $0x80, s22, s23, $0xb8;
	[tilespmem:$0x1F000] =	vst v63  }
0x392: {  	_ =	swait.ge [sflag:s28], $0x4000  }
0x393: {  	[sflag:s28] =	ssyncset.done $0x0  }
0x394: {  	[sflag:s28] =	ssyncadd.s32 $0xFFFFC000  }
0x395: {  	_ =	swait.ge [sflag:s29], $0x4000  }
0x396: {  	[sflag:s29] =	ssyncset.done $0x0  }
0x397: {  	s11 =	simm.s32 $0x100;
	[sflag:s29] =	ssyncadd.s32 $0xFFFFC000  }
0x398: {  	[tilespmem:s24], [sflag:$0x1] =	stream.indirect.gather [hbm4b:s4+s23], $0x80, s11, s23, $0xb8;
	[tilespmem:$0x1F000] =	vst v63  }
0x399: {  	s12 =	simm.s32 $0x880  }
0x39a: {  	[spmem:s2] =	stream.indirect.scatter.add.f32 [tilespmem:s26], [sflag:$0x4], $0x80, s12, s23, $0xb8;
	[tilespmem:$0x1F000] =	vst v63  }
0x39b: {  	_ =	swait.ge [sflag:s25], $0x4000  }
0x39c: {  	[sflag:s25] =	ssyncset.done $0x0  }
0x39d: {  	[sflag:s25] =	ssyncadd.s32 $0xFFFFC000  }
0x39e: {  	_ =	swait.ge [sflag:s0], $0x4000  }
0x39f: {  	[sflag:s0] =	ssyncset.done $0x0  }
0x3a0: {  	s13 =	simm.s32 $0x180;
	[sflag:s0] =	ssyncadd.s32 $0xFFFFC000  }
0x3a1: {  	[tilespmem:s26], [sflag:$0x2] =	stream.indirect.gather [hbm4b:s4+s23], $0x80, s13, s23, $0xb8;
	[tilespmem:$0x1F000] =	vst v63  }
0x3a2: {  	s11 =	simm.s32 $0x900  }
0x3a3: {  	[spmem:s2] =	stream.indirect.scatter.add.f32 [tilespmem:s24], [sflag:$0x3], $0x80, s11, s23, $0xb8;
	[tilespmem:$0x1F000] =	vst v63  }
0x3a4: {  	_ =	swait.ge [sflag:s28], $0x4000  }
0x3a5: {  	[sflag:s28] =	ssyncset.done $0x0  }
0x3a6: {  	[sflag:s28] =	ssyncadd.s32 $0xFFFFC000  }
0x3a7: {  	_ =	swait.ge [sflag:s29], $0x4000  }
0x3a8: {  	[sflag:s29] =	ssyncset.done $0x0  }
0x3a9: {  	s12 =	simm.s32 $0x200;
	[sflag:s29] =	ssyncadd.s32 $0xFFFFC000  }
0x3aa: {  	[tilespmem:s24], [sflag:$0x1] =	stream.indirect.gather [hbm4b:s4+s23], $0x80, s12, s23, $0xb8;
	[tilespmem:$0x1F000] =	vst v63  }
0x3ab: {  	s13 =	simm.s32 $0x980  }
0x3ac: {  	[spmem:s2] =	stream.indirect.scatter.add.f32 [tilespmem:s26], [sflag:$0x4], $0x80, s13, s23, $0xb8;
	[tilespmem:$0x1F000] =	vst v63  }
0x3ad: {  	_ =	swait.ge [sflag:s25], $0x4000  }
0x3ae: {  	[sflag:s25] =	ssyncset.done $0x0  }
0x3af: {  	[sflag:s25] =	ssyncadd.s32 $0xFFFFC000  }
0x3b0: {  	_ =	swait.ge [sflag:s0], $0x4000  }
0x3b1: {  	[sflag:s0] =	ssyncset.done $0x0  }
0x3b2: {  	[sflag:s0] =	ssyncadd.s32 $0xFFFFC000  }
0x3b3: {  	[tilespmem:s26], [sflag:$0x2] =	stream.indirect.gather [hbm4b:s4+s23], $0x80, s31, s23, $0xb8;
	[tilespmem:$0x1F000] =	vst v63  }
0x3b4: {  	_ = 	snop  }
0x3b5: {  	[spmem:s2] =	stream.indirect.scatter.add.f32 [tilespmem:s24], [sflag:$0x3], $0x80, s30, s23, $0xb8;
	[tilespmem:$0x1F000] =	vst v63  }
0x3b6: {  	_ =	swait.ge [sflag:s28], $0x4000  }
0x3b7: {  	[sflag:s28] =	ssyncset.done $0x0  }
0x3b8: {  	[sflag:s28] =	ssyncadd.s32 $0xFFFFC000  }
0x3b9: {  	_ =	swait.ge [sflag:s29], $0x4000  }
0x3ba: {  	[sflag:s29] =	ssyncset.done $0x0  }
0x3bb: {  	[sflag:s29] =	ssyncadd.s32 $0xFFFFC000  }
0x3bc: {  	[tilespmem:s24], [sflag:$0x1] =	stream.indirect.gather [hbm4b:s4+s23], $0x80, s20, s23, $0xb8;
	[tilespmem:$0x1F000] =	vst v63  }
0x3bd: {  	_ = 	snop  }
0x3be: {  	[spmem:s2] =	stream.indirect.scatter.add.f32 [tilespmem:s26], [sflag:$0x4], $0x80, s18, s23, $0xb8;
	[tilespmem:$0x1F000] =	vst v63  }
0x3bf: {  	_ =	swait.ge [sflag:s25], $0x4000  }
0x3c0: {  	[sflag:s25] =	ssyncset.done $0x0  }
0x3c1: {  	[sflag:s25] =	ssyncadd.s32 $0xFFFFC000  }
0x3c2: {  	_ =	swait.ge [sflag:s0], $0x4000  }
0x3c3: {  	[sflag:s0] =	ssyncset.done $0x0  }
0x3c4: {  	[sflag:s0] =	ssyncadd.s32 $0xFFFFC000  }
0x3c5: {  	[tilespmem:s26], [sflag:$0x2] =	stream.indirect.gather [hbm4b:s4+s23], $0x80, s17, s23, $0xb8;
	[tilespmem:$0x1F000] =	vst v63  }
0x3c6: {  	_ = 	snop  }
0x3c7: {  	[spmem:s2] =	stream.indirect.scatter.add.f32 [tilespmem:s24], [sflag:$0x3], $0x80, s16, s23, $0xb8;
	[tilespmem:$0x1F000] =	vst v63  }
0x3c8: {  	_ =	swait.ge [sflag:s28], $0x4000  }
0x3c9: {  	[sflag:s28] =	ssyncset.done $0x0  }
0x3ca: {  	[sflag:s28] =	ssyncadd.s32 $0xFFFFC000  }
0x3cb: {  	_ =	swait.ge [sflag:s29], $0x4000  }
0x3cc: {  	[sflag:s29] =	ssyncset.done $0x0  }
0x3cd: {  	[sflag:s29] =	ssyncadd.s32 $0xFFFFC000  }
0x3ce: {  	[tilespmem:s24], [sflag:$0x1] =	stream.indirect.gather [hbm4b:s4+s23], $0x80, s15, s23, $0xb8;
	[tilespmem:$0x1F000] =	vst v63  }
0x3cf: {  	_ = 	snop  }
0x3d0: {  	[spmem:s2] =	stream.indirect.scatter.add.f32 [tilespmem:s26], [sflag:$0x4], $0x80, s1, s23, $0xb8;
	[tilespmem:$0x1F000] =	vst v63  }
0x3d1: {  	_ =	swait.ge [sflag:s25], $0x4000  }
0x3d2: {  	[sflag:s25] =	ssyncset.done $0x0  }
0x3d3: {  	[sflag:s25] =	ssyncadd.s32 $0xFFFFC000  }
0x3d4: {  	_ =	swait.ge [sflag:s0], $0x4000  }
0x3d5: {  	[sflag:s0] =	ssyncset.done $0x0  }
0x3d6: {  	s20 =	simm.s32 $0x480;
	[sflag:s0] =	ssyncadd.s32 $0xFFFFC000  }
0x3d7: {  	[tilespmem:s26], [sflag:$0x2] =	stream.indirect.gather [hbm4b:s4+s23], $0x80, s20, s23, $0xb8;
	[tilespmem:$0x1F000] =	vst v63  }
0x3d8: {  	s5 =	simm.s32 $0xC00  }
0x3d9: {  	[spmem:s2] =	stream.indirect.scatter.add.f32 [tilespmem:s24], [sflag:$0x3], $0x80, s5, s23, $0xb8;
	[tilespmem:$0x1F000] =	vst v63  }
0x3da: {  	_ =	swait.ge [sflag:s28], $0x4000  }
0x3db: {  	[sflag:s28] =	ssyncset.done $0x0  }
0x3dc: {  	[sflag:s28] =	ssyncadd.s32 $0xFFFFC000  }
0x3dd: {  	_ =	swait.ge [sflag:s29], $0x4000  }
0x3de: {  	[sflag:s29] =	ssyncset.done $0x0  }
0x3df: {  	[sflag:s29] =	ssyncadd.s32 $0xFFFFC000  }
0x3e0: {  	[tilespmem:s24], [sflag:$0x1] =	stream.indirect.gather [hbm4b:s4+s23], $0x80, s14, s23, $0xb8;
	[tilespmem:$0x1F000] =	vst v63  }
0x3e1: {  	_ = 	snop  }
0x3e2: {  	[spmem:s2] =	stream.indirect.scatter.add.f32 [tilespmem:s26], [sflag:$0x4], $0x80, s10, s23, $0xb8;
	[tilespmem:$0x1F000] =	vst v63  }
0x3e3: {  	_ =	swait.ge [sflag:s25], $0x4000  }
0x3e4: {  	[sflag:s25] =	ssyncset.done $0x0  }
0x3e5: {  	[sflag:s25] =	ssyncadd.s32 $0xFFFFC000  }
0x3e6: {  	_ =	swait.ge [sflag:s0], $0x4000  }
0x3e7: {  	[sflag:s0] =	ssyncset.done $0x0  }
0x3e8: {  	[sflag:s0] =	ssyncadd.s32 $0xFFFFC000  }
0x3e9: {  	[tilespmem:s26], [sflag:$0x2] =	stream.indirect.gather [hbm4b:s4+s23], $0x80, s9, s23, $0xb8;
	[tilespmem:$0x1F000] =	vst v63  }
0x3ea: {  	_ = 	snop  }
0x3eb: {  	[spmem:s2] =	stream.indirect.scatter.add.f32 [tilespmem:s24], [sflag:$0x3], $0x80, s8, s23, $0xb8;
	[tilespmem:$0x1F000] =	vst v63  }
0x3ec: {  	_ =	swait.ge [sflag:s28], $0x4000  }
0x3ed: {  	[sflag:s28] =	ssyncset.done $0x0  }
0x3ee: {  	[sflag:s28] =	ssyncadd.s32 $0xFFFFC000  }
0x3ef: {  	_ =	swait.ge [sflag:s29], $0x4000  }
0x3f0: {  	[sflag:s29] =	ssyncset.done $0x0  }
0x3f1: {  	[sflag:s29] =	ssyncadd.s32 $0xFFFFC000  }
0x3f2: {  	[tilespmem:s24], [sflag:$0x1] =	stream.indirect.gather [hbm4b:s4+s23], $0x80, s7, s23, $0xb8;
	[tilespmem:$0x1F000] =	vst v63  }
0x3f3: {  	_ = 	snop  }
0x3f4: {  	[spmem:s2] =	stream.indirect.scatter.add.f32 [tilespmem:s26], [sflag:$0x4], $0x80, s6, s23, $0xb8;
	[tilespmem:$0x1F000] =	vst v63  }
0x3f5: {  	_ =	swait.ge [sflag:s25], $0x4000  }
0x3f6: {  	[sflag:s25] =	ssyncset.done $0x0  }
0x3f7: {  	[sflag:s25] =	ssyncadd.s32 $0xFFFFC000  }
0x3f8: {  	_ =	swait.ge [sflag:s0], $0x4000  }
0x3f9: {  	[sflag:s0] =	ssyncset.done $0x0  }
0x3fa: {  	s8 =	simm.s32 $0x680;
	[sflag:s0] =	ssyncadd.s32 $0xFFFFC000  }
0x3fb: {  	[tilespmem:s26], [sflag:$0x2] =	stream.indirect.gather [hbm4b:s4+s23], $0x80, s8, s23, $0xb8;
	[tilespmem:$0x1F000] =	vst v63  }
0x3fc: {  	s9 =	simm.s32 $0xE00  }
0x3fd: {  	[spmem:s2] =	stream.indirect.scatter.add.f32 [tilespmem:s24], [sflag:$0x3], $0x80, s9, s23, $0xb8;
	[tilespmem:$0x1F000] =	vst v63  }
0x3fe: {  	_ =	swait.ge [sflag:s28], $0x4000  }
0x3ff: {  	[sflag:s28] =	ssyncset.done $0x0  }
0x400: {  	[sflag:s28] =	ssyncadd.s32 $0xFFFFC000  }
0x401: {  	_ =	swait.ge [sflag:s29], $0x4000  }
0x402: {  	[sflag:s29] =	ssyncset.done $0x0  }
0x403: {  	s10 =	simm.s32 $0x700;
	[sflag:s29] =	ssyncadd.s32 $0xFFFFC000  }
0x404: {  	[tilespmem:s24], [sflag:$0x1] =	stream.indirect.gather [hbm4b:s4+s23], $0x80, s10, s23, $0xb8;
	[tilespmem:$0x1F000] =	vst v63  }
0x405: {  	s11 =	simm.s32 $0xE80  }
0x406: {  	[spmem:s2] =	stream.indirect.scatter.add.f32 [tilespmem:s26], [sflag:$0x4], $0x80, s11, s23, $0xb8;
	[tilespmem:$0x1F000] =	vst v63  }
0x407: {  	_ =	swait.ge [sflag:s25], $0x4000  }
0x408: {  	[sflag:s25] =	ssyncset.done $0x0  }
0x409: {  	[sflag:s25] =	ssyncadd.s32 $0xFFFFC000  }
0x40a: {  	_ =	swait.ge [sflag:s0], $0x4000  }
0x40b: {  	[sflag:s0] =	ssyncset.done $0x0  }
0x40c: {  	s12 =	simm.s32 $0x780;
	[sflag:s0] =	ssyncadd.s32 $0xFFFFC000  }
0x40d: {  	[tilespmem:s26], [sflag:$0x2] =	stream.indirect.gather [hbm4b:s4+s23], $0x80, s12, s23, $0xb8;
	[tilespmem:$0x1F000] =	vst v63  }
0x40e: {  	s13 =	simm.s32 $0xF00  }
0x40f: {  	[spmem:s2] =	stream.indirect.scatter.add.f32 [tilespmem:s24], [sflag:$0x3], $0x80, s13, s23, $0xb8;
	[tilespmem:$0x1F000] =	vst v63  }
0x410: {  	_ =	swait.ge [sflag:s28], $0x4000  }
0x411: {  	[sflag:s28] =	ssyncset.done $0x0  }
0x412: {  	s14 =	simm.s32 $0xF80;
	[sflag:s28] =	ssyncadd.s32 $0xFFFFC000  }
0x413: {  	[spmem:s2] =	stream.indirect.scatter.add.f32 [tilespmem:s26], [sflag:$0x4], $0x80, s14, s23, $0xb8;
	[tilespmem:$0x1F000] =	vst v63  }
0x414: {  	_ =	swait.ge [sflag:s29], $0x4000  }
0x415: {  	[sflag:s29] =	ssyncset.done $0x0  }
0x416: {  	[sflag:s29] =	ssyncadd.s32 $0xFFFFC000  }
0x417: {  	_ =	swait.ge [sflag:s0], $0x4000  }
0x418: {  	[sflag:s0] =	ssyncset.done $0x0  }
0x419: {  	[sflag:s0] =	ssyncadd.s32 $0xFFFFC000  }
0x41a: {  	[bflag:$0x0] =	sbarrier.arrive $0xFFFF  }
0x41b: {  	s15 =	rddreg [dreg:$0x11]  }
0x41c: {  	s16 =	rddreg [dreg:$0x14]  }
0x41d: {  	s17 =	rddreg [dreg:$0x15]  }
0x41e: {  	[hbm:s15], [sflag:s16] =	dma.local [spmem:s17], $0x2800  }
0x41f: {  	_ =	swait.ge [sflag:s21], $0x2800  }
0x420: {  	s31 =	simm.s32 $0xB80;
	s18 =	rddreg [dreg:$0x13]  }
0x421: {  	s30 =	simm.s32 $0x900;
	s20 =	rddreg [dreg:$0x12];
	s11 =	sadd.s32 $0x1, s18  }
0x422: {  	s1 =	simm.s32 $0x200;
	s7 =	simm.s32 $0xA80;
	p0 =	sne.s32 s11, s20  }
.Ltmp3:
0x423: {  	s6 =	simm.s32 $0x300;
	s8 =	simm.s32 $0x380;
	(pc) =	sbr.rel @p0 .LBB2_1-.Ltmp3, $4  }
0x424: {  	s9 =	simm.s32 $0xB00;
	s10 =	simm.s32 $0x400;
	[sflag:s21] =	ssyncset.done $0x0  }
0x425: {  	s13 =	simm.s32 $0x100;
	s14 =	simm.s32 $0xC00;
	[sflag:s21] =	ssyncadd.s32 $0xFFFFD800  }
0x426: {  	s16 =	simm.s32 $0x880;
	s15 =	simm.s32 $0x980;
	[bflag:$0x0] =	sbarrier.arrive $0xFFFF  }
0x427: {  	s17 =	simm.s32 $0x280;
	s18 =	simm.s32 $0xA00;
	s20 =	simm.s32 $0x180  }
0x428: {  	_ =	sfence.sel $0x180000  }
0x429: {  	[bflag:$0x0] =	sbarrier.arrive $0xFFFF  }
0x42a: {  	_ =	strace $0x90000047  }
0x42b: {  	s0 =	stileid.u32;
	[bflag:$0x2] =	sbarrier.arrive $0xFFFF  }
0x42c: {  	p0 =	sne.s32 s0, $0x0;
	s0 =	rddreg [dreg:$0x3]  }
0x42d: {  	s0 =	sadd.s32 @!p0 $0x100000, s0  }
0x42e: {  	[sflag:s0] =	ssyncadd.tile.s32 @!p0 $0x1;
	_ =	shalt  }
.Lfunc_end2:
_tile_overlayer_lowered:
.L_overlay_start_2:
0x42f: {  	(tag) =	ssettag $0x2  }
0x430: {  	s0 =	rddreg [dreg:$0x0];
	s2 =	stileid.u32  }
0x431: {  	s1 =	rddreg [dreg:$0x1];
	p0 =	sne.s32 s2, $0x0  }
0x432: {  	s3 =	rddreg [dreg:$0x2];
	[bflag:$0x3] =	sbarrier.arrive $0xFFFF;
	s2 =	simm.s32 @!p0 $0x1C05  }
0x433: {  	[timem:s3], [sflag:s2] =	dma.local @!p0 [hbm:s0], s1  }
0x434: {  	s0 =	simm.s32 @!p0 $0x5  }
0x435: {  	_ =	swait.ge @!p0 [sflag:s0], s1  }
0x436: {  	s1 =	ssub.s32 @!p0 $0x0, s1;
	[sflag:s0] =	ssyncset.done @!p0 $0x0  }
0x437: {  	[sflag:s0] =	ssyncadd.s32 @!p0 s1  }
0x438: {  	[bflag:$0x3] =	sbarrier.arrive $0xFFFF  }
0x439: {  	_ =	shalt  }

</sc_bundles>
